<compile_context>
chip_gen: v7x
topology: tpu7x:2x2x1
jax: 0.10.2.dev20260603
libtpu: 0.0.44.dev20260713+nightly
codegen_flags: <defaults>
</compile_context>

<pallas_src>
import functools

import jax
import jax.numpy as jnp
from jax import lax
from jax.experimental import pallas as pl
from jax.experimental.pallas import tpu as pltpu
from jax.experimental.pallas import tpu_sc as plsc

L = 200
D = 64
LANES = 16
BT = 128
TPAD = 129
NBUF = 4


def _pe_table():
    position = jnp.arange(L, dtype=jnp.float32)[:, None]
    div_term = jnp.exp(
        jnp.arange(0, D, 2, dtype=jnp.float32) * (-jnp.log(10000.0) / D)
    )
    pe = jnp.zeros((L, D), dtype=jnp.float32)
    pe = pe.at[:, 0::2].set(jnp.sin(position * div_term))
    pe = pe.at[:, 1::2].set(jnp.cos(position * div_term))
    return pe


@functools.partial(jax.jit, static_argnames=("batch", "vocab"))
def _run(xq, table, pe, *, batch, vocab):
    info = plsc.get_sparse_core_info()
    nc, ns = info.num_cores, info.num_subcores
    nw = nc * ns
    nbt = batch // BT
    n_blocks = L * nbt
    blocks_per_w = n_blocks // nw

    mesh = plsc.VectorSubcoreMesh(core_axis_name="c", subcore_axis_name="s")

    @functools.partial(
        pl.kernel,
        out_type=jax.ShapeDtypeStruct((L, D // 8, nbt, 8, BT), jnp.float32),
        mesh=mesh,
        scratch_types=(
            [pltpu.VMEM((blocks_per_w, BT), jnp.int32),
             pltpu.VMEM((L, D), jnp.float32)]
            + [pltpu.VMEM((BT, D), jnp.float32)] * NBUF
            + [pltpu.VMEM((8, 8, TPAD), jnp.float32)] * NBUF
            + [pltpu.SemaphoreType.DMA] * (2 * NBUF)
        ),
        compiler_params=pltpu.CompilerParams(
            use_tc_tiling_on_sc=False, needs_layout_passes=False
        ),
    )
    def k(x_hbm, table_hbm, pe_hbm, out_hbm, idx_all, pe_v, *bufs):
        gbuf = bufs[:NBUF]
        tbuf = bufs[NBUF:2 * NBUF]
        gsem = bufs[2 * NBUF:3 * NBUF]
        wsem = bufs[3 * NBUF:]
        wid = lax.axis_index("s") * nc + lax.axis_index("c")
        blk_base = wid * blocks_per_w
        pltpu.sync_copy(pe_hbm, pe_v)
        pltpu.sync_copy(x_hbm.at[pl.ds(blk_base, blocks_per_w)], idx_all)

        iota = lax.iota(jnp.int32, LANES)
        trs = [iota // 8 + (g * 2) for g in range(D // LANES)]
        rrs = [iota % 8 for g in range(D // LANES)]

        def start_gather(kk, b):
            pltpu.async_copy(table_hbm.at[idx_all.at[kk]], gbuf[b], gsem[b])

        def wait_gather(kk, b):
            pltpu.make_async_copy(
                table_hbm.at[idx_all.at[kk]], gbuf[b], gsem[b]
            ).wait()

        def lc_of(kk):
            bid = blk_base + kk
            return (bid // (nbt * 8)) * 8 + bid % 8, (bid // 8) % nbt

        def start_write(kk, b):
            l, tc = lc_of(kk)
            pltpu.async_copy(
                tbuf[b].at[pl.ds(0, 8), pl.ds(0, 8), pl.ds(0, BT)],
                out_hbm.at[l, :, tc],
                wsem[b],
            )

        def wait_write(kk, b):
            l, tc = lc_of(kk)
            pltpu.make_async_copy(
                tbuf[b].at[pl.ds(0, 8), pl.ds(0, 8), pl.ds(0, BT)],
                out_hbm.at[l, :, tc],
                wsem[b],
            ).wait()

        for b in range(NBUF):
            start_gather(b, b)

        @pl.loop(0, blocks_per_w, step=NBUF)
        def _blocks(k2):
            for b in range(NBUF):
                kk = k2 + b
                l, _ = lc_of(kk)
                wait_gather(kk, b)

                @pl.when(kk >= NBUF)
                def _():
                    wait_write(kk - NBUF, b)

                pes = [pe_v[l, pl.ds(g * LANES, LANES)]
                       for g in range(D // LANES)]

                @plsc.parallel_loop(0, BT, unroll=4)
                def _tok(c):
                    col = jnp.broadcast_to(c, (LANES,))
                    for g in range(D // LANES):
                        v = gbuf[b][c, pl.ds(g * LANES, LANES)] + pes[g]
                        plsc.store_scatter(tbuf[b], [trs[g], rrs[g], col], v)

                @pl.when(kk + NBUF < blocks_per_w)
                def _():
                    start_gather(kk + NBUF, b)

                start_write(kk, b)

        for b in range(NBUF):
            wait_write(blocks_per_w - NBUF + b, b)

    return k(xq, table, pe)


def kernel(x, table):
    batch, seq = x.shape
    vocab = table.shape[0]
    nbt = batch // BT
    xq = (x.astype(jnp.int32)
          .reshape(nbt, BT, seq // 8, 8)
          .transpose(2, 0, 3, 1)
          .reshape(seq * nbt, BT))
    pe = _pe_table()
    out5 = _run(xq, table, pe, batch=batch, vocab=vocab)
    return out5.transpose(2, 4, 0, 1, 3).reshape(batch, seq, D)

# --- scband reference (transcript-rebuilt; emitter-appended) ---
"""Pipeline reference for scband-token-embedding-84980222918906 (READ-ONLY COPY).

The authoritative reference and input builder live on the scoring server;
editing this copy changes nothing except your own understanding.
"""

import jax, jax.numpy as jnp
import numpy as np

VOCAB = 100000
D_MODEL = 64
MAX_SEQ = 200
BATCH = 4096


def positional_encoding(max_len, d_model):
    position = jnp.arange(max_len, dtype=jnp.float32)[:, None]
    div_term = jnp.exp(jnp.arange(0, d_model, 2, dtype=jnp.float32) * (-jnp.log(10000.0) / d_model))
    pe = jnp.zeros((max_len, d_model), dtype=jnp.float32)
    pe = pe.at[:, 0::2].set(jnp.sin(position * div_term))
    pe = pe.at[:, 1::2].set(jnp.cos(position * div_term))
    return pe


def setup_inputs(seed: int = 0) -> dict:
    key = jax.random.key(seed)
    k1, k2 = jax.random.split(key)
    x = jax.random.randint(k1, (BATCH, MAX_SEQ), 0, VOCAB, dtype=jnp.int64 if jax.config.jax_enable_x64 else jnp.int32)
    table = jax.random.normal(k2, (VOCAB, D_MODEL), dtype=jnp.float32)
    return {"x": x, "table": table}


def reference(x, table):
    # TokenEmbedding.forward (eval mode, dropout_p=0.0):
    #   emb = embedding(x); out = dropout(emb + pe)
    # The tokenizer step is replaced by pre-tokenized integer indices.
    emb = jnp.take(table, x, axis=0)            # gather: [B, L, D]
    pe = positional_encoding(MAX_SEQ, D_MODEL)  # [L, D]
    out = emb + pe[None, :, :]
    return out

if __name__ == "__main__":
    import jax
    _d = setup_inputs()
    print(jax.jit(kernel)(*tuple(_d.values())))

</pallas_src>

<mosaic_0001>
#map = affine_map<(d0, d1) -> (0, 0)>
#map1 = affine_map<(d0, d1) -> (0, 0, 0, 0, 0)>
module attributes {stable_mosaic.version = 14 : i64} {
  func.func @k(%arg0: i32, %arg1: i32, %arg2: memref<6400x128xi32, #tpu.memory_space<hbm>>, %arg3: memref<100000x64xf32, #tpu.memory_space<hbm>>, %arg4: memref<200x64xf32, #tpu.memory_space<hbm>>, %arg5: memref<200x8x32x8x128xf32, #tpu.memory_space<hbm>>, %arg6: memref<200x128xi32, #tpu.memory_space<vmem>>, %arg7: memref<200x64xf32, #tpu.memory_space<vmem>>, %arg8: memref<128x64xf32, #tpu.memory_space<vmem>>, %arg9: memref<128x64xf32, #tpu.memory_space<vmem>>, %arg10: memref<128x64xf32, #tpu.memory_space<vmem>>, %arg11: memref<128x64xf32, #tpu.memory_space<vmem>>, %arg12: memref<8x8x129xf32, #tpu.memory_space<vmem>>, %arg13: memref<8x8x129xf32, #tpu.memory_space<vmem>>, %arg14: memref<8x8x129xf32, #tpu.memory_space<vmem>>, %arg15: memref<8x8x129xf32, #tpu.memory_space<vmem>>, %arg16: memref<!tpu.dma_semaphore, #tpu.memory_space<semaphore_mem>>, %arg17: memref<!tpu.dma_semaphore, #tpu.memory_space<semaphore_mem>>, %arg18: memref<!tpu.dma_semaphore, #tpu.memory_space<semaphore_mem>>, %arg19: memref<!tpu.dma_semaphore, #tpu.memory_space<semaphore_mem>>, %arg20: memref<!tpu.dma_semaphore, #tpu.memory_space<semaphore_mem>>, %arg21: memref<!tpu.dma_semaphore, #tpu.memory_space<semaphore_mem>>, %arg22: memref<!tpu.dma_semaphore, #tpu.memory_space<semaphore_mem>>, %arg23: memref<!tpu.dma_semaphore, #tpu.memory_space<semaphore_mem>>) attributes {dimension_semantics = [#tpu.dimension_semantics<core_parallel>, #tpu.dimension_semantics<subcore_parallel>], iteration_bounds = array<i64: 2, 16>, scalar_prefetch = 0 : i64, scratch_operands = 18 : i64, tpu.core_type = #tpu.core_type<sc_vector_subcore>, window_params = [{transform_indices = #map}, {transform_indices = #map}, {transform_indices = #map}, {transform_indices = #map1}]} {
    %mul3A = arith.constant 2 : i32
    %mul3A_0 = arith.muli %arg1, %mul3A : i32
    %add3A = arith.addi %mul3A_0, %arg0 : i32
    %mul3A_1 = arith.constant 200 : i32
    %mul3A_2 = arith.muli %add3A, %mul3A_1 : i32
    "tpu.region"() ({
      %run_scoped3A = tpu.sem_alloc : memref<!tpu.dma_semaphore, #tpu.memory_space<semaphore_mem>>
      tpu.enqueue_dma source(%arg4 : memref<200x64xf32, #tpu.memory_space<hbm>>) target(%arg7 : memref<200x64xf32, #tpu.memory_space<vmem>>) target_semaphore(%run_scoped3A : memref<!tpu.dma_semaphore, #tpu.memory_space<semaphore_mem>>)
      tpu.wait_dma2 semaphore(%run_scoped3A : memref<!tpu.dma_semaphore, #tpu.memory_space<semaphore_mem>>) src(%arg4 : memref<200x64xf32, #tpu.memory_space<hbm>>) dst(%arg7 : memref<200x64xf32, #tpu.memory_space<vmem>>)
      tpu.yield
    }) : () -> ()
    "tpu.region"() ({
      %run_scoped3A = tpu.sem_alloc : memref<!tpu.dma_semaphore, #tpu.memory_space<semaphore_mem>>
      %dma_start3A_659 = arith.constant 0 : i32
      %dma_start3A_660 = tpu.memref_slice %arg2[%mul3A_2, %dma_start3A_659] : memref<6400x128xi32, #tpu.memory_space<hbm>> -> memref<200x128xi32, #tpu.memory_space<hbm>>
      %dma_start3A_661 = arith.constant 0 : i32
      %dma_start3A_662 = tpu.memref_slice %arg2[%mul3A_2, %dma_start3A_661] : memref<6400x128xi32, #tpu.memory_space<hbm>> -> memref<200x128xi32, #tpu.memory_space<hbm>>
      tpu.enqueue_dma source(%dma_start3A_662 : memref<200x128xi32, #tpu.memory_space<hbm>>) target(%arg6 : memref<200x128xi32, #tpu.memory_space<vmem>>) target_semaphore(%run_scoped3A : memref<!tpu.dma_semaphore, #tpu.memory_space<semaphore_mem>>)
      %dma_wait3A_663 = arith.constant 0 : i32
      %dma_wait3A_664 = tpu.memref_slice %arg2[%mul3A_2, %dma_wait3A_663] : memref<6400x128xi32, #tpu.memory_space<hbm>> -> memref<200x128xi32, #tpu.memory_space<hbm>>
      %dma_wait3A_665 = arith.constant 0 : i32
      %dma_wait3A_666 = tpu.memref_slice %arg2[%mul3A_2, %dma_wait3A_665] : memref<6400x128xi32, #tpu.memory_space<hbm>> -> memref<200x128xi32, #tpu.memory_space<hbm>>
      tpu.wait_dma2 semaphore(%run_scoped3A : memref<!tpu.dma_semaphore, #tpu.memory_space<semaphore_mem>>) src(%dma_wait3A_666 : memref<200x128xi32, #tpu.memory_space<hbm>>) dst(%arg6 : memref<200x128xi32, #tpu.memory_space<vmem>>)
      tpu.yield
    }) : () -> ()
    %iota3A = tpu.iota {dimensions = array<i32: 0>} : vector<16xi32>
    %jit3A = arith.constant 8 : i32
    %div3A = vector.broadcast %jit3A : i32 to vector<16xi32>
    %div3A_3 = arith.divsi %iota3A, %div3A : vector<16xi32>
    %sign3A = arith.constant 0 : i32
    %sign3A_4 = vector.broadcast %sign3A : i32 to vector<16xi32>
    %sign3A_5 = arith.cmpi sgt, %iota3A, %sign3A_4 : vector<16xi32>
    %sign3A_6 = arith.extui %sign3A_5 : vector<16xi1> to vector<16xi32>
    %sign3A_7 = arith.constant 0 : i32
    %sign3A_8 = vector.broadcast %sign3A_7 : i32 to vector<16xi32>
    %sign3A_9 = arith.cmpi slt, %iota3A, %sign3A_8 : vector<16xi32>
    %sign3A_10 = arith.extui %sign3A_9 : vector<16xi1> to vector<16xi32>
    %sign3A_11 = arith.subi %sign3A_6, %sign3A_10 : vector<16xi32>
    %sign3A_12 = arith.constant 0 : i32
    %sign3A_13 = arith.cmpi sgt, %jit3A, %sign3A_12 : i32
    %sign3A_14 = arith.extui %sign3A_13 : i1 to i32
    %sign3A_15 = arith.constant 0 : i32
    %sign3A_16 = arith.cmpi slt, %jit3A, %sign3A_15 : i32
    %sign3A_17 = arith.extui %sign3A_16 : i1 to i32
    %sign3A_18 = arith.subi %sign3A_14, %sign3A_17 : i32
    %ne3A = vector.broadcast %sign3A_18 : i32 to vector<16xi32>
    %ne3A_19 = arith.cmpi ne, %sign3A_11, %ne3A : vector<16xi32>
    %rem3A = vector.broadcast %jit3A : i32 to vector<16xi32>
    %rem3A_20 = arith.remsi %iota3A, %rem3A : vector<16xi32>
    %ne3A_21 = arith.constant 0 : i32
    %ne3A_22 = vector.broadcast %ne3A_21 : i32 to vector<16xi32>
    %ne3A_23 = arith.cmpi ne, %rem3A_20, %ne3A_22 : vector<16xi32>
    %and3A = arith.andi %ne3A_19, %ne3A_23 : vector<16xi1>
    %sub3A = arith.constant 1 : i32
    %sub3A_24 = vector.broadcast %sub3A : i32 to vector<16xi32>
    %sub3A_25 = arith.subi %div3A_3, %sub3A_24 : vector<16xi32>
    %select_n3A = arith.select %and3A, %sub3A_25, %div3A_3 : vector<16xi1>, vector<16xi32>
    %add3A_26 = arith.constant 0 : i32
    %add3A_27 = vector.broadcast %add3A_26 : i32 to vector<16xi32>
    %add3A_28 = arith.addi %select_n3A, %add3A_27 : vector<16xi32>
    %jit3A_29 = arith.constant 8 : i32
    %div3A_30 = vector.broadcast %jit3A_29 : i32 to vector<16xi32>
    %div3A_31 = arith.divsi %iota3A, %div3A_30 : vector<16xi32>
    %sign3A_32 = arith.constant 0 : i32
    %sign3A_33 = vector.broadcast %sign3A_32 : i32 to vector<16xi32>
    %sign3A_34 = arith.cmpi sgt, %iota3A, %sign3A_33 : vector<16xi32>
    %sign3A_35 = arith.extui %sign3A_34 : vector<16xi1> to vector<16xi32>
    %sign3A_36 = arith.constant 0 : i32
    %sign3A_37 = vector.broadcast %sign3A_36 : i32 to vector<16xi32>
    %sign3A_38 = arith.cmpi slt, %iota3A, %sign3A_37 : vector<16xi32>
    %sign3A_39 = arith.extui %sign3A_38 : vector<16xi1> to vector<16xi32>
    %sign3A_40 = arith.subi %sign3A_35, %sign3A_39 : vector<16xi32>
    %sign3A_41 = arith.constant 0 : i32
    %sign3A_42 = arith.cmpi sgt, %jit3A_29, %sign3A_41 : i32
    %sign3A_43 = arith.extui %sign3A_42 : i1 to i32
    %sign3A_44 = arith.constant 0 : i32
    %sign3A_45 = arith.cmpi slt, %jit3A_29, %sign3A_44 : i32
    %sign3A_46 = arith.extui %sign3A_45 : i1 to i32
    %sign3A_47 = arith.subi %sign3A_43, %sign3A_46 : i32
    %ne3A_48 = vector.broadcast %sign3A_47 : i32 to vector<16xi32>
    %ne3A_49 = arith.cmpi ne, %sign3A_40, %ne3A_48 : vector<16xi32>
    %rem3A_50 = vector.broadcast %jit3A_29 : i32 to vector<16xi32>
    %rem3A_51 = arith.remsi %iota3A, %rem3A_50 : vector<16xi32>
    %ne3A_52 = arith.constant 0 : i32
    %ne3A_53 = vector.broadcast %ne3A_52 : i32 to vector<16xi32>
    %ne3A_54 = arith.cmpi ne, %rem3A_51, %ne3A_53 : vector<16xi32>
    %and3A_55 = arith.andi %ne3A_49, %ne3A_54 : vector<16xi1>
    %sub3A_56 = arith.constant 1 : i32
    %sub3A_57 = vector.broadcast %sub3A_56 : i32 to vector<16xi32>
    %sub3A_58 = arith.subi %div3A_31, %sub3A_57 : vector<16xi32>
    %select_n3A_59 = arith.select %and3A_55, %sub3A_58, %div3A_31 : vector<16xi1>, vector<16xi32>
    %add3A_60 = arith.constant 2 : i32
    %add3A_61 = vector.broadcast %add3A_60 : i32 to vector<16xi32>
    %add3A_62 = arith.addi %select_n3A_59, %add3A_61 : vector<16xi32>
    %jit3A_63 = arith.constant 8 : i32
    %div3A_64 = vector.broadcast %jit3A_63 : i32 to vector<16xi32>
    %div3A_65 = arith.divsi %iota3A, %div3A_64 : vector<16xi32>
    %sign3A_66 = arith.constant 0 : i32
    %sign3A_67 = vector.broadcast %sign3A_66 : i32 to vector<16xi32>
    %sign3A_68 = arith.cmpi sgt, %iota3A, %sign3A_67 : vector<16xi32>
    %sign3A_69 = arith.extui %sign3A_68 : vector<16xi1> to vector<16xi32>
    %sign3A_70 = arith.constant 0 : i32
    %sign3A_71 = vector.broadcast %sign3A_70 : i32 to vector<16xi32>
    %sign3A_72 = arith.cmpi slt, %iota3A, %sign3A_71 : vector<16xi32>
    %sign3A_73 = arith.extui %sign3A_72 : vector<16xi1> to vector<16xi32>
    %sign3A_74 = arith.subi %sign3A_69, %sign3A_73 : vector<16xi32>
    %sign3A_75 = arith.constant 0 : i32
    %sign3A_76 = arith.cmpi sgt, %jit3A_63, %sign3A_75 : i32
    %sign3A_77 = arith.extui %sign3A_76 : i1 to i32
    %sign3A_78 = arith.constant 0 : i32
    %sign3A_79 = arith.cmpi slt, %jit3A_63, %sign3A_78 : i32
    %sign3A_80 = arith.extui %sign3A_79 : i1 to i32
    %sign3A_81 = arith.subi %sign3A_77, %sign3A_80 : i32
    %ne3A_82 = vector.broadcast %sign3A_81 : i32 to vector<16xi32>
    %ne3A_83 = arith.cmpi ne, %sign3A_74, %ne3A_82 : vector<16xi32>
    %rem3A_84 = vector.broadcast %jit3A_63 : i32 to vector<16xi32>
    %rem3A_85 = arith.remsi %iota3A, %rem3A_84 : vector<16xi32>
    %ne3A_86 = arith.constant 0 : i32
    %ne3A_87 = vector.broadcast %ne3A_86 : i32 to vector<16xi32>
    %ne3A_88 = arith.cmpi ne, %rem3A_85, %ne3A_87 : vector<16xi32>
    %and3A_89 = arith.andi %ne3A_83, %ne3A_88 : vector<16xi1>
    %sub3A_90 = arith.constant 1 : i32
    %sub3A_91 = vector.broadcast %sub3A_90 : i32 to vector<16xi32>
    %sub3A_92 = arith.subi %div3A_65, %sub3A_91 : vector<16xi32>
    %select_n3A_93 = arith.select %and3A_89, %sub3A_92, %div3A_65 : vector<16xi1>, vector<16xi32>
    %add3A_94 = arith.constant 4 : i32
    %add3A_95 = vector.broadcast %add3A_94 : i32 to vector<16xi32>
    %add3A_96 = arith.addi %select_n3A_93, %add3A_95 : vector<16xi32>
    %jit3A_97 = arith.constant 8 : i32
    %div3A_98 = vector.broadcast %jit3A_97 : i32 to vector<16xi32>
    %div3A_99 = arith.divsi %iota3A, %div3A_98 : vector<16xi32>
    %sign3A_100 = arith.constant 0 : i32
    %sign3A_101 = vector.broadcast %sign3A_100 : i32 to vector<16xi32>
    %sign3A_102 = arith.cmpi sgt, %iota3A, %sign3A_101 : vector<16xi32>
    %sign3A_103 = arith.extui %sign3A_102 : vector<16xi1> to vector<16xi32>
    %sign3A_104 = arith.constant 0 : i32
    %sign3A_105 = vector.broadcast %sign3A_104 : i32 to vector<16xi32>
    %sign3A_106 = arith.cmpi slt, %iota3A, %sign3A_105 : vector<16xi32>
    %sign3A_107 = arith.extui %sign3A_106 : vector<16xi1> to vector<16xi32>
    %sign3A_108 = arith.subi %sign3A_103, %sign3A_107 : vector<16xi32>
    %sign3A_109 = arith.constant 0 : i32
    %sign3A_110 = arith.cmpi sgt, %jit3A_97, %sign3A_109 : i32
    %sign3A_111 = arith.extui %sign3A_110 : i1 to i32
    %sign3A_112 = arith.constant 0 : i32
    %sign3A_113 = arith.cmpi slt, %jit3A_97, %sign3A_112 : i32
    %sign3A_114 = arith.extui %sign3A_113 : i1 to i32
    %sign3A_115 = arith.subi %sign3A_111, %sign3A_114 : i32
    %ne3A_116 = vector.broadcast %sign3A_115 : i32 to vector<16xi32>
    %ne3A_117 = arith.cmpi ne, %sign3A_108, %ne3A_116 : vector<16xi32>
    %rem3A_118 = vector.broadcast %jit3A_97 : i32 to vector<16xi32>
    %rem3A_119 = arith.remsi %iota3A, %rem3A_118 : vector<16xi32>
    %ne3A_120 = arith.constant 0 : i32
    %ne3A_121 = vector.broadcast %ne3A_120 : i32 to vector<16xi32>
    %ne3A_122 = arith.cmpi ne, %rem3A_119, %ne3A_121 : vector<16xi32>
    %and3A_123 = arith.andi %ne3A_117, %ne3A_122 : vector<16xi1>
    %sub3A_124 = arith.constant 1 : i32
    %sub3A_125 = vector.broadcast %sub3A_124 : i32 to vector<16xi32>
    %sub3A_126 = arith.subi %div3A_99, %sub3A_125 : vector<16xi32>
    %select_n3A_127 = arith.select %and3A_123, %sub3A_126, %div3A_99 : vector<16xi1>, vector<16xi32>
    %add3A_128 = arith.constant 6 : i32
    %add3A_129 = vector.broadcast %add3A_128 : i32 to vector<16xi32>
    %add3A_130 = arith.addi %select_n3A_127, %add3A_129 : vector<16xi32>
    %jit3A_131 = arith.constant 8 : i32
    %eq3A = arith.constant 0 : i32
    %eq3A_132 = arith.cmpi eq, %jit3A_131, %eq3A : i32
    %jit3A_133 = arith.constant 1 : i32
    %select_n3A_134 = arith.select %eq3A_132, %jit3A_133, %jit3A_131 : i32
    %rem3A_135 = vector.broadcast %select_n3A_134 : i32 to vector<16xi32>
    %rem3A_136 = arith.remsi %iota3A, %rem3A_135 : vector<16xi32>
    %ne3A_137 = arith.constant 0 : i32
    %ne3A_138 = vector.broadcast %ne3A_137 : i32 to vector<16xi32>
    %ne3A_139 = arith.cmpi ne, %rem3A_136, %ne3A_138 : vector<16xi32>
    %lt3A = arith.constant 0 : i32
    %lt3A_140 = vector.broadcast %lt3A : i32 to vector<16xi32>
    %lt3A_141 = arith.cmpi slt, %rem3A_136, %lt3A_140 : vector<16xi32>
    %lt3A_142 = arith.constant 0 : i32
    %lt3A_143 = arith.cmpi slt, %select_n3A_134, %lt3A_142 : i32
    %ne3A_144 = vector.broadcast %lt3A_143 : i1 to vector<16xi1>
    %ne3A_145 = vector.broadcast %ne3A_144 : vector<16xi1> to vector<16xi1>
    %ne3A_146 = arith.xori %lt3A_141, %ne3A_145 : vector<16xi1>
    %and3A_147 = arith.andi %ne3A_146, %ne3A_139 : vector<16xi1>
    %add3A_148 = vector.broadcast %select_n3A_134 : i32 to vector<16xi32>
    %add3A_149 = arith.addi %rem3A_136, %add3A_148 : vector<16xi32>
    %select_n3A_150 = arith.select %and3A_147, %add3A_149, %rem3A_136 : vector<16xi1>, vector<16xi32>
    %jit3A_151 = arith.constant 8 : i32
    %eq3A_152 = arith.constant 0 : i32
    %eq3A_153 = arith.cmpi eq, %jit3A_151, %eq3A_152 : i32
    %jit3A_154 = arith.constant 1 : i32
    %select_n3A_155 = arith.select %eq3A_153, %jit3A_154, %jit3A_151 : i32
    %rem3A_156 = vector.broadcast %select_n3A_155 : i32 to vector<16xi32>
    %rem3A_157 = arith.remsi %iota3A, %rem3A_156 : vector<16xi32>
    %ne3A_158 = arith.constant 0 : i32
    %ne3A_159 = vector.broadcast %ne3A_158 : i32 to vector<16xi32>
    %ne3A_160 = arith.cmpi ne, %rem3A_157, %ne3A_159 : vector<16xi32>
    %lt3A_161 = arith.constant 0 : i32
    %lt3A_162 = vector.broadcast %lt3A_161 : i32 to vector<16xi32>
    %lt3A_163 = arith.cmpi slt, %rem3A_157, %lt3A_162 : vector<16xi32>
    %lt3A_164 = arith.constant 0 : i32
    %lt3A_165 = arith.cmpi slt, %select_n3A_155, %lt3A_164 : i32
    %ne3A_166 = vector.broadcast %lt3A_165 : i1 to vector<16xi1>
    %ne3A_167 = vector.broadcast %ne3A_166 : vector<16xi1> to vector<16xi1>
    %ne3A_168 = arith.xori %lt3A_163, %ne3A_167 : vector<16xi1>
    %and3A_169 = arith.andi %ne3A_168, %ne3A_160 : vector<16xi1>
    %add3A_170 = vector.broadcast %select_n3A_155 : i32 to vector<16xi32>
    %add3A_171 = arith.addi %rem3A_157, %add3A_170 : vector<16xi32>
    %select_n3A_172 = arith.select %and3A_169, %add3A_171, %rem3A_157 : vector<16xi1>, vector<16xi32>
    %jit3A_173 = arith.constant 8 : i32
    %eq3A_174 = arith.constant 0 : i32
    %eq3A_175 = arith.cmpi eq, %jit3A_173, %eq3A_174 : i32
    %jit3A_176 = arith.constant 1 : i32
    %select_n3A_177 = arith.select %eq3A_175, %jit3A_176, %jit3A_173 : i32
    %rem3A_178 = vector.broadcast %select_n3A_177 : i32 to vector<16xi32>
    %rem3A_179 = arith.remsi %iota3A, %rem3A_178 : vector<16xi32>
    %ne3A_180 = arith.constant 0 : i32
    %ne3A_181 = vector.broadcast %ne3A_180 : i32 to vector<16xi32>
    %ne3A_182 = arith.cmpi ne, %rem3A_179, %ne3A_181 : vector<16xi32>
    %lt3A_183 = arith.constant 0 : i32
    %lt3A_184 = vector.broadcast %lt3A_183 : i32 to vector<16xi32>
    %lt3A_185 = arith.cmpi slt, %rem3A_179, %lt3A_184 : vector<16xi32>
    %lt3A_186 = arith.constant 0 : i32
    %lt3A_187 = arith.cmpi slt, %select_n3A_177, %lt3A_186 : i32
    %ne3A_188 = vector.broadcast %lt3A_187 : i1 to vector<16xi1>
    %ne3A_189 = vector.broadcast %ne3A_188 : vector<16xi1> to vector<16xi1>
    %ne3A_190 = arith.xori %lt3A_185, %ne3A_189 : vector<16xi1>
    %and3A_191 = arith.andi %ne3A_190, %ne3A_182 : vector<16xi1>
    %add3A_192 = vector.broadcast %select_n3A_177 : i32 to vector<16xi32>
    %add3A_193 = arith.addi %rem3A_179, %add3A_192 : vector<16xi32>
    %select_n3A_194 = arith.select %and3A_191, %add3A_193, %rem3A_179 : vector<16xi1>, vector<16xi32>
    %jit3A_195 = arith.constant 8 : i32
    %eq3A_196 = arith.constant 0 : i32
    %eq3A_197 = arith.cmpi eq, %jit3A_195, %eq3A_196 : i32
    %jit3A_198 = arith.constant 1 : i32
    %select_n3A_199 = arith.select %eq3A_197, %jit3A_198, %jit3A_195 : i32
    %rem3A_200 = vector.broadcast %select_n3A_199 : i32 to vector<16xi32>
    %rem3A_201 = arith.remsi %iota3A, %rem3A_200 : vector<16xi32>
    %ne3A_202 = arith.constant 0 : i32
    %ne3A_203 = vector.broadcast %ne3A_202 : i32 to vector<16xi32>
    %ne3A_204 = arith.cmpi ne, %rem3A_201, %ne3A_203 : vector<16xi32>
    %lt3A_205 = arith.constant 0 : i32
    %lt3A_206 = vector.broadcast %lt3A_205 : i32 to vector<16xi32>
    %lt3A_207 = arith.cmpi slt, %rem3A_201, %lt3A_206 : vector<16xi32>
    %lt3A_208 = arith.constant 0 : i32
    %lt3A_209 = arith.cmpi slt, %select_n3A_199, %lt3A_208 : i32
    %ne3A_210 = vector.broadcast %lt3A_209 : i1 to vector<16xi1>
    %ne3A_211 = vector.broadcast %ne3A_210 : vector<16xi1> to vector<16xi1>
    %ne3A_212 = arith.xori %lt3A_207, %ne3A_211 : vector<16xi1>
    %and3A_213 = arith.andi %ne3A_212, %ne3A_204 : vector<16xi1>
    %add3A_214 = vector.broadcast %select_n3A_199 : i32 to vector<16xi32>
    %add3A_215 = arith.addi %rem3A_201, %add3A_214 : vector<16xi32>
    %select_n3A_216 = arith.select %and3A_213, %add3A_215, %rem3A_201 : vector<16xi1>, vector<16xi32>
    %dma_start3A = arith.constant 0 : i32
    %dma_start3A_217 = arith.constant 0 : i32
    %dma_start3A_218 = tpu.memref_slice %arg6[%dma_start3A, %dma_start3A_217] : memref<200x128xi32, #tpu.memory_space<vmem>> -> memref<1x128xi32, #tpu.memory_space<vmem>>
    %dma_start3A_219 = tpu.memref_squeeze %dma_start3A_218 : memref<1x128xi32, #tpu.memory_space<vmem>> -> memref<128xi32, #tpu.memory_space<vmem>>
    %dma_start3A_220 = arith.constant 0 : i32
    %dma_start3A_221 = arith.constant 0 : i32
    %dma_start3A_222 = tpu.memref_slice %arg3[%dma_start3A_220, %dma_start3A_221] : memref<100000x64xf32, #tpu.memory_space<hbm>> -> memref<100000x64xf32, #tpu.memory_space<hbm>>
    tpu.enqueue_indirect_dma source(%dma_start3A_222 : memref<100000x64xf32, #tpu.memory_space<hbm>>) target(%arg8 : memref<128x64xf32, #tpu.memory_space<vmem>>) offsets(%dma_start3A_219 : memref<128xi32, #tpu.memory_space<vmem>>) semaphore(%arg16 : memref<!tpu.dma_semaphore, #tpu.memory_space<semaphore_mem>>)
    %dma_start3A_223 = arith.constant 1 : i32
    %dma_start3A_224 = arith.constant 0 : i32
    %dma_start3A_225 = tpu.memref_slice %arg6[%dma_start3A_223, %dma_start3A_224] : memref<200x128xi32, #tpu.memory_space<vmem>> -> memref<1x128xi32, #tpu.memory_space<vmem>>
    %dma_start3A_226 = tpu.memref_squeeze %dma_start3A_225 : memref<1x128xi32, #tpu.memory_space<vmem>> -> memref<128xi32, #tpu.memory_space<vmem>>
    %dma_start3A_227 = arith.constant 0 : i32
    %dma_start3A_228 = arith.constant 0 : i32
    %dma_start3A_229 = tpu.memref_slice %arg3[%dma_start3A_227, %dma_start3A_228] : memref<100000x64xf32, #tpu.memory_space<hbm>> -> memref<100000x64xf32, #tpu.memory_space<hbm>>
    tpu.enqueue_indirect_dma source(%dma_start3A_229 : memref<100000x64xf32, #tpu.memory_space<hbm>>) target(%arg9 : memref<128x64xf32, #tpu.memory_space<vmem>>) offsets(%dma_start3A_226 : memref<128xi32, #tpu.memory_space<vmem>>) semaphore(%arg17 : memref<!tpu.dma_semaphore, #tpu.memory_space<semaphore_mem>>)
    %dma_start3A_230 = arith.constant 2 : i32
    %dma_start3A_231 = arith.constant 0 : i32
    %dma_start3A_232 = tpu.memref_slice %arg6[%dma_start3A_230, %dma_start3A_231] : memref<200x128xi32, #tpu.memory_space<vmem>> -> memref<1x128xi32, #tpu.memory_space<vmem>>
    %dma_start3A_233 = tpu.memref_squeeze %dma_start3A_232 : memref<1x128xi32, #tpu.memory_space<vmem>> -> memref<128xi32, #tpu.memory_space<vmem>>
    %dma_start3A_234 = arith.constant 0 : i32
    %dma_start3A_235 = arith.constant 0 : i32
    %dma_start3A_236 = tpu.memref_slice %arg3[%dma_start3A_234, %dma_start3A_235] : memref<100000x64xf32, #tpu.memory_space<hbm>> -> memref<100000x64xf32, #tpu.memory_space<hbm>>
    tpu.enqueue_indirect_dma source(%dma_start3A_236 : memref<100000x64xf32, #tpu.memory_space<hbm>>) target(%arg10 : memref<128x64xf32, #tpu.memory_space<vmem>>) offsets(%dma_start3A_233 : memref<128xi32, #tpu.memory_space<vmem>>) semaphore(%arg18 : memref<!tpu.dma_semaphore, #tpu.memory_space<semaphore_mem>>)
    %dma_start3A_237 = arith.constant 3 : i32
    %dma_start3A_238 = arith.constant 0 : i32
    %dma_start3A_239 = tpu.memref_slice %arg6[%dma_start3A_237, %dma_start3A_238] : memref<200x128xi32, #tpu.memory_space<vmem>> -> memref<1x128xi32, #tpu.memory_space<vmem>>
    %dma_start3A_240 = tpu.memref_squeeze %dma_start3A_239 : memref<1x128xi32, #tpu.memory_space<vmem>> -> memref<128xi32, #tpu.memory_space<vmem>>
    %dma_start3A_241 = arith.constant 0 : i32
    %dma_start3A_242 = arith.constant 0 : i32
    %dma_start3A_243 = tpu.memref_slice %arg3[%dma_start3A_241, %dma_start3A_242] : memref<100000x64xf32, #tpu.memory_space<hbm>> -> memref<100000x64xf32, #tpu.memory_space<hbm>>
    tpu.enqueue_indirect_dma source(%dma_start3A_243 : memref<100000x64xf32, #tpu.memory_space<hbm>>) target(%arg11 : memref<128x64xf32, #tpu.memory_space<vmem>>) offsets(%dma_start3A_240 : memref<128xi32, #tpu.memory_space<vmem>>) semaphore(%arg19 : memref<!tpu.dma_semaphore, #tpu.memory_space<semaphore_mem>>)
    %scan3A = arith.constant 0 : i32
    %scan3A_244 = arith.constant 50 : i32
    %scan3A_245 = arith.addi %scan3A, %scan3A_244 : i32
    %scan3A_246 = arith.constant 1 : i32
    scf.for %scan3A_659 = %scan3A to %scan3A_245 step %scan3A_246  : i32 {
      %mul3A_660 = arith.constant 4 : i32
      %mul3A_661 = arith.muli %scan3A_659, %mul3A_660 : i32
      %add3A_662 = arith.constant 0 : i32
      %add3A_663 = arith.addi %add3A_662, %mul3A_661 : i32
      %add3A_664 = arith.constant 0 : i32
      %add3A_665 = arith.addi %add3A_663, %add3A_664 : i32
      %add3A_666 = arith.addi %mul3A_2, %add3A_665 : i32
      %jit3A_667 = arith.constant 256 : i32
      %div3A_668 = arith.divsi %add3A_666, %jit3A_667 : i32
      %sign3A_669 = arith.constant 0 : i32
      %sign3A_670 = arith.cmpi sgt, %add3A_666, %sign3A_669 : i32
      %sign3A_671 = arith.extui %sign3A_670 : i1 to i32
      %sign3A_672 = arith.constant 0 : i32
      %sign3A_673 = arith.cmpi slt, %add3A_666, %sign3A_672 : i32
      %sign3A_674 = arith.extui %sign3A_673 : i1 to i32
      %sign3A_675 = arith.subi %sign3A_671, %sign3A_674 : i32
      %sign3A_676 = arith.constant 0 : i32
      %sign3A_677 = arith.cmpi sgt, %jit3A_667, %sign3A_676 : i32
      %sign3A_678 = arith.extui %sign3A_677 : i1 to i32
      %sign3A_679 = arith.constant 0 : i32
      %sign3A_680 = arith.cmpi slt, %jit3A_667, %sign3A_679 : i32
      %sign3A_681 = arith.extui %sign3A_680 : i1 to i32
      %sign3A_682 = arith.subi %sign3A_678, %sign3A_681 : i32
      %ne3A_683 = arith.cmpi ne, %sign3A_675, %sign3A_682 : i32
      %rem3A_684 = arith.remsi %add3A_666, %jit3A_667 : i32
      %ne3A_685 = arith.constant 0 : i32
      %ne3A_686 = arith.cmpi ne, %rem3A_684, %ne3A_685 : i32
      %and3A_687 = arith.andi %ne3A_683, %ne3A_686 : i1
      %sub3A_688 = arith.constant 1 : i32
      %sub3A_689 = arith.subi %div3A_668, %sub3A_688 : i32
      %select_n3A_690 = arith.select %and3A_687, %sub3A_689, %div3A_668 : i32
      %mul3A_691 = arith.constant 8 : i32
      %mul3A_692 = arith.muli %select_n3A_690, %mul3A_691 : i32
      %jit3A_693 = arith.constant 8 : i32
      %eq3A_694 = arith.constant 0 : i32
      %eq3A_695 = arith.cmpi eq, %jit3A_693, %eq3A_694 : i32
      %jit3A_696 = arith.constant 1 : i32
      %select_n3A_697 = arith.select %eq3A_695, %jit3A_696, %jit3A_693 : i32
      %rem3A_698 = arith.remsi %add3A_666, %select_n3A_697 : i32
      %ne3A_699 = arith.constant 0 : i32
      %ne3A_700 = arith.cmpi ne, %rem3A_698, %ne3A_699 : i32
      %lt3A_701 = arith.constant 0 : i32
      %lt3A_702 = arith.cmpi slt, %rem3A_698, %lt3A_701 : i32
      %lt3A_703 = arith.constant 0 : i32
      %lt3A_704 = arith.cmpi slt, %select_n3A_697, %lt3A_703 : i32
      %ne3A_705 = arith.xori %lt3A_702, %lt3A_704 : i1
      %and3A_706 = arith.andi %ne3A_705, %ne3A_700 : i1
      %add3A_707 = arith.addi %rem3A_698, %select_n3A_697 : i32
      %select_n3A_708 = arith.select %and3A_706, %add3A_707, %rem3A_698 : i32
      %add3A_709 = arith.addi %mul3A_692, %select_n3A_708 : i32
      %jit3A_710 = arith.constant 8 : i32
      %div3A_711 = arith.divsi %add3A_666, %jit3A_710 : i32
      %sign3A_712 = arith.constant 0 : i32
      %sign3A_713 = arith.cmpi sgt, %add3A_666, %sign3A_712 : i32
      %sign3A_714 = arith.extui %sign3A_713 : i1 to i32
      %sign3A_715 = arith.constant 0 : i32
      %sign3A_716 = arith.cmpi slt, %add3A_666, %sign3A_715 : i32
      %sign3A_717 = arith.extui %sign3A_716 : i1 to i32
      %sign3A_718 = arith.subi %sign3A_714, %sign3A_717 : i32
      %sign3A_719 = arith.constant 0 : i32
      %sign3A_720 = arith.cmpi sgt, %jit3A_710, %sign3A_719 : i32
      %sign3A_721 = arith.extui %sign3A_720 : i1 to i32
      %sign3A_722 = arith.constant 0 : i32
      %sign3A_723 = arith.cmpi slt, %jit3A_710, %sign3A_722 : i32
      %sign3A_724 = arith.extui %sign3A_723 : i1 to i32
      %sign3A_725 = arith.subi %sign3A_721, %sign3A_724 : i32
      %ne3A_726 = arith.cmpi ne, %sign3A_718, %sign3A_725 : i32
      %rem3A_727 = arith.remsi %add3A_666, %jit3A_710 : i32
      %ne3A_728 = arith.constant 0 : i32
      %ne3A_729 = arith.cmpi ne, %rem3A_727, %ne3A_728 : i32
      %and3A_730 = arith.andi %ne3A_726, %ne3A_729 : i1
      %sub3A_731 = arith.constant 1 : i32
      %sub3A_732 = arith.subi %div3A_711, %sub3A_731 : i32
      %select_n3A_733 = arith.select %and3A_730, %sub3A_732, %div3A_711 : i32
      %jit3A_734 = arith.constant 32 : i32
      %eq3A_735 = arith.constant 0 : i32
      %eq3A_736 = arith.cmpi eq, %jit3A_734, %eq3A_735 : i32
      %jit3A_737 = arith.constant 1 : i32
      %select_n3A_738 = arith.select %eq3A_736, %jit3A_737, %jit3A_734 : i32
      %rem3A_739 = arith.remsi %select_n3A_733, %select_n3A_738 : i32
      %ne3A_740 = arith.constant 0 : i32
      %ne3A_741 = arith.cmpi ne, %rem3A_739, %ne3A_740 : i32
      %lt3A_742 = arith.constant 0 : i32
      %lt3A_743 = arith.cmpi slt, %rem3A_739, %lt3A_742 : i32
      %lt3A_744 = arith.constant 0 : i32
      %lt3A_745 = arith.cmpi slt, %select_n3A_738, %lt3A_744 : i32
      %ne3A_746 = arith.xori %lt3A_743, %lt3A_745 : i1
      %and3A_747 = arith.andi %ne3A_746, %ne3A_741 : i1
      %add3A_748 = arith.addi %rem3A_739, %select_n3A_738 : i32
      %select_n3A_749 = arith.select %and3A_747, %add3A_748, %rem3A_739 : i32
      %dma_wait3A_750 = arith.constant 0 : i32
      %dma_wait3A_751 = tpu.memref_slice %arg6[%add3A_665, %dma_wait3A_750] : memref<200x128xi32, #tpu.memory_space<vmem>> -> memref<1x128xi32, #tpu.memory_space<vmem>>
      %dma_wait3A_752 = tpu.memref_squeeze %dma_wait3A_751 : memref<1x128xi32, #tpu.memory_space<vmem>> -> memref<128xi32, #tpu.memory_space<vmem>>
      %dma_wait3A_753 = arith.constant 0 : i32
      %dma_wait3A_754 = arith.constant 0 : i32
      %dma_wait3A_755 = tpu.memref_slice %arg3[%dma_wait3A_753, %dma_wait3A_754] : memref<100000x64xf32, #tpu.memory_space<hbm>> -> memref<100000x64xf32, #tpu.memory_space<hbm>>
      tpu.wait_indirect_dma semaphore(%arg16 : memref<!tpu.dma_semaphore, #tpu.memory_space<semaphore_mem>>) src(%dma_wait3A_755 : memref<100000x64xf32, #tpu.memory_space<hbm>>) dst(%arg8 : memref<128x64xf32, #tpu.memory_space<vmem>>)
      %ge3A = arith.constant 4 : i32
      %ge3A_756 = arith.cmpi sge, %add3A_665, %ge3A : i32
      %convert_element_type3A = arith.extui %ge3A_756 : i1 to i32
      %cond3A = arith.constant 0 : i32
      %cond3A_757 = arith.cmpi ne, %convert_element_type3A, %cond3A : i32
      scf.if %cond3A_757 {
        %sub3A_1543 = arith.constant 4 : i32
        %sub3A_1544 = arith.subi %add3A_665, %sub3A_1543 : i32
        %add3A_1545 = arith.addi %mul3A_2, %sub3A_1544 : i32
        %jit3A_1546 = arith.constant 256 : i32
        %div3A_1547 = arith.divsi %add3A_1545, %jit3A_1546 : i32
        %sign3A_1548 = arith.constant 0 : i32
        %sign3A_1549 = arith.cmpi sgt, %add3A_1545, %sign3A_1548 : i32
        %sign3A_1550 = arith.extui %sign3A_1549 : i1 to i32
        %sign3A_1551 = arith.constant 0 : i32
        %sign3A_1552 = arith.cmpi slt, %add3A_1545, %sign3A_1551 : i32
        %sign3A_1553 = arith.extui %sign3A_1552 : i1 to i32
        %sign3A_1554 = arith.subi %sign3A_1550, %sign3A_1553 : i32
        %sign3A_1555 = arith.constant 0 : i32
        %sign3A_1556 = arith.cmpi sgt, %jit3A_1546, %sign3A_1555 : i32
        %sign3A_1557 = arith.extui %sign3A_1556 : i1 to i32
        %sign3A_1558 = arith.constant 0 : i32
        %sign3A_1559 = arith.cmpi slt, %jit3A_1546, %sign3A_1558 : i32
        %sign3A_1560 = arith.extui %sign3A_1559 : i1 to i32
        %sign3A_1561 = arith.subi %sign3A_1557, %sign3A_1560 : i32
        %ne3A_1562 = arith.cmpi ne, %sign3A_1554, %sign3A_1561 : i32
        %rem3A_1563 = arith.remsi %add3A_1545, %jit3A_1546 : i32
        %ne3A_1564 = arith.constant 0 : i32
        %ne3A_1565 = arith.cmpi ne, %rem3A_1563, %ne3A_1564 : i32
        %and3A_1566 = arith.andi %ne3A_1562, %ne3A_1565 : i1
        %sub3A_1567 = arith.constant 1 : i32
        %sub3A_1568 = arith.subi %div3A_1547, %sub3A_1567 : i32
        %select_n3A_1569 = arith.select %and3A_1566, %sub3A_1568, %div3A_1547 : i32
        %mul3A_1570 = arith.constant 8 : i32
        %mul3A_1571 = arith.muli %select_n3A_1569, %mul3A_1570 : i32
        %jit3A_1572 = arith.constant 8 : i32
        %eq3A_1573 = arith.constant 0 : i32
        %eq3A_1574 = arith.cmpi eq, %jit3A_1572, %eq3A_1573 : i32
        %jit3A_1575 = arith.constant 1 : i32
        %select_n3A_1576 = arith.select %eq3A_1574, %jit3A_1575, %jit3A_1572 : i32
        %rem3A_1577 = arith.remsi %add3A_1545, %select_n3A_1576 : i32
        %ne3A_1578 = arith.constant 0 : i32
        %ne3A_1579 = arith.cmpi ne, %rem3A_1577, %ne3A_1578 : i32
        %lt3A_1580 = arith.constant 0 : i32
        %lt3A_1581 = arith.cmpi slt, %rem3A_1577, %lt3A_1580 : i32
        %lt3A_1582 = arith.constant 0 : i32
        %lt3A_1583 = arith.cmpi slt, %select_n3A_1576, %lt3A_1582 : i32
        %ne3A_1584 = arith.xori %lt3A_1581, %lt3A_1583 : i1
        %and3A_1585 = arith.andi %ne3A_1584, %ne3A_1579 : i1
        %add3A_1586 = arith.addi %rem3A_1577, %select_n3A_1576 : i32
        %select_n3A_1587 = arith.select %and3A_1585, %add3A_1586, %rem3A_1577 : i32
        %add3A_1588 = arith.addi %mul3A_1571, %select_n3A_1587 : i32
        %jit3A_1589 = arith.constant 8 : i32
        %div3A_1590 = arith.divsi %add3A_1545, %jit3A_1589 : i32
        %sign3A_1591 = arith.constant 0 : i32
        %sign3A_1592 = arith.cmpi sgt, %add3A_1545, %sign3A_1591 : i32
        %sign3A_1593 = arith.extui %sign3A_1592 : i1 to i32
        %sign3A_1594 = arith.constant 0 : i32
        %sign3A_1595 = arith.cmpi slt, %add3A_1545, %sign3A_1594 : i32
        %sign3A_1596 = arith.extui %sign3A_1595 : i1 to i32
        %sign3A_1597 = arith.subi %sign3A_1593, %sign3A_1596 : i32
        %sign3A_1598 = arith.constant 0 : i32
        %sign3A_1599 = arith.cmpi sgt, %jit3A_1589, %sign3A_1598 : i32
        %sign3A_1600 = arith.extui %sign3A_1599 : i1 to i32
        %sign3A_1601 = arith.constant 0 : i32
        %sign3A_1602 = arith.cmpi slt, %jit3A_1589, %sign3A_1601 : i32
        %sign3A_1603 = arith.extui %sign3A_1602 : i1 to i32
        %sign3A_1604 = arith.subi %sign3A_1600, %sign3A_1603 : i32
        %ne3A_1605 = arith.cmpi ne, %sign3A_1597, %sign3A_1604 : i32
        %rem3A_1606 = arith.remsi %add3A_1545, %jit3A_1589 : i32
        %ne3A_1607 = arith.constant 0 : i32
        %ne3A_1608 = arith.cmpi ne, %rem3A_1606, %ne3A_1607 : i32
        %and3A_1609 = arith.andi %ne3A_1605, %ne3A_1608 : i1
        %sub3A_1610 = arith.constant 1 : i32
        %sub3A_1611 = arith.subi %div3A_1590, %sub3A_1610 : i32
        %select_n3A_1612 = arith.select %and3A_1609, %sub3A_1611, %div3A_1590 : i32
        %jit3A_1613 = arith.constant 32 : i32
        %eq3A_1614 = arith.constant 0 : i32
        %eq3A_1615 = arith.cmpi eq, %jit3A_1613, %eq3A_1614 : i32
        %jit3A_1616 = arith.constant 1 : i32
        %select_n3A_1617 = arith.select %eq3A_1615, %jit3A_1616, %jit3A_1613 : i32
        %rem3A_1618 = arith.remsi %select_n3A_1612, %select_n3A_1617 : i32
        %ne3A_1619 = arith.constant 0 : i32
        %ne3A_1620 = arith.cmpi ne, %rem3A_1618, %ne3A_1619 : i32
        %lt3A_1621 = arith.constant 0 : i32
        %lt3A_1622 = arith.cmpi slt, %rem3A_1618, %lt3A_1621 : i32
        %lt3A_1623 = arith.constant 0 : i32
        %lt3A_1624 = arith.cmpi slt, %select_n3A_1617, %lt3A_1623 : i32
        %ne3A_1625 = arith.xori %lt3A_1622, %lt3A_1624 : i1
        %and3A_1626 = arith.andi %ne3A_1625, %ne3A_1620 : i1
        %add3A_1627 = arith.addi %rem3A_1618, %select_n3A_1617 : i32
        %select_n3A_1628 = arith.select %and3A_1626, %add3A_1627, %rem3A_1618 : i32
        %dma_wait3A_1629 = arith.constant 0 : i32
        %dma_wait3A_1630 = arith.constant 0 : i32
        %dma_wait3A_1631 = arith.constant 0 : i32
        %dma_wait3A_1632 = tpu.memref_slice %arg12[%dma_wait3A_1629, %dma_wait3A_1630, %dma_wait3A_1631] : memref<8x8x129xf32, #tpu.memory_space<vmem>> -> memref<8x8x128xf32, #tpu.memory_space<vmem>>
        %dma_wait3A_1633 = arith.constant 0 : i32
        %dma_wait3A_1634 = arith.constant 0 : i32
        %dma_wait3A_1635 = arith.constant 0 : i32
        %dma_wait3A_1636 = tpu.memref_slice %arg5[%add3A_1588, %dma_wait3A_1633, %select_n3A_1628, %dma_wait3A_1634, %dma_wait3A_1635] : memref<200x8x32x8x128xf32, #tpu.memory_space<hbm>> -> memref<1x8x1x8x128xf32, #tpu.memory_space<hbm>>
        %dma_wait3A_1637 = tpu.memref_squeeze %dma_wait3A_1636 : memref<1x8x1x8x128xf32, #tpu.memory_space<hbm>> -> memref<8x8x128xf32, #tpu.memory_space<hbm>>
        %dma_wait3A_1638 = arith.constant 0 : i32
        %dma_wait3A_1639 = arith.constant 0 : i32
        %dma_wait3A_1640 = arith.constant 0 : i32
        %dma_wait3A_1641 = tpu.memref_slice %arg5[%add3A_1588, %dma_wait3A_1638, %select_n3A_1628, %dma_wait3A_1639, %dma_wait3A_1640] : memref<200x8x32x8x128xf32, #tpu.memory_space<hbm>> -> memref<1x8x1x8x128xf32, #tpu.memory_space<hbm>>
        %dma_wait3A_1642 = tpu.memref_squeeze %dma_wait3A_1641 : memref<1x8x1x8x128xf32, #tpu.memory_space<hbm>> -> memref<8x8x128xf32, #tpu.memory_space<hbm>>
        %dma_wait3A_1643 = arith.constant 0 : i32
        %dma_wait3A_1644 = arith.constant 0 : i32
        %dma_wait3A_1645 = arith.constant 0 : i32
        %dma_wait3A_1646 = tpu.memref_slice %arg12[%dma_wait3A_1643, %dma_wait3A_1644, %dma_wait3A_1645] : memref<8x8x129xf32, #tpu.memory_space<vmem>> -> memref<8x8x128xf32, #tpu.memory_space<vmem>>
        tpu.wait_dma2 semaphore(%arg20 : memref<!tpu.dma_semaphore, #tpu.memory_space<semaphore_mem>>) src(%dma_wait3A_1646 : memref<8x8x128xf32, #tpu.memory_space<vmem>>) dst(%dma_wait3A_1642 : memref<8x8x128xf32, #tpu.memory_space<hbm>>)
      } else {
      }
      %get3A = arith.index_cast %add3A_709 : i32 to index
      %get3A_758 = arith.constant 0 : index
      %get3A_759 = tpu.vector_load %arg7[%get3A, %get3A_758] {strides = array<i32>} : memref<200x64xf32, #tpu.memory_space<vmem>>, vector<16xf32>,
      %get3A_760 = arith.index_cast %add3A_709 : i32 to index
      %get3A_761 = arith.constant 16 : index
      %get3A_762 = tpu.vector_load %arg7[%get3A_760, %get3A_761] {strides = array<i32>} : memref<200x64xf32, #tpu.memory_space<vmem>>, vector<16xf32>,
      %get3A_763 = arith.index_cast %add3A_709 : i32 to index
      %get3A_764 = arith.constant 32 : index
      %get3A_765 = tpu.vector_load %arg7[%get3A_763, %get3A_764] {strides = array<i32>} : memref<200x64xf32, #tpu.memory_space<vmem>>, vector<16xf32>,
      %get3A_766 = arith.index_cast %add3A_709 : i32 to index
      %get3A_767 = arith.constant 48 : index
      %get3A_768 = tpu.vector_load %arg7[%get3A_766, %get3A_767] {strides = array<i32>} : memref<200x64xf32, #tpu.memory_space<vmem>>, vector<16xf32>,
      %parallel_loop3A = arith.constant 0 : i32
      %parallel_loop3A_769 = arith.constant 128 : i32
      %parallel_loop3A_770 = arith.constant 1 : i32
      scf.for %parallel_loop3A_1543 = %parallel_loop3A to %parallel_loop3A_769 step %parallel_loop3A_770  : i32 {
        %parallel_loop3A_1544 = vector.broadcast %parallel_loop3A_1543 : i32 to vector<16xi32>
        %parallel_loop3A_1545 = arith.index_cast %parallel_loop3A_1543 : i32 to index
        %parallel_loop3A_1546 = arith.constant 0 : index
        %parallel_loop3A_1547 = tpu.vector_load %arg8[%parallel_loop3A_1545, %parallel_loop3A_1546] {strides = array<i32>} : memref<128x64xf32, #tpu.memory_space<vmem>>, vector<16xf32>,
        %parallel_loop3A_1548 = arith.addf %parallel_loop3A_1547, %get3A_759 : vector<16xf32>
        tpu.vector_store_idx %arg12[%add3A_28, %select_n3A_150, %parallel_loop3A_1544], %parallel_loop3A_1548 : memref<8x8x129xf32, #tpu.memory_space<vmem>>[vector<16xi32>, vector<16xi32>, vector<16xi32>], vector<16xf32>,
        %parallel_loop3A_1549 = arith.index_cast %parallel_loop3A_1543 : i32 to index
        %parallel_loop3A_1550 = arith.constant 16 : index
        %parallel_loop3A_1551 = tpu.vector_load %arg8[%parallel_loop3A_1549, %parallel_loop3A_1550] {strides = array<i32>} : memref<128x64xf32, #tpu.memory_space<vmem>>, vector<16xf32>,
        %parallel_loop3A_1552 = arith.addf %parallel_loop3A_1551, %get3A_762 : vector<16xf32>
        tpu.vector_store_idx %arg12[%add3A_62, %select_n3A_172, %parallel_loop3A_1544], %parallel_loop3A_1552 : memref<8x8x129xf32, #tpu.memory_space<vmem>>[vector<16xi32>, vector<16xi32>, vector<16xi32>], vector<16xf32>,
        %parallel_loop3A_1553 = arith.index_cast %parallel_loop3A_1543 : i32 to index
        %parallel_loop3A_1554 = arith.constant 32 : index
        %parallel_loop3A_1555 = tpu.vector_load %arg8[%parallel_loop3A_1553, %parallel_loop3A_1554] {strides = array<i32>} : memref<128x64xf32, #tpu.memory_space<vmem>>, vector<16xf32>,
        %parallel_loop3A_1556 = arith.addf %parallel_loop3A_1555, %get3A_765 : vector<16xf32>
        tpu.vector_store_idx %arg12[%add3A_96, %select_n3A_194, %parallel_loop3A_1544], %parallel_loop3A_1556 : memref<8x8x129xf32, #tpu.memory_space<vmem>>[vector<16xi32>, vector<16xi32>, vector<16xi32>], vector<16xf32>,
        %parallel_loop3A_1557 = arith.index_cast %parallel_loop3A_1543 : i32 to index
        %parallel_loop3A_1558 = arith.constant 48 : index
        %parallel_loop3A_1559 = tpu.vector_load %arg8[%parallel_loop3A_1557, %parallel_loop3A_1558] {strides = array<i32>} : memref<128x64xf32, #tpu.memory_space<vmem>>, vector<16xf32>,
        %parallel_loop3A_1560 = arith.addf %parallel_loop3A_1559, %get3A_768 : vector<16xf32>
        tpu.vector_store_idx %arg12[%add3A_130, %select_n3A_216, %parallel_loop3A_1544], %parallel_loop3A_1560 : memref<8x8x129xf32, #tpu.memory_space<vmem>>[vector<16xi32>, vector<16xi32>, vector<16xi32>], vector<16xf32>,
      } {sc.loop_unroll_factor = 4 : i64, sc.parallel_access}
      %add3A_771 = arith.constant 4 : i32
      %add3A_772 = arith.addi %add3A_665, %add3A_771 : i32
      %lt3A_773 = arith.constant 200 : i32
      %lt3A_774 = arith.cmpi slt, %add3A_772, %lt3A_773 : i32
      %convert_element_type3A_775 = arith.extui %lt3A_774 : i1 to i32
      %cond3A_776 = arith.constant 0 : i32
      %cond3A_777 = arith.cmpi ne, %convert_element_type3A_775, %cond3A_776 : i32
      scf.if %cond3A_777 {
        %add3A_1543 = arith.constant 4 : i32
        %add3A_1544 = arith.addi %add3A_665, %add3A_1543 : i32
        %dma_start3A_1545 = arith.constant 0 : i32
        %dma_start3A_1546 = tpu.memref_slice %arg6[%add3A_1544, %dma_start3A_1545] : memref<200x128xi32, #tpu.memory_space<vmem>> -> memref<1x128xi32, #tpu.memory_space<vmem>>
        %dma_start3A_1547 = tpu.memref_squeeze %dma_start3A_1546 : memref<1x128xi32, #tpu.memory_space<vmem>> -> memref<128xi32, #tpu.memory_space<vmem>>
        %dma_start3A_1548 = arith.constant 0 : i32
        %dma_start3A_1549 = arith.constant 0 : i32
        %dma_start3A_1550 = tpu.memref_slice %arg3[%dma_start3A_1548, %dma_start3A_1549] : memref<100000x64xf32, #tpu.memory_space<hbm>> -> memref<100000x64xf32, #tpu.memory_space<hbm>>
        tpu.enqueue_indirect_dma source(%dma_start3A_1550 : memref<100000x64xf32, #tpu.memory_space<hbm>>) target(%arg8 : memref<128x64xf32, #tpu.memory_space<vmem>>) offsets(%dma_start3A_1547 : memref<128xi32, #tpu.memory_space<vmem>>) semaphore(%arg16 : memref<!tpu.dma_semaphore, #tpu.memory_space<semaphore_mem>>)
      } else {
      }
      %add3A_778 = arith.addi %mul3A_2, %add3A_665 : i32
      %jit3A_779 = arith.constant 256 : i32
      %div3A_780 = arith.divsi %add3A_778, %jit3A_779 : i32
      %sign3A_781 = arith.constant 0 : i32
      %sign3A_782 = arith.cmpi sgt, %add3A_778, %sign3A_781 : i32
      %sign3A_783 = arith.extui %sign3A_782 : i1 to i32
      %sign3A_784 = arith.constant 0 : i32
      %sign3A_785 = arith.cmpi slt, %add3A_778, %sign3A_784 : i32
      %sign3A_786 = arith.extui %sign3A_785 : i1 to i32
      %sign3A_787 = arith.subi %sign3A_783, %sign3A_786 : i32
      %sign3A_788 = arith.constant 0 : i32
      %sign3A_789 = arith.cmpi sgt, %jit3A_779, %sign3A_788 : i32
      %sign3A_790 = arith.extui %sign3A_789 : i1 to i32
      %sign3A_791 = arith.constant 0 : i32
      %sign3A_792 = arith.cmpi slt, %jit3A_779, %sign3A_791 : i32
      %sign3A_793 = arith.extui %sign3A_792 : i1 to i32
      %sign3A_794 = arith.subi %sign3A_790, %sign3A_793 : i32
      %ne3A_795 = arith.cmpi ne, %sign3A_787, %sign3A_794 : i32
      %rem3A_796 = arith.remsi %add3A_778, %jit3A_779 : i32
      %ne3A_797 = arith.constant 0 : i32
      %ne3A_798 = arith.cmpi ne, %rem3A_796, %ne3A_797 : i32
      %and3A_799 = arith.andi %ne3A_795, %ne3A_798 : i1
      %sub3A_800 = arith.constant 1 : i32
      %sub3A_801 = arith.subi %div3A_780, %sub3A_800 : i32
      %select_n3A_802 = arith.select %and3A_799, %sub3A_801, %div3A_780 : i32
      %mul3A_803 = arith.constant 8 : i32
      %mul3A_804 = arith.muli %select_n3A_802, %mul3A_803 : i32
      %jit3A_805 = arith.constant 8 : i32
      %eq3A_806 = arith.constant 0 : i32
      %eq3A_807 = arith.cmpi eq, %jit3A_805, %eq3A_806 : i32
      %jit3A_808 = arith.constant 1 : i32
      %select_n3A_809 = arith.select %eq3A_807, %jit3A_808, %jit3A_805 : i32
      %rem3A_810 = arith.remsi %add3A_778, %select_n3A_809 : i32
      %ne3A_811 = arith.constant 0 : i32
      %ne3A_812 = arith.cmpi ne, %rem3A_810, %ne3A_811 : i32
      %lt3A_813 = arith.constant 0 : i32
      %lt3A_814 = arith.cmpi slt, %rem3A_810, %lt3A_813 : i32
      %lt3A_815 = arith.constant 0 : i32
      %lt3A_816 = arith.cmpi slt, %select_n3A_809, %lt3A_815 : i32
      %ne3A_817 = arith.xori %lt3A_814, %lt3A_816 : i1
      %and3A_818 = arith.andi %ne3A_817, %ne3A_812 : i1
      %add3A_819 = arith.addi %rem3A_810, %select_n3A_809 : i32
      %select_n3A_820 = arith.select %and3A_818, %add3A_819, %rem3A_810 : i32
      %add3A_821 = arith.addi %mul3A_804, %select_n3A_820 : i32
      %jit3A_822 = arith.constant 8 : i32
      %div3A_823 = arith.divsi %add3A_778, %jit3A_822 : i32
      %sign3A_824 = arith.constant 0 : i32
      %sign3A_825 = arith.cmpi sgt, %add3A_778, %sign3A_824 : i32
      %sign3A_826 = arith.extui %sign3A_825 : i1 to i32
      %sign3A_827 = arith.constant 0 : i32
      %sign3A_828 = arith.cmpi slt, %add3A_778, %sign3A_827 : i32
      %sign3A_829 = arith.extui %sign3A_828 : i1 to i32
      %sign3A_830 = arith.subi %sign3A_826, %sign3A_829 : i32
      %sign3A_831 = arith.constant 0 : i32
      %sign3A_832 = arith.cmpi sgt, %jit3A_822, %sign3A_831 : i32
      %sign3A_833 = arith.extui %sign3A_832 : i1 to i32
      %sign3A_834 = arith.constant 0 : i32
      %sign3A_835 = arith.cmpi slt, %jit3A_822, %sign3A_834 : i32
      %sign3A_836 = arith.extui %sign3A_835 : i1 to i32
      %sign3A_837 = arith.subi %sign3A_833, %sign3A_836 : i32
      %ne3A_838 = arith.cmpi ne, %sign3A_830, %sign3A_837 : i32
      %rem3A_839 = arith.remsi %add3A_778, %jit3A_822 : i32
      %ne3A_840 = arith.constant 0 : i32
      %ne3A_841 = arith.cmpi ne, %rem3A_839, %ne3A_840 : i32
      %and3A_842 = arith.andi %ne3A_838, %ne3A_841 : i1
      %sub3A_843 = arith.constant 1 : i32
      %sub3A_844 = arith.subi %div3A_823, %sub3A_843 : i32
      %select_n3A_845 = arith.select %and3A_842, %sub3A_844, %div3A_823 : i32
      %jit3A_846 = arith.constant 32 : i32
      %eq3A_847 = arith.constant 0 : i32
      %eq3A_848 = arith.cmpi eq, %jit3A_846, %eq3A_847 : i32
      %jit3A_849 = arith.constant 1 : i32
      %select_n3A_850 = arith.select %eq3A_848, %jit3A_849, %jit3A_846 : i32
      %rem3A_851 = arith.remsi %select_n3A_845, %select_n3A_850 : i32
      %ne3A_852 = arith.constant 0 : i32
      %ne3A_853 = arith.cmpi ne, %rem3A_851, %ne3A_852 : i32
      %lt3A_854 = arith.constant 0 : i32
      %lt3A_855 = arith.cmpi slt, %rem3A_851, %lt3A_854 : i32
      %lt3A_856 = arith.constant 0 : i32
      %lt3A_857 = arith.cmpi slt, %select_n3A_850, %lt3A_856 : i32
      %ne3A_858 = arith.xori %lt3A_855, %lt3A_857 : i1
      %and3A_859 = arith.andi %ne3A_858, %ne3A_853 : i1
      %add3A_860 = arith.addi %rem3A_851, %select_n3A_850 : i32
      %select_n3A_861 = arith.select %and3A_859, %add3A_860, %rem3A_851 : i32
      %dma_start3A_862 = arith.constant 0 : i32
      %dma_start3A_863 = arith.constant 0 : i32
      %dma_start3A_864 = arith.constant 0 : i32
      %dma_start3A_865 = tpu.memref_slice %arg12[%dma_start3A_862, %dma_start3A_863, %dma_start3A_864] : memref<8x8x129xf32, #tpu.memory_space<vmem>> -> memref<8x8x128xf32, #tpu.memory_space<vmem>>
      %dma_start3A_866 = arith.constant 0 : i32
      %dma_start3A_867 = arith.constant 0 : i32
      %dma_start3A_868 = arith.constant 0 : i32
      %dma_start3A_869 = tpu.memref_slice %arg5[%add3A_821, %dma_start3A_866, %select_n3A_861, %dma_start3A_867, %dma_start3A_868] : memref<200x8x32x8x128xf32, #tpu.memory_space<hbm>> -> memref<1x8x1x8x128xf32, #tpu.memory_space<hbm>>
      %dma_start3A_870 = tpu.memref_squeeze %dma_start3A_869 : memref<1x8x1x8x128xf32, #tpu.memory_space<hbm>> -> memref<8x8x128xf32, #tpu.memory_space<hbm>>
      %dma_start3A_871 = arith.constant 0 : i32
      %dma_start3A_872 = arith.constant 0 : i32
      %dma_start3A_873 = arith.constant 0 : i32
      %dma_start3A_874 = tpu.memref_slice %arg5[%add3A_821, %dma_start3A_871, %select_n3A_861, %dma_start3A_872, %dma_start3A_873] : memref<200x8x32x8x128xf32, #tpu.memory_space<hbm>> -> memref<1x8x1x8x128xf32, #tpu.memory_space<hbm>>
      %dma_start3A_875 = tpu.memref_squeeze %dma_start3A_874 : memref<1x8x1x8x128xf32, #tpu.memory_space<hbm>> -> memref<8x8x128xf32, #tpu.memory_space<hbm>>
      %dma_start3A_876 = arith.constant 0 : i32
      %dma_start3A_877 = arith.constant 0 : i32
      %dma_start3A_878 = arith.constant 0 : i32
      %dma_start3A_879 = tpu.memref_slice %arg12[%dma_start3A_876, %dma_start3A_877, %dma_start3A_878] : memref<8x8x129xf32, #tpu.memory_space<vmem>> -> memref<8x8x128xf32, #tpu.memory_space<vmem>>
      tpu.enqueue_dma source(%dma_start3A_879 : memref<8x8x128xf32, #tpu.memory_space<vmem>>) target(%dma_start3A_875 : memref<8x8x128xf32, #tpu.memory_space<hbm>>) target_semaphore(%arg20 : memref<!tpu.dma_semaphore, #tpu.memory_space<semaphore_mem>>)
      %add3A_880 = arith.constant 1 : i32
      %add3A_881 = arith.addi %add3A_663, %add3A_880 : i32
      %add3A_882 = arith.addi %mul3A_2, %add3A_881 : i32
      %jit3A_883 = arith.constant 256 : i32
      %div3A_884 = arith.divsi %add3A_882, %jit3A_883 : i32
      %sign3A_885 = arith.constant 0 : i32
      %sign3A_886 = arith.cmpi sgt, %add3A_882, %sign3A_885 : i32
      %sign3A_887 = arith.extui %sign3A_886 : i1 to i32
      %sign3A_888 = arith.constant 0 : i32
      %sign3A_889 = arith.cmpi slt, %add3A_882, %sign3A_888 : i32
      %sign3A_890 = arith.extui %sign3A_889 : i1 to i32
      %sign3A_891 = arith.subi %sign3A_887, %sign3A_890 : i32
      %sign3A_892 = arith.constant 0 : i32
      %sign3A_893 = arith.cmpi sgt, %jit3A_883, %sign3A_892 : i32
      %sign3A_894 = arith.extui %sign3A_893 : i1 to i32
      %sign3A_895 = arith.constant 0 : i32
      %sign3A_896 = arith.cmpi slt, %jit3A_883, %sign3A_895 : i32
      %sign3A_897 = arith.extui %sign3A_896 : i1 to i32
      %sign3A_898 = arith.subi %sign3A_894, %sign3A_897 : i32
      %ne3A_899 = arith.cmpi ne, %sign3A_891, %sign3A_898 : i32
      %rem3A_900 = arith.remsi %add3A_882, %jit3A_883 : i32
      %ne3A_901 = arith.constant 0 : i32
      %ne3A_902 = arith.cmpi ne, %rem3A_900, %ne3A_901 : i32
      %and3A_903 = arith.andi %ne3A_899, %ne3A_902 : i1
      %sub3A_904 = arith.constant 1 : i32
      %sub3A_905 = arith.subi %div3A_884, %sub3A_904 : i32
      %select_n3A_906 = arith.select %and3A_903, %sub3A_905, %div3A_884 : i32
      %mul3A_907 = arith.constant 8 : i32
      %mul3A_908 = arith.muli %select_n3A_906, %mul3A_907 : i32
      %jit3A_909 = arith.constant 8 : i32
      %eq3A_910 = arith.constant 0 : i32
      %eq3A_911 = arith.cmpi eq, %jit3A_909, %eq3A_910 : i32
      %jit3A_912 = arith.constant 1 : i32
      %select_n3A_913 = arith.select %eq3A_911, %jit3A_912, %jit3A_909 : i32
      %rem3A_914 = arith.remsi %add3A_882, %select_n3A_913 : i32
      %ne3A_915 = arith.constant 0 : i32
      %ne3A_916 = arith.cmpi ne, %rem3A_914, %ne3A_915 : i32
      %lt3A_917 = arith.constant 0 : i32
      %lt3A_918 = arith.cmpi slt, %rem3A_914, %lt3A_917 : i32
      %lt3A_919 = arith.constant 0 : i32
      %lt3A_920 = arith.cmpi slt, %select_n3A_913, %lt3A_919 : i32
      %ne3A_921 = arith.xori %lt3A_918, %lt3A_920 : i1
      %and3A_922 = arith.andi %ne3A_921, %ne3A_916 : i1
      %add3A_923 = arith.addi %rem3A_914, %select_n3A_913 : i32
      %select_n3A_924 = arith.select %and3A_922, %add3A_923, %rem3A_914 : i32
      %add3A_925 = arith.addi %mul3A_908, %select_n3A_924 : i32
      %jit3A_926 = arith.constant 8 : i32
      %div3A_927 = arith.divsi %add3A_882, %jit3A_926 : i32
      %sign3A_928 = arith.constant 0 : i32
      %sign3A_929 = arith.cmpi sgt, %add3A_882, %sign3A_928 : i32
      %sign3A_930 = arith.extui %sign3A_929 : i1 to i32
      %sign3A_931 = arith.constant 0 : i32
      %sign3A_932 = arith.cmpi slt, %add3A_882, %sign3A_931 : i32
      %sign3A_933 = arith.extui %sign3A_932 : i1 to i32
      %sign3A_934 = arith.subi %sign3A_930, %sign3A_933 : i32
      %sign3A_935 = arith.constant 0 : i32
      %sign3A_936 = arith.cmpi sgt, %jit3A_926, %sign3A_935 : i32
      %sign3A_937 = arith.extui %sign3A_936 : i1 to i32
      %sign3A_938 = arith.constant 0 : i32
      %sign3A_939 = arith.cmpi slt, %jit3A_926, %sign3A_938 : i32
      %sign3A_940 = arith.extui %sign3A_939 : i1 to i32
      %sign3A_941 = arith.subi %sign3A_937, %sign3A_940 : i32
      %ne3A_942 = arith.cmpi ne, %sign3A_934, %sign3A_941 : i32
      %rem3A_943 = arith.remsi %add3A_882, %jit3A_926 : i32
      %ne3A_944 = arith.constant 0 : i32
      %ne3A_945 = arith.cmpi ne, %rem3A_943, %ne3A_944 : i32
      %and3A_946 = arith.andi %ne3A_942, %ne3A_945 : i1
      %sub3A_947 = arith.constant 1 : i32
      %sub3A_948 = arith.subi %div3A_927, %sub3A_947 : i32
      %select_n3A_949 = arith.select %and3A_946, %sub3A_948, %div3A_927 : i32
      %jit3A_950 = arith.constant 32 : i32
      %eq3A_951 = arith.constant 0 : i32
      %eq3A_952 = arith.cmpi eq, %jit3A_950, %eq3A_951 : i32
      %jit3A_953 = arith.constant 1 : i32
      %select_n3A_954 = arith.select %eq3A_952, %jit3A_953, %jit3A_950 : i32
      %rem3A_955 = arith.remsi %select_n3A_949, %select_n3A_954 : i32
      %ne3A_956 = arith.constant 0 : i32
      %ne3A_957 = arith.cmpi ne, %rem3A_955, %ne3A_956 : i32
      %lt3A_958 = arith.constant 0 : i32
      %lt3A_959 = arith.cmpi slt, %rem3A_955, %lt3A_958 : i32
      %lt3A_960 = arith.constant 0 : i32
      %lt3A_961 = arith.cmpi slt, %select_n3A_954, %lt3A_960 : i32
      %ne3A_962 = arith.xori %lt3A_959, %lt3A_961 : i1
      %and3A_963 = arith.andi %ne3A_962, %ne3A_957 : i1
      %add3A_964 = arith.addi %rem3A_955, %select_n3A_954 : i32
      %select_n3A_965 = arith.select %and3A_963, %add3A_964, %rem3A_955 : i32
      %dma_wait3A_966 = arith.constant 0 : i32
      %dma_wait3A_967 = tpu.memref_slice %arg6[%add3A_881, %dma_wait3A_966] : memref<200x128xi32, #tpu.memory_space<vmem>> -> memref<1x128xi32, #tpu.memory_space<vmem>>
      %dma_wait3A_968 = tpu.memref_squeeze %dma_wait3A_967 : memref<1x128xi32, #tpu.memory_space<vmem>> -> memref<128xi32, #tpu.memory_space<vmem>>
      %dma_wait3A_969 = arith.constant 0 : i32
      %dma_wait3A_970 = arith.constant 0 : i32
      %dma_wait3A_971 = tpu.memref_slice %arg3[%dma_wait3A_969, %dma_wait3A_970] : memref<100000x64xf32, #tpu.memory_space<hbm>> -> memref<100000x64xf32, #tpu.memory_space<hbm>>
      tpu.wait_indirect_dma semaphore(%arg17 : memref<!tpu.dma_semaphore, #tpu.memory_space<semaphore_mem>>) src(%dma_wait3A_971 : memref<100000x64xf32, #tpu.memory_space<hbm>>) dst(%arg9 : memref<128x64xf32, #tpu.memory_space<vmem>>)
      %ge3A_972 = arith.constant 4 : i32
      %ge3A_973 = arith.cmpi sge, %add3A_881, %ge3A_972 : i32
      %convert_element_type3A_974 = arith.extui %ge3A_973 : i1 to i32
      %cond3A_975 = arith.constant 0 : i32
      %cond3A_976 = arith.cmpi ne, %convert_element_type3A_974, %cond3A_975 : i32
      scf.if %cond3A_976 {
        %sub3A_1543 = arith.constant 4 : i32
        %sub3A_1544 = arith.subi %add3A_881, %sub3A_1543 : i32
        %add3A_1545 = arith.addi %mul3A_2, %sub3A_1544 : i32
        %jit3A_1546 = arith.constant 256 : i32
        %div3A_1547 = arith.divsi %add3A_1545, %jit3A_1546 : i32
        %sign3A_1548 = arith.constant 0 : i32
        %sign3A_1549 = arith.cmpi sgt, %add3A_1545, %sign3A_1548 : i32
        %sign3A_1550 = arith.extui %sign3A_1549 : i1 to i32
        %sign3A_1551 = arith.constant 0 : i32
        %sign3A_1552 = arith.cmpi slt, %add3A_1545, %sign3A_1551 : i32
        %sign3A_1553 = arith.extui %sign3A_1552 : i1 to i32
        %sign3A_1554 = arith.subi %sign3A_1550, %sign3A_1553 : i32
        %sign3A_1555 = arith.constant 0 : i32
        %sign3A_1556 = arith.cmpi sgt, %jit3A_1546, %sign3A_1555 : i32
        %sign3A_1557 = arith.extui %sign3A_1556 : i1 to i32
        %sign3A_1558 = arith.constant 0 : i32
        %sign3A_1559 = arith.cmpi slt, %jit3A_1546, %sign3A_1558 : i32
        %sign3A_1560 = arith.extui %sign3A_1559 : i1 to i32
        %sign3A_1561 = arith.subi %sign3A_1557, %sign3A_1560 : i32
        %ne3A_1562 = arith.cmpi ne, %sign3A_1554, %sign3A_1561 : i32
        %rem3A_1563 = arith.remsi %add3A_1545, %jit3A_1546 : i32
        %ne3A_1564 = arith.constant 0 : i32
        %ne3A_1565 = arith.cmpi ne, %rem3A_1563, %ne3A_1564 : i32
        %and3A_1566 = arith.andi %ne3A_1562, %ne3A_1565 : i1
        %sub3A_1567 = arith.constant 1 : i32
        %sub3A_1568 = arith.subi %div3A_1547, %sub3A_1567 : i32
        %select_n3A_1569 = arith.select %and3A_1566, %sub3A_1568, %div3A_1547 : i32
        %mul3A_1570 = arith.constant 8 : i32
        %mul3A_1571 = arith.muli %select_n3A_1569, %mul3A_1570 : i32
        %jit3A_1572 = arith.constant 8 : i32
        %eq3A_1573 = arith.constant 0 : i32
        %eq3A_1574 = arith.cmpi eq, %jit3A_1572, %eq3A_1573 : i32
        %jit3A_1575 = arith.constant 1 : i32
        %select_n3A_1576 = arith.select %eq3A_1574, %jit3A_1575, %jit3A_1572 : i32
        %rem3A_1577 = arith.remsi %add3A_1545, %select_n3A_1576 : i32
        %ne3A_1578 = arith.constant 0 : i32
        %ne3A_1579 = arith.cmpi ne, %rem3A_1577, %ne3A_1578 : i32
        %lt3A_1580 = arith.constant 0 : i32
        %lt3A_1581 = arith.cmpi slt, %rem3A_1577, %lt3A_1580 : i32
        %lt3A_1582 = arith.constant 0 : i32
        %lt3A_1583 = arith.cmpi slt, %select_n3A_1576, %lt3A_1582 : i32
        %ne3A_1584 = arith.xori %lt3A_1581, %lt3A_1583 : i1
        %and3A_1585 = arith.andi %ne3A_1584, %ne3A_1579 : i1
        %add3A_1586 = arith.addi %rem3A_1577, %select_n3A_1576 : i32
        %select_n3A_1587 = arith.select %and3A_1585, %add3A_1586, %rem3A_1577 : i32
        %add3A_1588 = arith.addi %mul3A_1571, %select_n3A_1587 : i32
        %jit3A_1589 = arith.constant 8 : i32
        %div3A_1590 = arith.divsi %add3A_1545, %jit3A_1589 : i32
        %sign3A_1591 = arith.constant 0 : i32
        %sign3A_1592 = arith.cmpi sgt, %add3A_1545, %sign3A_1591 : i32
        %sign3A_1593 = arith.extui %sign3A_1592 : i1 to i32
        %sign3A_1594 = arith.constant 0 : i32
        %sign3A_1595 = arith.cmpi slt, %add3A_1545, %sign3A_1594 : i32
        %sign3A_1596 = arith.extui %sign3A_1595 : i1 to i32
        %sign3A_1597 = arith.subi %sign3A_1593, %sign3A_1596 : i32
        %sign3A_1598 = arith.constant 0 : i32
        %sign3A_1599 = arith.cmpi sgt, %jit3A_1589, %sign3A_1598 : i32
        %sign3A_1600 = arith.extui %sign3A_1599 : i1 to i32
        %sign3A_1601 = arith.constant 0 : i32
        %sign3A_1602 = arith.cmpi slt, %jit3A_1589, %sign3A_1601 : i32
        %sign3A_1603 = arith.extui %sign3A_1602 : i1 to i32
        %sign3A_1604 = arith.subi %sign3A_1600, %sign3A_1603 : i32
        %ne3A_1605 = arith.cmpi ne, %sign3A_1597, %sign3A_1604 : i32
        %rem3A_1606 = arith.remsi %add3A_1545, %jit3A_1589 : i32
        %ne3A_1607 = arith.constant 0 : i32
        %ne3A_1608 = arith.cmpi ne, %rem3A_1606, %ne3A_1607 : i32
        %and3A_1609 = arith.andi %ne3A_1605, %ne3A_1608 : i1
        %sub3A_1610 = arith.constant 1 : i32
        %sub3A_1611 = arith.subi %div3A_1590, %sub3A_1610 : i32
        %select_n3A_1612 = arith.select %and3A_1609, %sub3A_1611, %div3A_1590 : i32
        %jit3A_1613 = arith.constant 32 : i32
        %eq3A_1614 = arith.constant 0 : i32
        %eq3A_1615 = arith.cmpi eq, %jit3A_1613, %eq3A_1614 : i32
        %jit3A_1616 = arith.constant 1 : i32
        %select_n3A_1617 = arith.select %eq3A_1615, %jit3A_1616, %jit3A_1613 : i32
        %rem3A_1618 = arith.remsi %select_n3A_1612, %select_n3A_1617 : i32
        %ne3A_1619 = arith.constant 0 : i32
        %ne3A_1620 = arith.cmpi ne, %rem3A_1618, %ne3A_1619 : i32
        %lt3A_1621 = arith.constant 0 : i32
        %lt3A_1622 = arith.cmpi slt, %rem3A_1618, %lt3A_1621 : i32
        %lt3A_1623 = arith.constant 0 : i32
        %lt3A_1624 = arith.cmpi slt, %select_n3A_1617, %lt3A_1623 : i32
        %ne3A_1625 = arith.xori %lt3A_1622, %lt3A_1624 : i1
        %and3A_1626 = arith.andi %ne3A_1625, %ne3A_1620 : i1
        %add3A_1627 = arith.addi %rem3A_1618, %select_n3A_1617 : i32
        %select_n3A_1628 = arith.select %and3A_1626, %add3A_1627, %rem3A_1618 : i32
        %dma_wait3A_1629 = arith.constant 0 : i32
        %dma_wait3A_1630 = arith.constant 0 : i32
        %dma_wait3A_1631 = arith.constant 0 : i32
        %dma_wait3A_1632 = tpu.memref_slice %arg13[%dma_wait3A_1629, %dma_wait3A_1630, %dma_wait3A_1631] : memref<8x8x129xf32, #tpu.memory_space<vmem>> -> memref<8x8x128xf32, #tpu.memory_space<vmem>>
        %dma_wait3A_1633 = arith.constant 0 : i32
        %dma_wait3A_1634 = arith.constant 0 : i32
        %dma_wait3A_1635 = arith.constant 0 : i32
        %dma_wait3A_1636 = tpu.memref_slice %arg5[%add3A_1588, %dma_wait3A_1633, %select_n3A_1628, %dma_wait3A_1634, %dma_wait3A_1635] : memref<200x8x32x8x128xf32, #tpu.memory_space<hbm>> -> memref<1x8x1x8x128xf32, #tpu.memory_space<hbm>>
        %dma_wait3A_1637 = tpu.memref_squeeze %dma_wait3A_1636 : memref<1x8x1x8x128xf32, #tpu.memory_space<hbm>> -> memref<8x8x128xf32, #tpu.memory_space<hbm>>
        %dma_wait3A_1638 = arith.constant 0 : i32
        %dma_wait3A_1639 = arith.constant 0 : i32
        %dma_wait3A_1640 = arith.constant 0 : i32
        %dma_wait3A_1641 = tpu.memref_slice %arg5[%add3A_1588, %dma_wait3A_1638, %select_n3A_1628, %dma_wait3A_1639, %dma_wait3A_1640] : memref<200x8x32x8x128xf32, #tpu.memory_space<hbm>> -> memref<1x8x1x8x128xf32, #tpu.memory_space<hbm>>
        %dma_wait3A_1642 = tpu.memref_squeeze %dma_wait3A_1641 : memref<1x8x1x8x128xf32, #tpu.memory_space<hbm>> -> memref<8x8x128xf32, #tpu.memory_space<hbm>>
        %dma_wait3A_1643 = arith.constant 0 : i32
        %dma_wait3A_1644 = arith.constant 0 : i32
        %dma_wait3A_1645 = arith.constant 0 : i32
        %dma_wait3A_1646 = tpu.memref_slice %arg13[%dma_wait3A_1643, %dma_wait3A_1644, %dma_wait3A_1645] : memref<8x8x129xf32, #tpu.memory_space<vmem>> -> memref<8x8x128xf32, #tpu.memory_space<vmem>>
        tpu.wait_dma2 semaphore(%arg21 : memref<!tpu.dma_semaphore, #tpu.memory_space<semaphore_mem>>) src(%dma_wait3A_1646 : memref<8x8x128xf32, #tpu.memory_space<vmem>>) dst(%dma_wait3A_1642 : memref<8x8x128xf32, #tpu.memory_space<hbm>>)
      } else {
      }
      %get3A_977 = arith.index_cast %add3A_925 : i32 to index
      %get3A_978 = arith.constant 0 : index
      %get3A_979 = tpu.vector_load %arg7[%get3A_977, %get3A_978] {strides = array<i32>} : memref<200x64xf32, #tpu.memory_space<vmem>>, vector<16xf32>,
      %get3A_980 = arith.index_cast %add3A_925 : i32 to index
      %get3A_981 = arith.constant 16 : index
      %get3A_982 = tpu.vector_load %arg7[%get3A_980, %get3A_981] {strides = array<i32>} : memref<200x64xf32, #tpu.memory_space<vmem>>, vector<16xf32>,
      %get3A_983 = arith.index_cast %add3A_925 : i32 to index
      %get3A_984 = arith.constant 32 : index
      %get3A_985 = tpu.vector_load %arg7[%get3A_983, %get3A_984] {strides = array<i32>} : memref<200x64xf32, #tpu.memory_space<vmem>>, vector<16xf32>,
      %get3A_986 = arith.index_cast %add3A_925 : i32 to index
      %get3A_987 = arith.constant 48 : index
      %get3A_988 = tpu.vector_load %arg7[%get3A_986, %get3A_987] {strides = array<i32>} : memref<200x64xf32, #tpu.memory_space<vmem>>, vector<16xf32>,
      %parallel_loop3A_989 = arith.constant 0 : i32
      %parallel_loop3A_990 = arith.constant 128 : i32
      %parallel_loop3A_991 = arith.constant 1 : i32
      scf.for %parallel_loop3A_1543 = %parallel_loop3A_989 to %parallel_loop3A_990 step %parallel_loop3A_991  : i32 {
        %parallel_loop3A_1544 = vector.broadcast %parallel_loop3A_1543 : i32 to vector<16xi32>
        %parallel_loop3A_1545 = arith.index_cast %parallel_loop3A_1543 : i32 to index
        %parallel_loop3A_1546 = arith.constant 0 : index
        %parallel_loop3A_1547 = tpu.vector_load %arg9[%parallel_loop3A_1545, %parallel_loop3A_1546] {strides = array<i32>} : memref<128x64xf32, #tpu.memory_space<vmem>>, vector<16xf32>,
        %parallel_loop3A_1548 = arith.addf %parallel_loop3A_1547, %get3A_979 : vector<16xf32>
        tpu.vector_store_idx %arg13[%add3A_28, %select_n3A_150, %parallel_loop3A_1544], %parallel_loop3A_1548 : memref<8x8x129xf32, #tpu.memory_space<vmem>>[vector<16xi32>, vector<16xi32>, vector<16xi32>], vector<16xf32>,
        %parallel_loop3A_1549 = arith.index_cast %parallel_loop3A_1543 : i32 to index
        %parallel_loop3A_1550 = arith.constant 16 : index
        %parallel_loop3A_1551 = tpu.vector_load %arg9[%parallel_loop3A_1549, %parallel_loop3A_1550] {strides = array<i32>} : memref<128x64xf32, #tpu.memory_space<vmem>>, vector<16xf32>,
        %parallel_loop3A_1552 = arith.addf %parallel_loop3A_1551, %get3A_982 : vector<16xf32>
        tpu.vector_store_idx %arg13[%add3A_62, %select_n3A_172, %parallel_loop3A_1544], %parallel_loop3A_1552 : memref<8x8x129xf32, #tpu.memory_space<vmem>>[vector<16xi32>, vector<16xi32>, vector<16xi32>], vector<16xf32>,
        %parallel_loop3A_1553 = arith.index_cast %parallel_loop3A_1543 : i32 to index
        %parallel_loop3A_1554 = arith.constant 32 : index
        %parallel_loop3A_1555 = tpu.vector_load %arg9[%parallel_loop3A_1553, %parallel_loop3A_1554] {strides = array<i32>} : memref<128x64xf32, #tpu.memory_space<vmem>>, vector<16xf32>,
        %parallel_loop3A_1556 = arith.addf %parallel_loop3A_1555, %get3A_985 : vector<16xf32>
        tpu.vector_store_idx %arg13[%add3A_96, %select_n3A_194, %parallel_loop3A_1544], %parallel_loop3A_1556 : memref<8x8x129xf32, #tpu.memory_space<vmem>>[vector<16xi32>, vector<16xi32>, vector<16xi32>], vector<16xf32>,
        %parallel_loop3A_1557 = arith.index_cast %parallel_loop3A_1543 : i32 to index
        %parallel_loop3A_1558 = arith.constant 48 : index
        %parallel_loop3A_1559 = tpu.vector_load %arg9[%parallel_loop3A_1557, %parallel_loop3A_1558] {strides = array<i32>} : memref<128x64xf32, #tpu.memory_space<vmem>>, vector<16xf32>,
        %parallel_loop3A_1560 = arith.addf %parallel_loop3A_1559, %get3A_988 : vector<16xf32>
        tpu.vector_store_idx %arg13[%add3A_130, %select_n3A_216, %parallel_loop3A_1544], %parallel_loop3A_1560 : memref<8x8x129xf32, #tpu.memory_space<vmem>>[vector<16xi32>, vector<16xi32>, vector<16xi32>], vector<16xf32>,
      } {sc.loop_unroll_factor = 4 : i64, sc.parallel_access}
      %add3A_992 = arith.constant 4 : i32
      %add3A_993 = arith.addi %add3A_881, %add3A_992 : i32
      %lt3A_994 = arith.constant 200 : i32
      %lt3A_995 = arith.cmpi slt, %add3A_993, %lt3A_994 : i32
      %convert_element_type3A_996 = arith.extui %lt3A_995 : i1 to i32
      %cond3A_997 = arith.constant 0 : i32
      %cond3A_998 = arith.cmpi ne, %convert_element_type3A_996, %cond3A_997 : i32
      scf.if %cond3A_998 {
        %add3A_1543 = arith.constant 4 : i32
        %add3A_1544 = arith.addi %add3A_881, %add3A_1543 : i32
        %dma_start3A_1545 = arith.constant 0 : i32
        %dma_start3A_1546 = tpu.memref_slice %arg6[%add3A_1544, %dma_start3A_1545] : memref<200x128xi32, #tpu.memory_space<vmem>> -> memref<1x128xi32, #tpu.memory_space<vmem>>
        %dma_start3A_1547 = tpu.memref_squeeze %dma_start3A_1546 : memref<1x128xi32, #tpu.memory_space<vmem>> -> memref<128xi32, #tpu.memory_space<vmem>>
        %dma_start3A_1548 = arith.constant 0 : i32
        %dma_start3A_1549 = arith.constant 0 : i32
        %dma_start3A_1550 = tpu.memref_slice %arg3[%dma_start3A_1548, %dma_start3A_1549] : memref<100000x64xf32, #tpu.memory_space<hbm>> -> memref<100000x64xf32, #tpu.memory_space<hbm>>
        tpu.enqueue_indirect_dma source(%dma_start3A_1550 : memref<100000x64xf32, #tpu.memory_space<hbm>>) target(%arg9 : memref<128x64xf32, #tpu.memory_space<vmem>>) offsets(%dma_start3A_1547 : memref<128xi32, #tpu.memory_space<vmem>>) semaphore(%arg17 : memref<!tpu.dma_semaphore, #tpu.memory_space<semaphore_mem>>)
      } else {
      }
      %add3A_999 = arith.addi %mul3A_2, %add3A_881 : i32
      %jit3A_1000 = arith.constant 256 : i32
      %div3A_1001 = arith.divsi %add3A_999, %jit3A_1000 : i32
      %sign3A_1002 = arith.constant 0 : i32
      %sign3A_1003 = arith.cmpi sgt, %add3A_999, %sign3A_1002 : i32
      %sign3A_1004 = arith.extui %sign3A_1003 : i1 to i32
      %sign3A_1005 = arith.constant 0 : i32
      %sign3A_1006 = arith.cmpi slt, %add3A_999, %sign3A_1005 : i32
      %sign3A_1007 = arith.extui %sign3A_1006 : i1 to i32
      %sign3A_1008 = arith.subi %sign3A_1004, %sign3A_1007 : i32
      %sign3A_1009 = arith.constant 0 : i32
      %sign3A_1010 = arith.cmpi sgt, %jit3A_1000, %sign3A_1009 : i32
      %sign3A_1011 = arith.extui %sign3A_1010 : i1 to i32
      %sign3A_1012 = arith.constant 0 : i32
      %sign3A_1013 = arith.cmpi slt, %jit3A_1000, %sign3A_1012 : i32
      %sign3A_1014 = arith.extui %sign3A_1013 : i1 to i32
      %sign3A_1015 = arith.subi %sign3A_1011, %sign3A_1014 : i32
      %ne3A_1016 = arith.cmpi ne, %sign3A_1008, %sign3A_1015 : i32
      %rem3A_1017 = arith.remsi %add3A_999, %jit3A_1000 : i32
      %ne3A_1018 = arith.constant 0 : i32
      %ne3A_1019 = arith.cmpi ne, %rem3A_1017, %ne3A_1018 : i32
      %and3A_1020 = arith.andi %ne3A_1016, %ne3A_1019 : i1
      %sub3A_1021 = arith.constant 1 : i32
      %sub3A_1022 = arith.subi %div3A_1001, %sub3A_1021 : i32
      %select_n3A_1023 = arith.select %and3A_1020, %sub3A_1022, %div3A_1001 : i32
      %mul3A_1024 = arith.constant 8 : i32
      %mul3A_1025 = arith.muli %select_n3A_1023, %mul3A_1024 : i32
      %jit3A_1026 = arith.constant 8 : i32
      %eq3A_1027 = arith.constant 0 : i32
      %eq3A_1028 = arith.cmpi eq, %jit3A_1026, %eq3A_1027 : i32
      %jit3A_1029 = arith.constant 1 : i32
      %select_n3A_1030 = arith.select %eq3A_1028, %jit3A_1029, %jit3A_1026 : i32
      %rem3A_1031 = arith.remsi %add3A_999, %select_n3A_1030 : i32
      %ne3A_1032 = arith.constant 0 : i32
      %ne3A_1033 = arith.cmpi ne, %rem3A_1031, %ne3A_1032 : i32
      %lt3A_1034 = arith.constant 0 : i32
      %lt3A_1035 = arith.cmpi slt, %rem3A_1031, %lt3A_1034 : i32
      %lt3A_1036 = arith.constant 0 : i32
      %lt3A_1037 = arith.cmpi slt, %select_n3A_1030, %lt3A_1036 : i32
      %ne3A_1038 = arith.xori %lt3A_1035, %lt3A_1037 : i1
      %and3A_1039 = arith.andi %ne3A_1038, %ne3A_1033 : i1
      %add3A_1040 = arith.addi %rem3A_1031, %select_n3A_1030 : i32
      %select_n3A_1041 = arith.select %and3A_1039, %add3A_1040, %rem3A_1031 : i32
      %add3A_1042 = arith.addi %mul3A_1025, %select_n3A_1041 : i32
      %jit3A_1043 = arith.constant 8 : i32
      %div3A_1044 = arith.divsi %add3A_999, %jit3A_1043 : i32
      %sign3A_1045 = arith.constant 0 : i32
      %sign3A_1046 = arith.cmpi sgt, %add3A_999, %sign3A_1045 : i32
      %sign3A_1047 = arith.extui %sign3A_1046 : i1 to i32
      %sign3A_1048 = arith.constant 0 : i32
      %sign3A_1049 = arith.cmpi slt, %add3A_999, %sign3A_1048 : i32
      %sign3A_1050 = arith.extui %sign3A_1049 : i1 to i32
      %sign3A_1051 = arith.subi %sign3A_1047, %sign3A_1050 : i32
      %sign3A_1052 = arith.constant 0 : i32
      %sign3A_1053 = arith.cmpi sgt, %jit3A_1043, %sign3A_1052 : i32
      %sign3A_1054 = arith.extui %sign3A_1053 : i1 to i32
      %sign3A_1055 = arith.constant 0 : i32
      %sign3A_1056 = arith.cmpi slt, %jit3A_1043, %sign3A_1055 : i32
      %sign3A_1057 = arith.extui %sign3A_1056 : i1 to i32
      %sign3A_1058 = arith.subi %sign3A_1054, %sign3A_1057 : i32
      %ne3A_1059 = arith.cmpi ne, %sign3A_1051, %sign3A_1058 : i32
      %rem3A_1060 = arith.remsi %add3A_999, %jit3A_1043 : i32
      %ne3A_1061 = arith.constant 0 : i32
      %ne3A_1062 = arith.cmpi ne, %rem3A_1060, %ne3A_1061 : i32
      %and3A_1063 = arith.andi %ne3A_1059, %ne3A_1062 : i1
      %sub3A_1064 = arith.constant 1 : i32
      %sub3A_1065 = arith.subi %div3A_1044, %sub3A_1064 : i32
      %select_n3A_1066 = arith.select %and3A_1063, %sub3A_1065, %div3A_1044 : i32
      %jit3A_1067 = arith.constant 32 : i32
      %eq3A_1068 = arith.constant 0 : i32
      %eq3A_1069 = arith.cmpi eq, %jit3A_1067, %eq3A_1068 : i32
      %jit3A_1070 = arith.constant 1 : i32
      %select_n3A_1071 = arith.select %eq3A_1069, %jit3A_1070, %jit3A_1067 : i32
      %rem3A_1072 = arith.remsi %select_n3A_1066, %select_n3A_1071 : i32
      %ne3A_1073 = arith.constant 0 : i32
      %ne3A_1074 = arith.cmpi ne, %rem3A_1072, %ne3A_1073 : i32
      %lt3A_1075 = arith.constant 0 : i32
      %lt3A_1076 = arith.cmpi slt, %rem3A_1072, %lt3A_1075 : i32
      %lt3A_1077 = arith.constant 0 : i32
      %lt3A_1078 = arith.cmpi slt, %select_n3A_1071, %lt3A_1077 : i32
      %ne3A_1079 = arith.xori %lt3A_1076, %lt3A_1078 : i1
      %and3A_1080 = arith.andi %ne3A_1079, %ne3A_1074 : i1
      %add3A_1081 = arith.addi %rem3A_1072, %select_n3A_1071 : i32
      %select_n3A_1082 = arith.select %and3A_1080, %add3A_1081, %rem3A_1072 : i32
      %dma_start3A_1083 = arith.constant 0 : i32
      %dma_start3A_1084 = arith.constant 0 : i32
      %dma_start3A_1085 = arith.constant 0 : i32
      %dma_start3A_1086 = tpu.memref_slice %arg13[%dma_start3A_1083, %dma_start3A_1084, %dma_start3A_1085] : memref<8x8x129xf32, #tpu.memory_space<vmem>> -> memref<8x8x128xf32, #tpu.memory_space<vmem>>
      %dma_start3A_1087 = arith.constant 0 : i32
      %dma_start3A_1088 = arith.constant 0 : i32
      %dma_start3A_1089 = arith.constant 0 : i32
      %dma_start3A_1090 = tpu.memref_slice %arg5[%add3A_1042, %dma_start3A_1087, %select_n3A_1082, %dma_start3A_1088, %dma_start3A_1089] : memref<200x8x32x8x128xf32, #tpu.memory_space<hbm>> -> memref<1x8x1x8x128xf32, #tpu.memory_space<hbm>>
      %dma_start3A_1091 = tpu.memref_squeeze %dma_start3A_1090 : memref<1x8x1x8x128xf32, #tpu.memory_space<hbm>> -> memref<8x8x128xf32, #tpu.memory_space<hbm>>
      %dma_start3A_1092 = arith.constant 0 : i32
      %dma_start3A_1093 = arith.constant 0 : i32
      %dma_start3A_1094 = arith.constant 0 : i32
      %dma_start3A_1095 = tpu.memref_slice %arg5[%add3A_1042, %dma_start3A_1092, %select_n3A_1082, %dma_start3A_1093, %dma_start3A_1094] : memref<200x8x32x8x128xf32, #tpu.memory_space<hbm>> -> memref<1x8x1x8x128xf32, #tpu.memory_space<hbm>>
      %dma_start3A_1096 = tpu.memref_squeeze %dma_start3A_1095 : memref<1x8x1x8x128xf32, #tpu.memory_space<hbm>> -> memref<8x8x128xf32, #tpu.memory_space<hbm>>
      %dma_start3A_1097 = arith.constant 0 : i32
      %dma_start3A_1098 = arith.constant 0 : i32
      %dma_start3A_1099 = arith.constant 0 : i32
      %dma_start3A_1100 = tpu.memref_slice %arg13[%dma_start3A_1097, %dma_start3A_1098, %dma_start3A_1099] : memref<8x8x129xf32, #tpu.memory_space<vmem>> -> memref<8x8x128xf32, #tpu.memory_space<vmem>>
      tpu.enqueue_dma source(%dma_start3A_1100 : memref<8x8x128xf32, #tpu.memory_space<vmem>>) target(%dma_start3A_1096 : memref<8x8x128xf32, #tpu.memory_space<hbm>>) target_semaphore(%arg21 : memref<!tpu.dma_semaphore, #tpu.memory_space<semaphore_mem>>)
      %add3A_1101 = arith.constant 2 : i32
      %add3A_1102 = arith.addi %add3A_663, %add3A_1101 : i32
      %add3A_1103 = arith.addi %mul3A_2, %add3A_1102 : i32
      %jit3A_1104 = arith.constant 256 : i32
      %div3A_1105 = arith.divsi %add3A_1103, %jit3A_1104 : i32
      %sign3A_1106 = arith.constant 0 : i32
      %sign3A_1107 = arith.cmpi sgt, %add3A_1103, %sign3A_1106 : i32
      %sign3A_1108 = arith.extui %sign3A_1107 : i1 to i32
      %sign3A_1109 = arith.constant 0 : i32
      %sign3A_1110 = arith.cmpi slt, %add3A_1103, %sign3A_1109 : i32
      %sign3A_1111 = arith.extui %sign3A_1110 : i1 to i32
      %sign3A_1112 = arith.subi %sign3A_1108, %sign3A_1111 : i32
      %sign3A_1113 = arith.constant 0 : i32
      %sign3A_1114 = arith.cmpi sgt, %jit3A_1104, %sign3A_1113 : i32
      %sign3A_1115 = arith.extui %sign3A_1114 : i1 to i32
      %sign3A_1116 = arith.constant 0 : i32
      %sign3A_1117 = arith.cmpi slt, %jit3A_1104, %sign3A_1116 : i32
      %sign3A_1118 = arith.extui %sign3A_1117 : i1 to i32
      %sign3A_1119 = arith.subi %sign3A_1115, %sign3A_1118 : i32
      %ne3A_1120 = arith.cmpi ne, %sign3A_1112, %sign3A_1119 : i32
      %rem3A_1121 = arith.remsi %add3A_1103, %jit3A_1104 : i32
      %ne3A_1122 = arith.constant 0 : i32
      %ne3A_1123 = arith.cmpi ne, %rem3A_1121, %ne3A_1122 : i32
      %and3A_1124 = arith.andi %ne3A_1120, %ne3A_1123 : i1
      %sub3A_1125 = arith.constant 1 : i32
      %sub3A_1126 = arith.subi %div3A_1105, %sub3A_1125 : i32
      %select_n3A_1127 = arith.select %and3A_1124, %sub3A_1126, %div3A_1105 : i32
      %mul3A_1128 = arith.constant 8 : i32
      %mul3A_1129 = arith.muli %select_n3A_1127, %mul3A_1128 : i32
      %jit3A_1130 = arith.constant 8 : i32
      %eq3A_1131 = arith.constant 0 : i32
      %eq3A_1132 = arith.cmpi eq, %jit3A_1130, %eq3A_1131 : i32
      %jit3A_1133 = arith.constant 1 : i32
      %select_n3A_1134 = arith.select %eq3A_1132, %jit3A_1133, %jit3A_1130 : i32
      %rem3A_1135 = arith.remsi %add3A_1103, %select_n3A_1134 : i32
      %ne3A_1136 = arith.constant 0 : i32
      %ne3A_1137 = arith.cmpi ne, %rem3A_1135, %ne3A_1136 : i32
      %lt3A_1138 = arith.constant 0 : i32
      %lt3A_1139 = arith.cmpi slt, %rem3A_1135, %lt3A_1138 : i32
      %lt3A_1140 = arith.constant 0 : i32
      %lt3A_1141 = arith.cmpi slt, %select_n3A_1134, %lt3A_1140 : i32
      %ne3A_1142 = arith.xori %lt3A_1139, %lt3A_1141 : i1
      %and3A_1143 = arith.andi %ne3A_1142, %ne3A_1137 : i1
      %add3A_1144 = arith.addi %rem3A_1135, %select_n3A_1134 : i32
      %select_n3A_1145 = arith.select %and3A_1143, %add3A_1144, %rem3A_1135 : i32
      %add3A_1146 = arith.addi %mul3A_1129, %select_n3A_1145 : i32
      %jit3A_1147 = arith.constant 8 : i32
      %div3A_1148 = arith.divsi %add3A_1103, %jit3A_1147 : i32
      %sign3A_1149 = arith.constant 0 : i32
      %sign3A_1150 = arith.cmpi sgt, %add3A_1103, %sign3A_1149 : i32
      %sign3A_1151 = arith.extui %sign3A_1150 : i1 to i32
      %sign3A_1152 = arith.constant 0 : i32
      %sign3A_1153 = arith.cmpi slt, %add3A_1103, %sign3A_1152 : i32
      %sign3A_1154 = arith.extui %sign3A_1153 : i1 to i32
      %sign3A_1155 = arith.subi %sign3A_1151, %sign3A_1154 : i32
      %sign3A_1156 = arith.constant 0 : i32
      %sign3A_1157 = arith.cmpi sgt, %jit3A_1147, %sign3A_1156 : i32
      %sign3A_1158 = arith.extui %sign3A_1157 : i1 to i32
      %sign3A_1159 = arith.constant 0 : i32
      %sign3A_1160 = arith.cmpi slt, %jit3A_1147, %sign3A_1159 : i32
      %sign3A_1161 = arith.extui %sign3A_1160 : i1 to i32
      %sign3A_1162 = arith.subi %sign3A_1158, %sign3A_1161 : i32
      %ne3A_1163 = arith.cmpi ne, %sign3A_1155, %sign3A_1162 : i32
      %rem3A_1164 = arith.remsi %add3A_1103, %jit3A_1147 : i32
      %ne3A_1165 = arith.constant 0 : i32
      %ne3A_1166 = arith.cmpi ne, %rem3A_1164, %ne3A_1165 : i32
      %and3A_1167 = arith.andi %ne3A_1163, %ne3A_1166 : i1
      %sub3A_1168 = arith.constant 1 : i32
      %sub3A_1169 = arith.subi %div3A_1148, %sub3A_1168 : i32
      %select_n3A_1170 = arith.select %and3A_1167, %sub3A_1169, %div3A_1148 : i32
      %jit3A_1171 = arith.constant 32 : i32
      %eq3A_1172 = arith.constant 0 : i32
      %eq3A_1173 = arith.cmpi eq, %jit3A_1171, %eq3A_1172 : i32
      %jit3A_1174 = arith.constant 1 : i32
      %select_n3A_1175 = arith.select %eq3A_1173, %jit3A_1174, %jit3A_1171 : i32
      %rem3A_1176 = arith.remsi %select_n3A_1170, %select_n3A_1175 : i32
      %ne3A_1177 = arith.constant 0 : i32
      %ne3A_1178 = arith.cmpi ne, %rem3A_1176, %ne3A_1177 : i32
      %lt3A_1179 = arith.constant 0 : i32
      %lt3A_1180 = arith.cmpi slt, %rem3A_1176, %lt3A_1179 : i32
      %lt3A_1181 = arith.constant 0 : i32
      %lt3A_1182 = arith.cmpi slt, %select_n3A_1175, %lt3A_1181 : i32
      %ne3A_1183 = arith.xori %lt3A_1180, %lt3A_1182 : i1
      %and3A_1184 = arith.andi %ne3A_1183, %ne3A_1178 : i1
      %add3A_1185 = arith.addi %rem3A_1176, %select_n3A_1175 : i32
      %select_n3A_1186 = arith.select %and3A_1184, %add3A_1185, %rem3A_1176 : i32
      %dma_wait3A_1187 = arith.constant 0 : i32
      %dma_wait3A_1188 = tpu.memref_slice %arg6[%add3A_1102, %dma_wait3A_1187] : memref<200x128xi32, #tpu.memory_space<vmem>> -> memref<1x128xi32, #tpu.memory_space<vmem>>
      %dma_wait3A_1189 = tpu.memref_squeeze %dma_wait3A_1188 : memref<1x128xi32, #tpu.memory_space<vmem>> -> memref<128xi32, #tpu.memory_space<vmem>>
      %dma_wait3A_1190 = arith.constant 0 : i32
      %dma_wait3A_1191 = arith.constant 0 : i32
      %dma_wait3A_1192 = tpu.memref_slice %arg3[%dma_wait3A_1190, %dma_wait3A_1191] : memref<100000x64xf32, #tpu.memory_space<hbm>> -> memref<100000x64xf32, #tpu.memory_space<hbm>>
      tpu.wait_indirect_dma semaphore(%arg18 : memref<!tpu.dma_semaphore, #tpu.memory_space<semaphore_mem>>) src(%dma_wait3A_1192 : memref<100000x64xf32, #tpu.memory_space<hbm>>) dst(%arg10 : memref<128x64xf32, #tpu.memory_space<vmem>>)
      %ge3A_1193 = arith.constant 4 : i32
      %ge3A_1194 = arith.cmpi sge, %add3A_1102, %ge3A_1193 : i32
      %convert_element_type3A_1195 = arith.extui %ge3A_1194 : i1 to i32
      %cond3A_1196 = arith.constant 0 : i32
      %cond3A_1197 = arith.cmpi ne, %convert_element_type3A_1195, %cond3A_1196 : i32
      scf.if %cond3A_1197 {
        %sub3A_1543 = arith.constant 4 : i32
        %sub3A_1544 = arith.subi %add3A_1102, %sub3A_1543 : i32
        %add3A_1545 = arith.addi %mul3A_2, %sub3A_1544 : i32
        %jit3A_1546 = arith.constant 256 : i32
        %div3A_1547 = arith.divsi %add3A_1545, %jit3A_1546 : i32
        %sign3A_1548 = arith.constant 0 : i32
        %sign3A_1549 = arith.cmpi sgt, %add3A_1545, %sign3A_1548 : i32
        %sign3A_1550 = arith.extui %sign3A_1549 : i1 to i32
        %sign3A_1551 = arith.constant 0 : i32
        %sign3A_1552 = arith.cmpi slt, %add3A_1545, %sign3A_1551 : i32
        %sign3A_1553 = arith.extui %sign3A_1552 : i1 to i32
        %sign3A_1554 = arith.subi %sign3A_1550, %sign3A_1553 : i32
        %sign3A_1555 = arith.constant 0 : i32
        %sign3A_1556 = arith.cmpi sgt, %jit3A_1546, %sign3A_1555 : i32
        %sign3A_1557 = arith.extui %sign3A_1556 : i1 to i32
        %sign3A_1558 = arith.constant 0 : i32
        %sign3A_1559 = arith.cmpi slt, %jit3A_1546, %sign3A_1558 : i32
        %sign3A_1560 = arith.extui %sign3A_1559 : i1 to i32
        %sign3A_1561 = arith.subi %sign3A_1557, %sign3A_1560 : i32
        %ne3A_1562 = arith.cmpi ne, %sign3A_1554, %sign3A_1561 : i32
        %rem3A_1563 = arith.remsi %add3A_1545, %jit3A_1546 : i32
        %ne3A_1564 = arith.constant 0 : i32
        %ne3A_1565 = arith.cmpi ne, %rem3A_1563, %ne3A_1564 : i32
        %and3A_1566 = arith.andi %ne3A_1562, %ne3A_1565 : i1
        %sub3A_1567 = arith.constant 1 : i32
        %sub3A_1568 = arith.subi %div3A_1547, %sub3A_1567 : i32
        %select_n3A_1569 = arith.select %and3A_1566, %sub3A_1568, %div3A_1547 : i32
        %mul3A_1570 = arith.constant 8 : i32
        %mul3A_1571 = arith.muli %select_n3A_1569, %mul3A_1570 : i32
        %jit3A_1572 = arith.constant 8 : i32
        %eq3A_1573 = arith.constant 0 : i32
        %eq3A_1574 = arith.cmpi eq, %jit3A_1572, %eq3A_1573 : i32
        %jit3A_1575 = arith.constant 1 : i32
        %select_n3A_1576 = arith.select %eq3A_1574, %jit3A_1575, %jit3A_1572 : i32
        %rem3A_1577 = arith.remsi %add3A_1545, %select_n3A_1576 : i32
        %ne3A_1578 = arith.constant 0 : i32
        %ne3A_1579 = arith.cmpi ne, %rem3A_1577, %ne3A_1578 : i32
        %lt3A_1580 = arith.constant 0 : i32
        %lt3A_1581 = arith.cmpi slt, %rem3A_1577, %lt3A_1580 : i32
        %lt3A_1582 = arith.constant 0 : i32
        %lt3A_1583 = arith.cmpi slt, %select_n3A_1576, %lt3A_1582 : i32
        %ne3A_1584 = arith.xori %lt3A_1581, %lt3A_1583 : i1
        %and3A_1585 = arith.andi %ne3A_1584, %ne3A_1579 : i1
        %add3A_1586 = arith.addi %rem3A_1577, %select_n3A_1576 : i32
        %select_n3A_1587 = arith.select %and3A_1585, %add3A_1586, %rem3A_1577 : i32
        %add3A_1588 = arith.addi %mul3A_1571, %select_n3A_1587 : i32
        %jit3A_1589 = arith.constant 8 : i32
        %div3A_1590 = arith.divsi %add3A_1545, %jit3A_1589 : i32
        %sign3A_1591 = arith.constant 0 : i32
        %sign3A_1592 = arith.cmpi sgt, %add3A_1545, %sign3A_1591 : i32
        %sign3A_1593 = arith.extui %sign3A_1592 : i1 to i32
        %sign3A_1594 = arith.constant 0 : i32
        %sign3A_1595 = arith.cmpi slt, %add3A_1545, %sign3A_1594 : i32
        %sign3A_1596 = arith.extui %sign3A_1595 : i1 to i32
        %sign3A_1597 = arith.subi %sign3A_1593, %sign3A_1596 : i32
        %sign3A_1598 = arith.constant 0 : i32
        %sign3A_1599 = arith.cmpi sgt, %jit3A_1589, %sign3A_1598 : i32
        %sign3A_1600 = arith.extui %sign3A_1599 : i1 to i32
        %sign3A_1601 = arith.constant 0 : i32
        %sign3A_1602 = arith.cmpi slt, %jit3A_1589, %sign3A_1601 : i32
        %sign3A_1603 = arith.extui %sign3A_1602 : i1 to i32
        %sign3A_1604 = arith.subi %sign3A_1600, %sign3A_1603 : i32
        %ne3A_1605 = arith.cmpi ne, %sign3A_1597, %sign3A_1604 : i32
        %rem3A_1606 = arith.remsi %add3A_1545, %jit3A_1589 : i32
        %ne3A_1607 = arith.constant 0 : i32
        %ne3A_1608 = arith.cmpi ne, %rem3A_1606, %ne3A_1607 : i32
        %and3A_1609 = arith.andi %ne3A_1605, %ne3A_1608 : i1
        %sub3A_1610 = arith.constant 1 : i32
        %sub3A_1611 = arith.subi %div3A_1590, %sub3A_1610 : i32
        %select_n3A_1612 = arith.select %and3A_1609, %sub3A_1611, %div3A_1590 : i32
        %jit3A_1613 = arith.constant 32 : i32
        %eq3A_1614 = arith.constant 0 : i32
        %eq3A_1615 = arith.cmpi eq, %jit3A_1613, %eq3A_1614 : i32
        %jit3A_1616 = arith.constant 1 : i32
        %select_n3A_1617 = arith.select %eq3A_1615, %jit3A_1616, %jit3A_1613 : i32
        %rem3A_1618 = arith.remsi %select_n3A_1612, %select_n3A_1617 : i32
        %ne3A_1619 = arith.constant 0 : i32
        %ne3A_1620 = arith.cmpi ne, %rem3A_1618, %ne3A_1619 : i32
        %lt3A_1621 = arith.constant 0 : i32
        %lt3A_1622 = arith.cmpi slt, %rem3A_1618, %lt3A_1621 : i32
        %lt3A_1623 = arith.constant 0 : i32
        %lt3A_1624 = arith.cmpi slt, %select_n3A_1617, %lt3A_1623 : i32
        %ne3A_1625 = arith.xori %lt3A_1622, %lt3A_1624 : i1
        %and3A_1626 = arith.andi %ne3A_1625, %ne3A_1620 : i1
        %add3A_1627 = arith.addi %rem3A_1618, %select_n3A_1617 : i32
        %select_n3A_1628 = arith.select %and3A_1626, %add3A_1627, %rem3A_1618 : i32
        %dma_wait3A_1629 = arith.constant 0 : i32
        %dma_wait3A_1630 = arith.constant 0 : i32
        %dma_wait3A_1631 = arith.constant 0 : i32
        %dma_wait3A_1632 = tpu.memref_slice %arg14[%dma_wait3A_1629, %dma_wait3A_1630, %dma_wait3A_1631] : memref<8x8x129xf32, #tpu.memory_space<vmem>> -> memref<8x8x128xf32, #tpu.memory_space<vmem>>
        %dma_wait3A_1633 = arith.constant 0 : i32
        %dma_wait3A_1634 = arith.constant 0 : i32
        %dma_wait3A_1635 = arith.constant 0 : i32
        %dma_wait3A_1636 = tpu.memref_slice %arg5[%add3A_1588, %dma_wait3A_1633, %select_n3A_1628, %dma_wait3A_1634, %dma_wait3A_1635] : memref<200x8x32x8x128xf32, #tpu.memory_space<hbm>> -> memref<1x8x1x8x128xf32, #tpu.memory_space<hbm>>
        %dma_wait3A_1637 = tpu.memref_squeeze %dma_wait3A_1636 : memref<1x8x1x8x128xf32, #tpu.memory_space<hbm>> -> memref<8x8x128xf32, #tpu.memory_space<hbm>>
        %dma_wait3A_1638 = arith.constant 0 : i32
        %dma_wait3A_1639 = arith.constant 0 : i32
        %dma_wait3A_1640 = arith.constant 0 : i32
        %dma_wait3A_1641 = tpu.memref_slice %arg5[%add3A_1588, %dma_wait3A_1638, %select_n3A_1628, %dma_wait3A_1639, %dma_wait3A_1640] : memref<200x8x32x8x128xf32, #tpu.memory_space<hbm>> -> memref<1x8x1x8x128xf32, #tpu.memory_space<hbm>>
        %dma_wait3A_1642 = tpu.memref_squeeze %dma_wait3A_1641 : memref<1x8x1x8x128xf32, #tpu.memory_space<hbm>> -> memref<8x8x128xf32, #tpu.memory_space<hbm>>
        %dma_wait3A_1643 = arith.constant 0 : i32
        %dma_wait3A_1644 = arith.constant 0 : i32
        %dma_wait3A_1645 = arith.constant 0 : i32
        %dma_wait3A_1646 = tpu.memref_slice %arg14[%dma_wait3A_1643, %dma_wait3A_1644, %dma_wait3A_1645] : memref<8x8x129xf32, #tpu.memory_space<vmem>> -> memref<8x8x128xf32, #tpu.memory_space<vmem>>
        tpu.wait_dma2 semaphore(%arg22 : memref<!tpu.dma_semaphore, #tpu.memory_space<semaphore_mem>>) src(%dma_wait3A_1646 : memref<8x8x128xf32, #tpu.memory_space<vmem>>) dst(%dma_wait3A_1642 : memref<8x8x128xf32, #tpu.memory_space<hbm>>)
      } else {
      }
      %get3A_1198 = arith.index_cast %add3A_1146 : i32 to index
      %get3A_1199 = arith.constant 0 : index
      %get3A_1200 = tpu.vector_load %arg7[%get3A_1198, %get3A_1199] {strides = array<i32>} : memref<200x64xf32, #tpu.memory_space<vmem>>, vector<16xf32>,
      %get3A_1201 = arith.index_cast %add3A_1146 : i32 to index
      %get3A_1202 = arith.constant 16 : index
      %get3A_1203 = tpu.vector_load %arg7[%get3A_1201, %get3A_1202] {strides = array<i32>} : memref<200x64xf32, #tpu.memory_space<vmem>>, vector<16xf32>,
      %get3A_1204 = arith.index_cast %add3A_1146 : i32 to index
      %get3A_1205 = arith.constant 32 : index
      %get3A_1206 = tpu.vector_load %arg7[%get3A_1204, %get3A_1205] {strides = array<i32>} : memref<200x64xf32, #tpu.memory_space<vmem>>, vector<16xf32>,
      %get3A_1207 = arith.index_cast %add3A_1146 : i32 to index
      %get3A_1208 = arith.constant 48 : index
      %get3A_1209 = tpu.vector_load %arg7[%get3A_1207, %get3A_1208] {strides = array<i32>} : memref<200x64xf32, #tpu.memory_space<vmem>>, vector<16xf32>,
      %parallel_loop3A_1210 = arith.constant 0 : i32
      %parallel_loop3A_1211 = arith.constant 128 : i32
      %parallel_loop3A_1212 = arith.constant 1 : i32
      scf.for %parallel_loop3A_1543 = %parallel_loop3A_1210 to %parallel_loop3A_1211 step %parallel_loop3A_1212  : i32 {
        %parallel_loop3A_1544 = vector.broadcast %parallel_loop3A_1543 : i32 to vector<16xi32>
        %parallel_loop3A_1545 = arith.index_cast %parallel_loop3A_1543 : i32 to index
        %parallel_loop3A_1546 = arith.constant 0 : index
        %parallel_loop3A_1547 = tpu.vector_load %arg10[%parallel_loop3A_1545, %parallel_loop3A_1546] {strides = array<i32>} : memref<128x64xf32, #tpu.memory_space<vmem>>, vector<16xf32>,
        %parallel_loop3A_1548 = arith.addf %parallel_loop3A_1547, %get3A_1200 : vector<16xf32>
        tpu.vector_store_idx %arg14[%add3A_28, %select_n3A_150, %parallel_loop3A_1544], %parallel_loop3A_1548 : memref<8x8x129xf32, #tpu.memory_space<vmem>>[vector<16xi32>, vector<16xi32>, vector<16xi32>], vector<16xf32>,
        %parallel_loop3A_1549 = arith.index_cast %parallel_loop3A_1543 : i32 to index
        %parallel_loop3A_1550 = arith.constant 16 : index
        %parallel_loop3A_1551 = tpu.vector_load %arg10[%parallel_loop3A_1549, %parallel_loop3A_1550] {strides = array<i32>} : memref<128x64xf32, #tpu.memory_space<vmem>>, vector<16xf32>,
        %parallel_loop3A_1552 = arith.addf %parallel_loop3A_1551, %get3A_1203 : vector<16xf32>
        tpu.vector_store_idx %arg14[%add3A_62, %select_n3A_172, %parallel_loop3A_1544], %parallel_loop3A_1552 : memref<8x8x129xf32, #tpu.memory_space<vmem>>[vector<16xi32>, vector<16xi32>, vector<16xi32>], vector<16xf32>,
        %parallel_loop3A_1553 = arith.index_cast %parallel_loop3A_1543 : i32 to index
        %parallel_loop3A_1554 = arith.constant 32 : index
        %parallel_loop3A_1555 = tpu.vector_load %arg10[%parallel_loop3A_1553, %parallel_loop3A_1554] {strides = array<i32>} : memref<128x64xf32, #tpu.memory_space<vmem>>, vector<16xf32>,
        %parallel_loop3A_1556 = arith.addf %parallel_loop3A_1555, %get3A_1206 : vector<16xf32>
        tpu.vector_store_idx %arg14[%add3A_96, %select_n3A_194, %parallel_loop3A_1544], %parallel_loop3A_1556 : memref<8x8x129xf32, #tpu.memory_space<vmem>>[vector<16xi32>, vector<16xi32>, vector<16xi32>], vector<16xf32>,
        %parallel_loop3A_1557 = arith.index_cast %parallel_loop3A_1543 : i32 to index
        %parallel_loop3A_1558 = arith.constant 48 : index
        %parallel_loop3A_1559 = tpu.vector_load %arg10[%parallel_loop3A_1557, %parallel_loop3A_1558] {strides = array<i32>} : memref<128x64xf32, #tpu.memory_space<vmem>>, vector<16xf32>,
        %parallel_loop3A_1560 = arith.addf %parallel_loop3A_1559, %get3A_1209 : vector<16xf32>
        tpu.vector_store_idx %arg14[%add3A_130, %select_n3A_216, %parallel_loop3A_1544], %parallel_loop3A_1560 : memref<8x8x129xf32, #tpu.memory_space<vmem>>[vector<16xi32>, vector<16xi32>, vector<16xi32>], vector<16xf32>,
      } {sc.loop_unroll_factor = 4 : i64, sc.parallel_access}
      %add3A_1213 = arith.constant 4 : i32
      %add3A_1214 = arith.addi %add3A_1102, %add3A_1213 : i32
      %lt3A_1215 = arith.constant 200 : i32
      %lt3A_1216 = arith.cmpi slt, %add3A_1214, %lt3A_1215 : i32
      %convert_element_type3A_1217 = arith.extui %lt3A_1216 : i1 to i32
      %cond3A_1218 = arith.constant 0 : i32
      %cond3A_1219 = arith.cmpi ne, %convert_element_type3A_1217, %cond3A_1218 : i32
      scf.if %cond3A_1219 {
        %add3A_1543 = arith.constant 4 : i32
        %add3A_1544 = arith.addi %add3A_1102, %add3A_1543 : i32
        %dma_start3A_1545 = arith.constant 0 : i32
        %dma_start3A_1546 = tpu.memref_slice %arg6[%add3A_1544, %dma_start3A_1545] : memref<200x128xi32, #tpu.memory_space<vmem>> -> memref<1x128xi32, #tpu.memory_space<vmem>>
        %dma_start3A_1547 = tpu.memref_squeeze %dma_start3A_1546 : memref<1x128xi32, #tpu.memory_space<vmem>> -> memref<128xi32, #tpu.memory_space<vmem>>
        %dma_start3A_1548 = arith.constant 0 : i32
        %dma_start3A_1549 = arith.constant 0 : i32
        %dma_start3A_1550 = tpu.memref_slice %arg3[%dma_start3A_1548, %dma_start3A_1549] : memref<100000x64xf32, #tpu.memory_space<hbm>> -> memref<100000x64xf32, #tpu.memory_space<hbm>>
        tpu.enqueue_indirect_dma source(%dma_start3A_1550 : memref<100000x64xf32, #tpu.memory_space<hbm>>) target(%arg10 : memref<128x64xf32, #tpu.memory_space<vmem>>) offsets(%dma_start3A_1547 : memref<128xi32, #tpu.memory_space<vmem>>) semaphore(%arg18 : memref<!tpu.dma_semaphore, #tpu.memory_space<semaphore_mem>>)
      } else {
      }
      %add3A_1220 = arith.addi %mul3A_2, %add3A_1102 : i32
      %jit3A_1221 = arith.constant 256 : i32
      %div3A_1222 = arith.divsi %add3A_1220, %jit3A_1221 : i32
      %sign3A_1223 = arith.constant 0 : i32
      %sign3A_1224 = arith.cmpi sgt, %add3A_1220, %sign3A_1223 : i32
      %sign3A_1225 = arith.extui %sign3A_1224 : i1 to i32
      %sign3A_1226 = arith.constant 0 : i32
      %sign3A_1227 = arith.cmpi slt, %add3A_1220, %sign3A_1226 : i32
      %sign3A_1228 = arith.extui %sign3A_1227 : i1 to i32
      %sign3A_1229 = arith.subi %sign3A_1225, %sign3A_1228 : i32
      %sign3A_1230 = arith.constant 0 : i32
      %sign3A_1231 = arith.cmpi sgt, %jit3A_1221, %sign3A_1230 : i32
      %sign3A_1232 = arith.extui %sign3A_1231 : i1 to i32
      %sign3A_1233 = arith.constant 0 : i32
      %sign3A_1234 = arith.cmpi slt, %jit3A_1221, %sign3A_1233 : i32
      %sign3A_1235 = arith.extui %sign3A_1234 : i1 to i32
      %sign3A_1236 = arith.subi %sign3A_1232, %sign3A_1235 : i32
      %ne3A_1237 = arith.cmpi ne, %sign3A_1229, %sign3A_1236 : i32
      %rem3A_1238 = arith.remsi %add3A_1220, %jit3A_1221 : i32
      %ne3A_1239 = arith.constant 0 : i32
      %ne3A_1240 = arith.cmpi ne, %rem3A_1238, %ne3A_1239 : i32
      %and3A_1241 = arith.andi %ne3A_1237, %ne3A_1240 : i1
      %sub3A_1242 = arith.constant 1 : i32
      %sub3A_1243 = arith.subi %div3A_1222, %sub3A_1242 : i32
      %select_n3A_1244 = arith.select %and3A_1241, %sub3A_1243, %div3A_1222 : i32
      %mul3A_1245 = arith.constant 8 : i32
      %mul3A_1246 = arith.muli %select_n3A_1244, %mul3A_1245 : i32
      %jit3A_1247 = arith.constant 8 : i32
      %eq3A_1248 = arith.constant 0 : i32
      %eq3A_1249 = arith.cmpi eq, %jit3A_1247, %eq3A_1248 : i32
      %jit3A_1250 = arith.constant 1 : i32
      %select_n3A_1251 = arith.select %eq3A_1249, %jit3A_1250, %jit3A_1247 : i32
      %rem3A_1252 = arith.remsi %add3A_1220, %select_n3A_1251 : i32
      %ne3A_1253 = arith.constant 0 : i32
      %ne3A_1254 = arith.cmpi ne, %rem3A_1252, %ne3A_1253 : i32
      %lt3A_1255 = arith.constant 0 : i32
      %lt3A_1256 = arith.cmpi slt, %rem3A_1252, %lt3A_1255 : i32
      %lt3A_1257 = arith.constant 0 : i32
      %lt3A_1258 = arith.cmpi slt, %select_n3A_1251, %lt3A_1257 : i32
      %ne3A_1259 = arith.xori %lt3A_1256, %lt3A_1258 : i1
      %and3A_1260 = arith.andi %ne3A_1259, %ne3A_1254 : i1
      %add3A_1261 = arith.addi %rem3A_1252, %select_n3A_1251 : i32
      %select_n3A_1262 = arith.select %and3A_1260, %add3A_1261, %rem3A_1252 : i32
      %add3A_1263 = arith.addi %mul3A_1246, %select_n3A_1262 : i32
      %jit3A_1264 = arith.constant 8 : i32
      %div3A_1265 = arith.divsi %add3A_1220, %jit3A_1264 : i32
      %sign3A_1266 = arith.constant 0 : i32
      %sign3A_1267 = arith.cmpi sgt, %add3A_1220, %sign3A_1266 : i32
      %sign3A_1268 = arith.extui %sign3A_1267 : i1 to i32
      %sign3A_1269 = arith.constant 0 : i32
      %sign3A_1270 = arith.cmpi slt, %add3A_1220, %sign3A_1269 : i32
      %sign3A_1271 = arith.extui %sign3A_1270 : i1 to i32
      %sign3A_1272 = arith.subi %sign3A_1268, %sign3A_1271 : i32
      %sign3A_1273 = arith.constant 0 : i32
      %sign3A_1274 = arith.cmpi sgt, %jit3A_1264, %sign3A_1273 : i32
      %sign3A_1275 = arith.extui %sign3A_1274 : i1 to i32
      %sign3A_1276 = arith.constant 0 : i32
      %sign3A_1277 = arith.cmpi slt, %jit3A_1264, %sign3A_1276 : i32
      %sign3A_1278 = arith.extui %sign3A_1277 : i1 to i32
      %sign3A_1279 = arith.subi %sign3A_1275, %sign3A_1278 : i32
      %ne3A_1280 = arith.cmpi ne, %sign3A_1272, %sign3A_1279 : i32
      %rem3A_1281 = arith.remsi %add3A_1220, %jit3A_1264 : i32
      %ne3A_1282 = arith.constant 0 : i32
      %ne3A_1283 = arith.cmpi ne, %rem3A_1281, %ne3A_1282 : i32
      %and3A_1284 = arith.andi %ne3A_1280, %ne3A_1283 : i1
      %sub3A_1285 = arith.constant 1 : i32
      %sub3A_1286 = arith.subi %div3A_1265, %sub3A_1285 : i32
      %select_n3A_1287 = arith.select %and3A_1284, %sub3A_1286, %div3A_1265 : i32
      %jit3A_1288 = arith.constant 32 : i32
      %eq3A_1289 = arith.constant 0 : i32
      %eq3A_1290 = arith.cmpi eq, %jit3A_1288, %eq3A_1289 : i32
      %jit3A_1291 = arith.constant 1 : i32
      %select_n3A_1292 = arith.select %eq3A_1290, %jit3A_1291, %jit3A_1288 : i32
      %rem3A_1293 = arith.remsi %select_n3A_1287, %select_n3A_1292 : i32
      %ne3A_1294 = arith.constant 0 : i32
      %ne3A_1295 = arith.cmpi ne, %rem3A_1293, %ne3A_1294 : i32
      %lt3A_1296 = arith.constant 0 : i32
      %lt3A_1297 = arith.cmpi slt, %rem3A_1293, %lt3A_1296 : i32
      %lt3A_1298 = arith.constant 0 : i32
      %lt3A_1299 = arith.cmpi slt, %select_n3A_1292, %lt3A_1298 : i32
      %ne3A_1300 = arith.xori %lt3A_1297, %lt3A_1299 : i1
      %and3A_1301 = arith.andi %ne3A_1300, %ne3A_1295 : i1
      %add3A_1302 = arith.addi %rem3A_1293, %select_n3A_1292 : i32
      %select_n3A_1303 = arith.select %and3A_1301, %add3A_1302, %rem3A_1293 : i32
      %dma_start3A_1304 = arith.constant 0 : i32
      %dma_start3A_1305 = arith.constant 0 : i32
      %dma_start3A_1306 = arith.constant 0 : i32
      %dma_start3A_1307 = tpu.memref_slice %arg14[%dma_start3A_1304, %dma_start3A_1305, %dma_start3A_1306] : memref<8x8x129xf32, #tpu.memory_space<vmem>> -> memref<8x8x128xf32, #tpu.memory_space<vmem>>
      %dma_start3A_1308 = arith.constant 0 : i32
      %dma_start3A_1309 = arith.constant 0 : i32
      %dma_start3A_1310 = arith.constant 0 : i32
      %dma_start3A_1311 = tpu.memref_slice %arg5[%add3A_1263, %dma_start3A_1308, %select_n3A_1303, %dma_start3A_1309, %dma_start3A_1310] : memref<200x8x32x8x128xf32, #tpu.memory_space<hbm>> -> memref<1x8x1x8x128xf32, #tpu.memory_space<hbm>>
      %dma_start3A_1312 = tpu.memref_squeeze %dma_start3A_1311 : memref<1x8x1x8x128xf32, #tpu.memory_space<hbm>> -> memref<8x8x128xf32, #tpu.memory_space<hbm>>
      %dma_start3A_1313 = arith.constant 0 : i32
      %dma_start3A_1314 = arith.constant 0 : i32
      %dma_start3A_1315 = arith.constant 0 : i32
      %dma_start3A_1316 = tpu.memref_slice %arg5[%add3A_1263, %dma_start3A_1313, %select_n3A_1303, %dma_start3A_1314, %dma_start3A_1315] : memref<200x8x32x8x128xf32, #tpu.memory_space<hbm>> -> memref<1x8x1x8x128xf32, #tpu.memory_space<hbm>>
      %dma_start3A_1317 = tpu.memref_squeeze %dma_start3A_1316 : memref<1x8x1x8x128xf32, #tpu.memory_space<hbm>> -> memref<8x8x128xf32, #tpu.memory_space<hbm>>
      %dma_start3A_1318 = arith.constant 0 : i32
      %dma_start3A_1319 = arith.constant 0 : i32
      %dma_start3A_1320 = arith.constant 0 : i32
      %dma_start3A_1321 = tpu.memref_slice %arg14[%dma_start3A_1318, %dma_start3A_1319, %dma_start3A_1320] : memref<8x8x129xf32, #tpu.memory_space<vmem>> -> memref<8x8x128xf32, #tpu.memory_space<vmem>>
      tpu.enqueue_dma source(%dma_start3A_1321 : memref<8x8x128xf32, #tpu.memory_space<vmem>>) target(%dma_start3A_1317 : memref<8x8x128xf32, #tpu.memory_space<hbm>>) target_semaphore(%arg22 : memref<!tpu.dma_semaphore, #tpu.memory_space<semaphore_mem>>)
      %add3A_1322 = arith.constant 3 : i32
      %add3A_1323 = arith.addi %add3A_663, %add3A_1322 : i32
      %add3A_1324 = arith.addi %mul3A_2, %add3A_1323 : i32
      %jit3A_1325 = arith.constant 256 : i32
      %div3A_1326 = arith.divsi %add3A_1324, %jit3A_1325 : i32
      %sign3A_1327 = arith.constant 0 : i32
      %sign3A_1328 = arith.cmpi sgt, %add3A_1324, %sign3A_1327 : i32
      %sign3A_1329 = arith.extui %sign3A_1328 : i1 to i32
      %sign3A_1330 = arith.constant 0 : i32
      %sign3A_1331 = arith.cmpi slt, %add3A_1324, %sign3A_1330 : i32
      %sign3A_1332 = arith.extui %sign3A_1331 : i1 to i32
      %sign3A_1333 = arith.subi %sign3A_1329, %sign3A_1332 : i32
      %sign3A_1334 = arith.constant 0 : i32
      %sign3A_1335 = arith.cmpi sgt, %jit3A_1325, %sign3A_1334 : i32
      %sign3A_1336 = arith.extui %sign3A_1335 : i1 to i32
      %sign3A_1337 = arith.constant 0 : i32
      %sign3A_1338 = arith.cmpi slt, %jit3A_1325, %sign3A_1337 : i32
      %sign3A_1339 = arith.extui %sign3A_1338 : i1 to i32
      %sign3A_1340 = arith.subi %sign3A_1336, %sign3A_1339 : i32
      %ne3A_1341 = arith.cmpi ne, %sign3A_1333, %sign3A_1340 : i32
      %rem3A_1342 = arith.remsi %add3A_1324, %jit3A_1325 : i32
      %ne3A_1343 = arith.constant 0 : i32
      %ne3A_1344 = arith.cmpi ne, %rem3A_1342, %ne3A_1343 : i32
      %and3A_1345 = arith.andi %ne3A_1341, %ne3A_1344 : i1
      %sub3A_1346 = arith.constant 1 : i32
      %sub3A_1347 = arith.subi %div3A_1326, %sub3A_1346 : i32
      %select_n3A_1348 = arith.select %and3A_1345, %sub3A_1347, %div3A_1326 : i32
      %mul3A_1349 = arith.constant 8 : i32
      %mul3A_1350 = arith.muli %select_n3A_1348, %mul3A_1349 : i32
      %jit3A_1351 = arith.constant 8 : i32
      %eq3A_1352 = arith.constant 0 : i32
      %eq3A_1353 = arith.cmpi eq, %jit3A_1351, %eq3A_1352 : i32
      %jit3A_1354 = arith.constant 1 : i32
      %select_n3A_1355 = arith.select %eq3A_1353, %jit3A_1354, %jit3A_1351 : i32
      %rem3A_1356 = arith.remsi %add3A_1324, %select_n3A_1355 : i32
      %ne3A_1357 = arith.constant 0 : i32
      %ne3A_1358 = arith.cmpi ne, %rem3A_1356, %ne3A_1357 : i32
      %lt3A_1359 = arith.constant 0 : i32
      %lt3A_1360 = arith.cmpi slt, %rem3A_1356, %lt3A_1359 : i32
      %lt3A_1361 = arith.constant 0 : i32
      %lt3A_1362 = arith.cmpi slt, %select_n3A_1355, %lt3A_1361 : i32
      %ne3A_1363 = arith.xori %lt3A_1360, %lt3A_1362 : i1
      %and3A_1364 = arith.andi %ne3A_1363, %ne3A_1358 : i1
      %add3A_1365 = arith.addi %rem3A_1356, %select_n3A_1355 : i32
      %select_n3A_1366 = arith.select %and3A_1364, %add3A_1365, %rem3A_1356 : i32
      %add3A_1367 = arith.addi %mul3A_1350, %select_n3A_1366 : i32
      %jit3A_1368 = arith.constant 8 : i32
      %div3A_1369 = arith.divsi %add3A_1324, %jit3A_1368 : i32
      %sign3A_1370 = arith.constant 0 : i32
      %sign3A_1371 = arith.cmpi sgt, %add3A_1324, %sign3A_1370 : i32
      %sign3A_1372 = arith.extui %sign3A_1371 : i1 to i32
      %sign3A_1373 = arith.constant 0 : i32
      %sign3A_1374 = arith.cmpi slt, %add3A_1324, %sign3A_1373 : i32
      %sign3A_1375 = arith.extui %sign3A_1374 : i1 to i32
      %sign3A_1376 = arith.subi %sign3A_1372, %sign3A_1375 : i32
      %sign3A_1377 = arith.constant 0 : i32
      %sign3A_1378 = arith.cmpi sgt, %jit3A_1368, %sign3A_1377 : i32
      %sign3A_1379 = arith.extui %sign3A_1378 : i1 to i32
      %sign3A_1380 = arith.constant 0 : i32
      %sign3A_1381 = arith.cmpi slt, %jit3A_1368, %sign3A_1380 : i32
      %sign3A_1382 = arith.extui %sign3A_1381 : i1 to i32
      %sign3A_1383 = arith.subi %sign3A_1379, %sign3A_1382 : i32
      %ne3A_1384 = arith.cmpi ne, %sign3A_1376, %sign3A_1383 : i32
      %rem3A_1385 = arith.remsi %add3A_1324, %jit3A_1368 : i32
      %ne3A_1386 = arith.constant 0 : i32
      %ne3A_1387 = arith.cmpi ne, %rem3A_1385, %ne3A_1386 : i32
      %and3A_1388 = arith.andi %ne3A_1384, %ne3A_1387 : i1
      %sub3A_1389 = arith.constant 1 : i32
      %sub3A_1390 = arith.subi %div3A_1369, %sub3A_1389 : i32
      %select_n3A_1391 = arith.select %and3A_1388, %sub3A_1390, %div3A_1369 : i32
      %jit3A_1392 = arith.constant 32 : i32
      %eq3A_1393 = arith.constant 0 : i32
      %eq3A_1394 = arith.cmpi eq, %jit3A_1392, %eq3A_1393 : i32
      %jit3A_1395 = arith.constant 1 : i32
      %select_n3A_1396 = arith.select %eq3A_1394, %jit3A_1395, %jit3A_1392 : i32
      %rem3A_1397 = arith.remsi %select_n3A_1391, %select_n3A_1396 : i32
      %ne3A_1398 = arith.constant 0 : i32
      %ne3A_1399 = arith.cmpi ne, %rem3A_1397, %ne3A_1398 : i32
      %lt3A_1400 = arith.constant 0 : i32
      %lt3A_1401 = arith.cmpi slt, %rem3A_1397, %lt3A_1400 : i32
      %lt3A_1402 = arith.constant 0 : i32
      %lt3A_1403 = arith.cmpi slt, %select_n3A_1396, %lt3A_1402 : i32
      %ne3A_1404 = arith.xori %lt3A_1401, %lt3A_1403 : i1
      %and3A_1405 = arith.andi %ne3A_1404, %ne3A_1399 : i1
      %add3A_1406 = arith.addi %rem3A_1397, %select_n3A_1396 : i32
      %select_n3A_1407 = arith.select %and3A_1405, %add3A_1406, %rem3A_1397 : i32
      %dma_wait3A_1408 = arith.constant 0 : i32
      %dma_wait3A_1409 = tpu.memref_slice %arg6[%add3A_1323, %dma_wait3A_1408] : memref<200x128xi32, #tpu.memory_space<vmem>> -> memref<1x128xi32, #tpu.memory_space<vmem>>
      %dma_wait3A_1410 = tpu.memref_squeeze %dma_wait3A_1409 : memref<1x128xi32, #tpu.memory_space<vmem>> -> memref<128xi32, #tpu.memory_space<vmem>>
      %dma_wait3A_1411 = arith.constant 0 : i32
      %dma_wait3A_1412 = arith.constant 0 : i32
      %dma_wait3A_1413 = tpu.memref_slice %arg3[%dma_wait3A_1411, %dma_wait3A_1412] : memref<100000x64xf32, #tpu.memory_space<hbm>> -> memref<100000x64xf32, #tpu.memory_space<hbm>>
      tpu.wait_indirect_dma semaphore(%arg19 : memref<!tpu.dma_semaphore, #tpu.memory_space<semaphore_mem>>) src(%dma_wait3A_1413 : memref<100000x64xf32, #tpu.memory_space<hbm>>) dst(%arg11 : memref<128x64xf32, #tpu.memory_space<vmem>>)
      %ge3A_1414 = arith.constant 4 : i32
      %ge3A_1415 = arith.cmpi sge, %add3A_1323, %ge3A_1414 : i32
      %convert_element_type3A_1416 = arith.extui %ge3A_1415 : i1 to i32
      %cond3A_1417 = arith.constant 0 : i32
      %cond3A_1418 = arith.cmpi ne, %convert_element_type3A_1416, %cond3A_1417 : i32
      scf.if %cond3A_1418 {
        %sub3A_1543 = arith.constant 4 : i32
        %sub3A_1544 = arith.subi %add3A_1323, %sub3A_1543 : i32
        %add3A_1545 = arith.addi %mul3A_2, %sub3A_1544 : i32
        %jit3A_1546 = arith.constant 256 : i32
        %div3A_1547 = arith.divsi %add3A_1545, %jit3A_1546 : i32
        %sign3A_1548 = arith.constant 0 : i32
        %sign3A_1549 = arith.cmpi sgt, %add3A_1545, %sign3A_1548 : i32
        %sign3A_1550 = arith.extui %sign3A_1549 : i1 to i32
        %sign3A_1551 = arith.constant 0 : i32
        %sign3A_1552 = arith.cmpi slt, %add3A_1545, %sign3A_1551 : i32
        %sign3A_1553 = arith.extui %sign3A_1552 : i1 to i32
        %sign3A_1554 = arith.subi %sign3A_1550, %sign3A_1553 : i32
        %sign3A_1555 = arith.constant 0 : i32
        %sign3A_1556 = arith.cmpi sgt, %jit3A_1546, %sign3A_1555 : i32
        %sign3A_1557 = arith.extui %sign3A_1556 : i1 to i32
        %sign3A_1558 = arith.constant 0 : i32
        %sign3A_1559 = arith.cmpi slt, %jit3A_1546, %sign3A_1558 : i32
        %sign3A_1560 = arith.extui %sign3A_1559 : i1 to i32
        %sign3A_1561 = arith.subi %sign3A_1557, %sign3A_1560 : i32
        %ne3A_1562 = arith.cmpi ne, %sign3A_1554, %sign3A_1561 : i32
        %rem3A_1563 = arith.remsi %add3A_1545, %jit3A_1546 : i32
        %ne3A_1564 = arith.constant 0 : i32
        %ne3A_1565 = arith.cmpi ne, %rem3A_1563, %ne3A_1564 : i32
        %and3A_1566 = arith.andi %ne3A_1562, %ne3A_1565 : i1
        %sub3A_1567 = arith.constant 1 : i32
        %sub3A_1568 = arith.subi %div3A_1547, %sub3A_1567 : i32
        %select_n3A_1569 = arith.select %and3A_1566, %sub3A_1568, %div3A_1547 : i32
        %mul3A_1570 = arith.constant 8 : i32
        %mul3A_1571 = arith.muli %select_n3A_1569, %mul3A_1570 : i32
        %jit3A_1572 = arith.constant 8 : i32
        %eq3A_1573 = arith.constant 0 : i32
        %eq3A_1574 = arith.cmpi eq, %jit3A_1572, %eq3A_1573 : i32
        %jit3A_1575 = arith.constant 1 : i32
        %select_n3A_1576 = arith.select %eq3A_1574, %jit3A_1575, %jit3A_1572 : i32
        %rem3A_1577 = arith.remsi %add3A_1545, %select_n3A_1576 : i32
        %ne3A_1578 = arith.constant 0 : i32
        %ne3A_1579 = arith.cmpi ne, %rem3A_1577, %ne3A_1578 : i32
        %lt3A_1580 = arith.constant 0 : i32
        %lt3A_1581 = arith.cmpi slt, %rem3A_1577, %lt3A_1580 : i32
        %lt3A_1582 = arith.constant 0 : i32
        %lt3A_1583 = arith.cmpi slt, %select_n3A_1576, %lt3A_1582 : i32
        %ne3A_1584 = arith.xori %lt3A_1581, %lt3A_1583 : i1
        %and3A_1585 = arith.andi %ne3A_1584, %ne3A_1579 : i1
        %add3A_1586 = arith.addi %rem3A_1577, %select_n3A_1576 : i32
        %select_n3A_1587 = arith.select %and3A_1585, %add3A_1586, %rem3A_1577 : i32
        %add3A_1588 = arith.addi %mul3A_1571, %select_n3A_1587 : i32
        %jit3A_1589 = arith.constant 8 : i32
        %div3A_1590 = arith.divsi %add3A_1545, %jit3A_1589 : i32
        %sign3A_1591 = arith.constant 0 : i32
        %sign3A_1592 = arith.cmpi sgt, %add3A_1545, %sign3A_1591 : i32
        %sign3A_1593 = arith.extui %sign3A_1592 : i1 to i32
        %sign3A_1594 = arith.constant 0 : i32
        %sign3A_1595 = arith.cmpi slt, %add3A_1545, %sign3A_1594 : i32
        %sign3A_1596 = arith.extui %sign3A_1595 : i1 to i32
        %sign3A_1597 = arith.subi %sign3A_1593, %sign3A_1596 : i32
        %sign3A_1598 = arith.constant 0 : i32
        %sign3A_1599 = arith.cmpi sgt, %jit3A_1589, %sign3A_1598 : i32
        %sign3A_1600 = arith.extui %sign3A_1599 : i1 to i32
        %sign3A_1601 = arith.constant 0 : i32
        %sign3A_1602 = arith.cmpi slt, %jit3A_1589, %sign3A_1601 : i32
        %sign3A_1603 = arith.extui %sign3A_1602 : i1 to i32
        %sign3A_1604 = arith.subi %sign3A_1600, %sign3A_1603 : i32
        %ne3A_1605 = arith.cmpi ne, %sign3A_1597, %sign3A_1604 : i32
        %rem3A_1606 = arith.remsi %add3A_1545, %jit3A_1589 : i32
        %ne3A_1607 = arith.constant 0 : i32
        %ne3A_1608 = arith.cmpi ne, %rem3A_1606, %ne3A_1607 : i32
        %and3A_1609 = arith.andi %ne3A_1605, %ne3A_1608 : i1
        %sub3A_1610 = arith.constant 1 : i32
        %sub3A_1611 = arith.subi %div3A_1590, %sub3A_1610 : i32
        %select_n3A_1612 = arith.select %and3A_1609, %sub3A_1611, %div3A_1590 : i32
        %jit3A_1613 = arith.constant 32 : i32
        %eq3A_1614 = arith.constant 0 : i32
        %eq3A_1615 = arith.cmpi eq, %jit3A_1613, %eq3A_1614 : i32
        %jit3A_1616 = arith.constant 1 : i32
        %select_n3A_1617 = arith.select %eq3A_1615, %jit3A_1616, %jit3A_1613 : i32
        %rem3A_1618 = arith.remsi %select_n3A_1612, %select_n3A_1617 : i32
        %ne3A_1619 = arith.constant 0 : i32
        %ne3A_1620 = arith.cmpi ne, %rem3A_1618, %ne3A_1619 : i32
        %lt3A_1621 = arith.constant 0 : i32
        %lt3A_1622 = arith.cmpi slt, %rem3A_1618, %lt3A_1621 : i32
        %lt3A_1623 = arith.constant 0 : i32
        %lt3A_1624 = arith.cmpi slt, %select_n3A_1617, %lt3A_1623 : i32
        %ne3A_1625 = arith.xori %lt3A_1622, %lt3A_1624 : i1
        %and3A_1626 = arith.andi %ne3A_1625, %ne3A_1620 : i1
        %add3A_1627 = arith.addi %rem3A_1618, %select_n3A_1617 : i32
        %select_n3A_1628 = arith.select %and3A_1626, %add3A_1627, %rem3A_1618 : i32
        %dma_wait3A_1629 = arith.constant 0 : i32
        %dma_wait3A_1630 = arith.constant 0 : i32
        %dma_wait3A_1631 = arith.constant 0 : i32
        %dma_wait3A_1632 = tpu.memref_slice %arg15[%dma_wait3A_1629, %dma_wait3A_1630, %dma_wait3A_1631] : memref<8x8x129xf32, #tpu.memory_space<vmem>> -> memref<8x8x128xf32, #tpu.memory_space<vmem>>
        %dma_wait3A_1633 = arith.constant 0 : i32
        %dma_wait3A_1634 = arith.constant 0 : i32
        %dma_wait3A_1635 = arith.constant 0 : i32
        %dma_wait3A_1636 = tpu.memref_slice %arg5[%add3A_1588, %dma_wait3A_1633, %select_n3A_1628, %dma_wait3A_1634, %dma_wait3A_1635] : memref<200x8x32x8x128xf32, #tpu.memory_space<hbm>> -> memref<1x8x1x8x128xf32, #tpu.memory_space<hbm>>
        %dma_wait3A_1637 = tpu.memref_squeeze %dma_wait3A_1636 : memref<1x8x1x8x128xf32, #tpu.memory_space<hbm>> -> memref<8x8x128xf32, #tpu.memory_space<hbm>>
        %dma_wait3A_1638 = arith.constant 0 : i32
        %dma_wait3A_1639 = arith.constant 0 : i32
        %dma_wait3A_1640 = arith.constant 0 : i32
        %dma_wait3A_1641 = tpu.memref_slice %arg5[%add3A_1588, %dma_wait3A_1638, %select_n3A_1628, %dma_wait3A_1639, %dma_wait3A_1640] : memref<200x8x32x8x128xf32, #tpu.memory_space<hbm>> -> memref<1x8x1x8x128xf32, #tpu.memory_space<hbm>>
        %dma_wait3A_1642 = tpu.memref_squeeze %dma_wait3A_1641 : memref<1x8x1x8x128xf32, #tpu.memory_space<hbm>> -> memref<8x8x128xf32, #tpu.memory_space<hbm>>
        %dma_wait3A_1643 = arith.constant 0 : i32
        %dma_wait3A_1644 = arith.constant 0 : i32
        %dma_wait3A_1645 = arith.constant 0 : i32
        %dma_wait3A_1646 = tpu.memref_slice %arg15[%dma_wait3A_1643, %dma_wait3A_1644, %dma_wait3A_1645] : memref<8x8x129xf32, #tpu.memory_space<vmem>> -> memref<8x8x128xf32, #tpu.memory_space<vmem>>
        tpu.wait_dma2 semaphore(%arg23 : memref<!tpu.dma_semaphore, #tpu.memory_space<semaphore_mem>>) src(%dma_wait3A_1646 : memref<8x8x128xf32, #tpu.memory_space<vmem>>) dst(%dma_wait3A_1642 : memref<8x8x128xf32, #tpu.memory_space<hbm>>)
      } else {
      }
      %get3A_1419 = arith.index_cast %add3A_1367 : i32 to index
      %get3A_1420 = arith.constant 0 : index
      %get3A_1421 = tpu.vector_load %arg7[%get3A_1419, %get3A_1420] {strides = array<i32>} : memref<200x64xf32, #tpu.memory_space<vmem>>, vector<16xf32>,
      %get3A_1422 = arith.index_cast %add3A_1367 : i32 to index
      %get3A_1423 = arith.constant 16 : index
      %get3A_1424 = tpu.vector_load %arg7[%get3A_1422, %get3A_1423] {strides = array<i32>} : memref<200x64xf32, #tpu.memory_space<vmem>>, vector<16xf32>,
      %get3A_1425 = arith.index_cast %add3A_1367 : i32 to index
      %get3A_1426 = arith.constant 32 : index
      %get3A_1427 = tpu.vector_load %arg7[%get3A_1425, %get3A_1426] {strides = array<i32>} : memref<200x64xf32, #tpu.memory_space<vmem>>, vector<16xf32>,
      %get3A_1428 = arith.index_cast %add3A_1367 : i32 to index
      %get3A_1429 = arith.constant 48 : index
      %get3A_1430 = tpu.vector_load %arg7[%get3A_1428, %get3A_1429] {strides = array<i32>} : memref<200x64xf32, #tpu.memory_space<vmem>>, vector<16xf32>,
      %parallel_loop3A_1431 = arith.constant 0 : i32
      %parallel_loop3A_1432 = arith.constant 128 : i32
      %parallel_loop3A_1433 = arith.constant 1 : i32
      scf.for %parallel_loop3A_1543 = %parallel_loop3A_1431 to %parallel_loop3A_1432 step %parallel_loop3A_1433  : i32 {
        %parallel_loop3A_1544 = vector.broadcast %parallel_loop3A_1543 : i32 to vector<16xi32>
        %parallel_loop3A_1545 = arith.index_cast %parallel_loop3A_1543 : i32 to index
        %parallel_loop3A_1546 = arith.constant 0 : index
        %parallel_loop3A_1547 = tpu.vector_load %arg11[%parallel_loop3A_1545, %parallel_loop3A_1546] {strides = array<i32>} : memref<128x64xf32, #tpu.memory_space<vmem>>, vector<16xf32>,
        %parallel_loop3A_1548 = arith.addf %parallel_loop3A_1547, %get3A_1421 : vector<16xf32>
        tpu.vector_store_idx %arg15[%add3A_28, %select_n3A_150, %parallel_loop3A_1544], %parallel_loop3A_1548 : memref<8x8x129xf32, #tpu.memory_space<vmem>>[vector<16xi32>, vector<16xi32>, vector<16xi32>], vector<16xf32>,
        %parallel_loop3A_1549 = arith.index_cast %parallel_loop3A_1543 : i32 to index
        %parallel_loop3A_1550 = arith.constant 16 : index
        %parallel_loop3A_1551 = tpu.vector_load %arg11[%parallel_loop3A_1549, %parallel_loop3A_1550] {strides = array<i32>} : memref<128x64xf32, #tpu.memory_space<vmem>>, vector<16xf32>,
        %parallel_loop3A_1552 = arith.addf %parallel_loop3A_1551, %get3A_1424 : vector<16xf32>
        tpu.vector_store_idx %arg15[%add3A_62, %select_n3A_172, %parallel_loop3A_1544], %parallel_loop3A_1552 : memref<8x8x129xf32, #tpu.memory_space<vmem>>[vector<16xi32>, vector<16xi32>, vector<16xi32>], vector<16xf32>,
        %parallel_loop3A_1553 = arith.index_cast %parallel_loop3A_1543 : i32 to index
        %parallel_loop3A_1554 = arith.constant 32 : index
        %parallel_loop3A_1555 = tpu.vector_load %arg11[%parallel_loop3A_1553, %parallel_loop3A_1554] {strides = array<i32>} : memref<128x64xf32, #tpu.memory_space<vmem>>, vector<16xf32>,
        %parallel_loop3A_1556 = arith.addf %parallel_loop3A_1555, %get3A_1427 : vector<16xf32>
        tpu.vector_store_idx %arg15[%add3A_96, %select_n3A_194, %parallel_loop3A_1544], %parallel_loop3A_1556 : memref<8x8x129xf32, #tpu.memory_space<vmem>>[vector<16xi32>, vector<16xi32>, vector<16xi32>], vector<16xf32>,
        %parallel_loop3A_1557 = arith.index_cast %parallel_loop3A_1543 : i32 to index
        %parallel_loop3A_1558 = arith.constant 48 : index
        %parallel_loop3A_1559 = tpu.vector_load %arg11[%parallel_loop3A_1557, %parallel_loop3A_1558] {strides = array<i32>} : memref<128x64xf32, #tpu.memory_space<vmem>>, vector<16xf32>,
        %parallel_loop3A_1560 = arith.addf %parallel_loop3A_1559, %get3A_1430 : vector<16xf32>
        tpu.vector_store_idx %arg15[%add3A_130, %select_n3A_216, %parallel_loop3A_1544], %parallel_loop3A_1560 : memref<8x8x129xf32, #tpu.memory_space<vmem>>[vector<16xi32>, vector<16xi32>, vector<16xi32>], vector<16xf32>,
      } {sc.loop_unroll_factor = 4 : i64, sc.parallel_access}
      %add3A_1434 = arith.constant 4 : i32
      %add3A_1435 = arith.addi %add3A_1323, %add3A_1434 : i32
      %lt3A_1436 = arith.constant 200 : i32
      %lt3A_1437 = arith.cmpi slt, %add3A_1435, %lt3A_1436 : i32
      %convert_element_type3A_1438 = arith.extui %lt3A_1437 : i1 to i32
      %cond3A_1439 = arith.constant 0 : i32
      %cond3A_1440 = arith.cmpi ne, %convert_element_type3A_1438, %cond3A_1439 : i32
      scf.if %cond3A_1440 {
        %add3A_1543 = arith.constant 4 : i32
        %add3A_1544 = arith.addi %add3A_1323, %add3A_1543 : i32
        %dma_start3A_1545 = arith.constant 0 : i32
        %dma_start3A_1546 = tpu.memref_slice %arg6[%add3A_1544, %dma_start3A_1545] : memref<200x128xi32, #tpu.memory_space<vmem>> -> memref<1x128xi32, #tpu.memory_space<vmem>>
        %dma_start3A_1547 = tpu.memref_squeeze %dma_start3A_1546 : memref<1x128xi32, #tpu.memory_space<vmem>> -> memref<128xi32, #tpu.memory_space<vmem>>
        %dma_start3A_1548 = arith.constant 0 : i32
        %dma_start3A_1549 = arith.constant 0 : i32
        %dma_start3A_1550 = tpu.memref_slice %arg3[%dma_start3A_1548, %dma_start3A_1549] : memref<100000x64xf32, #tpu.memory_space<hbm>> -> memref<100000x64xf32, #tpu.memory_space<hbm>>
        tpu.enqueue_indirect_dma source(%dma_start3A_1550 : memref<100000x64xf32, #tpu.memory_space<hbm>>) target(%arg11 : memref<128x64xf32, #tpu.memory_space<vmem>>) offsets(%dma_start3A_1547 : memref<128xi32, #tpu.memory_space<vmem>>) semaphore(%arg19 : memref<!tpu.dma_semaphore, #tpu.memory_space<semaphore_mem>>)
      } else {
      }
      %add3A_1441 = arith.addi %mul3A_2, %add3A_1323 : i32
      %jit3A_1442 = arith.constant 256 : i32
      %div3A_1443 = arith.divsi %add3A_1441, %jit3A_1442 : i32
      %sign3A_1444 = arith.constant 0 : i32
      %sign3A_1445 = arith.cmpi sgt, %add3A_1441, %sign3A_1444 : i32
      %sign3A_1446 = arith.extui %sign3A_1445 : i1 to i32
      %sign3A_1447 = arith.constant 0 : i32
      %sign3A_1448 = arith.cmpi slt, %add3A_1441, %sign3A_1447 : i32
      %sign3A_1449 = arith.extui %sign3A_1448 : i1 to i32
      %sign3A_1450 = arith.subi %sign3A_1446, %sign3A_1449 : i32
      %sign3A_1451 = arith.constant 0 : i32
      %sign3A_1452 = arith.cmpi sgt, %jit3A_1442, %sign3A_1451 : i32
      %sign3A_1453 = arith.extui %sign3A_1452 : i1 to i32
      %sign3A_1454 = arith.constant 0 : i32
      %sign3A_1455 = arith.cmpi slt, %jit3A_1442, %sign3A_1454 : i32
      %sign3A_1456 = arith.extui %sign3A_1455 : i1 to i32
      %sign3A_1457 = arith.subi %sign3A_1453, %sign3A_1456 : i32
      %ne3A_1458 = arith.cmpi ne, %sign3A_1450, %sign3A_1457 : i32
      %rem3A_1459 = arith.remsi %add3A_1441, %jit3A_1442 : i32
      %ne3A_1460 = arith.constant 0 : i32
      %ne3A_1461 = arith.cmpi ne, %rem3A_1459, %ne3A_1460 : i32
      %and3A_1462 = arith.andi %ne3A_1458, %ne3A_1461 : i1
      %sub3A_1463 = arith.constant 1 : i32
      %sub3A_1464 = arith.subi %div3A_1443, %sub3A_1463 : i32
      %select_n3A_1465 = arith.select %and3A_1462, %sub3A_1464, %div3A_1443 : i32
      %mul3A_1466 = arith.constant 8 : i32
      %mul3A_1467 = arith.muli %select_n3A_1465, %mul3A_1466 : i32
      %jit3A_1468 = arith.constant 8 : i32
      %eq3A_1469 = arith.constant 0 : i32
      %eq3A_1470 = arith.cmpi eq, %jit3A_1468, %eq3A_1469 : i32
      %jit3A_1471 = arith.constant 1 : i32
      %select_n3A_1472 = arith.select %eq3A_1470, %jit3A_1471, %jit3A_1468 : i32
      %rem3A_1473 = arith.remsi %add3A_1441, %select_n3A_1472 : i32
      %ne3A_1474 = arith.constant 0 : i32
      %ne3A_1475 = arith.cmpi ne, %rem3A_1473, %ne3A_1474 : i32
      %lt3A_1476 = arith.constant 0 : i32
      %lt3A_1477 = arith.cmpi slt, %rem3A_1473, %lt3A_1476 : i32
      %lt3A_1478 = arith.constant 0 : i32
      %lt3A_1479 = arith.cmpi slt, %select_n3A_1472, %lt3A_1478 : i32
      %ne3A_1480 = arith.xori %lt3A_1477, %lt3A_1479 : i1
      %and3A_1481 = arith.andi %ne3A_1480, %ne3A_1475 : i1
      %add3A_1482 = arith.addi %rem3A_1473, %select_n3A_1472 : i32
      %select_n3A_1483 = arith.select %and3A_1481, %add3A_1482, %rem3A_1473 : i32
      %add3A_1484 = arith.addi %mul3A_1467, %select_n3A_1483 : i32
      %jit3A_1485 = arith.constant 8 : i32
      %div3A_1486 = arith.divsi %add3A_1441, %jit3A_1485 : i32
      %sign3A_1487 = arith.constant 0 : i32
      %sign3A_1488 = arith.cmpi sgt, %add3A_1441, %sign3A_1487 : i32
      %sign3A_1489 = arith.extui %sign3A_1488 : i1 to i32
      %sign3A_1490 = arith.constant 0 : i32
      %sign3A_1491 = arith.cmpi slt, %add3A_1441, %sign3A_1490 : i32
      %sign3A_1492 = arith.extui %sign3A_1491 : i1 to i32
      %sign3A_1493 = arith.subi %sign3A_1489, %sign3A_1492 : i32
      %sign3A_1494 = arith.constant 0 : i32
      %sign3A_1495 = arith.cmpi sgt, %jit3A_1485, %sign3A_1494 : i32
      %sign3A_1496 = arith.extui %sign3A_1495 : i1 to i32
      %sign3A_1497 = arith.constant 0 : i32
      %sign3A_1498 = arith.cmpi slt, %jit3A_1485, %sign3A_1497 : i32
      %sign3A_1499 = arith.extui %sign3A_1498 : i1 to i32
      %sign3A_1500 = arith.subi %sign3A_1496, %sign3A_1499 : i32
      %ne3A_1501 = arith.cmpi ne, %sign3A_1493, %sign3A_1500 : i32
      %rem3A_1502 = arith.remsi %add3A_1441, %jit3A_1485 : i32
      %ne3A_1503 = arith.constant 0 : i32
      %ne3A_1504 = arith.cmpi ne, %rem3A_1502, %ne3A_1503 : i32
      %and3A_1505 = arith.andi %ne3A_1501, %ne3A_1504 : i1
      %sub3A_1506 = arith.constant 1 : i32
      %sub3A_1507 = arith.subi %div3A_1486, %sub3A_1506 : i32
      %select_n3A_1508 = arith.select %and3A_1505, %sub3A_1507, %div3A_1486 : i32
      %jit3A_1509 = arith.constant 32 : i32
      %eq3A_1510 = arith.constant 0 : i32
      %eq3A_1511 = arith.cmpi eq, %jit3A_1509, %eq3A_1510 : i32
      %jit3A_1512 = arith.constant 1 : i32
      %select_n3A_1513 = arith.select %eq3A_1511, %jit3A_1512, %jit3A_1509 : i32
      %rem3A_1514 = arith.remsi %select_n3A_1508, %select_n3A_1513 : i32
      %ne3A_1515 = arith.constant 0 : i32
      %ne3A_1516 = arith.cmpi ne, %rem3A_1514, %ne3A_1515 : i32
      %lt3A_1517 = arith.constant 0 : i32
      %lt3A_1518 = arith.cmpi slt, %rem3A_1514, %lt3A_1517 : i32
      %lt3A_1519 = arith.constant 0 : i32
      %lt3A_1520 = arith.cmpi slt, %select_n3A_1513, %lt3A_1519 : i32
      %ne3A_1521 = arith.xori %lt3A_1518, %lt3A_1520 : i1
      %and3A_1522 = arith.andi %ne3A_1521, %ne3A_1516 : i1
      %add3A_1523 = arith.addi %rem3A_1514, %select_n3A_1513 : i32
      %select_n3A_1524 = arith.select %and3A_1522, %add3A_1523, %rem3A_1514 : i32
      %dma_start3A_1525 = arith.constant 0 : i32
      %dma_start3A_1526 = arith.constant 0 : i32
      %dma_start3A_1527 = arith.constant 0 : i32
      %dma_start3A_1528 = tpu.memref_slice %arg15[%dma_start3A_1525, %dma_start3A_1526, %dma_start3A_1527] : memref<8x8x129xf32, #tpu.memory_space<vmem>> -> memref<8x8x128xf32, #tpu.memory_space<vmem>>
      %dma_start3A_1529 = arith.constant 0 : i32
      %dma_start3A_1530 = arith.constant 0 : i32
      %dma_start3A_1531 = arith.constant 0 : i32
      %dma_start3A_1532 = tpu.memref_slice %arg5[%add3A_1484, %dma_start3A_1529, %select_n3A_1524, %dma_start3A_1530, %dma_start3A_1531] : memref<200x8x32x8x128xf32, #tpu.memory_space<hbm>> -> memref<1x8x1x8x128xf32, #tpu.memory_space<hbm>>
      %dma_start3A_1533 = tpu.memref_squeeze %dma_start3A_1532 : memref<1x8x1x8x128xf32, #tpu.memory_space<hbm>> -> memref<8x8x128xf32, #tpu.memory_space<hbm>>
      %dma_start3A_1534 = arith.constant 0 : i32
      %dma_start3A_1535 = arith.constant 0 : i32
      %dma_start3A_1536 = arith.constant 0 : i32
      %dma_start3A_1537 = tpu.memref_slice %arg5[%add3A_1484, %dma_start3A_1534, %select_n3A_1524, %dma_start3A_1535, %dma_start3A_1536] : memref<200x8x32x8x128xf32, #tpu.memory_space<hbm>> -> memref<1x8x1x8x128xf32, #tpu.memory_space<hbm>>
      %dma_start3A_1538 = tpu.memref_squeeze %dma_start3A_1537 : memref<1x8x1x8x128xf32, #tpu.memory_space<hbm>> -> memref<8x8x128xf32, #tpu.memory_space<hbm>>
      %dma_start3A_1539 = arith.constant 0 : i32
      %dma_start3A_1540 = arith.constant 0 : i32
      %dma_start3A_1541 = arith.constant 0 : i32
      %dma_start3A_1542 = tpu.memref_slice %arg15[%dma_start3A_1539, %dma_start3A_1540, %dma_start3A_1541] : memref<8x8x129xf32, #tpu.memory_space<vmem>> -> memref<8x8x128xf32, #tpu.memory_space<vmem>>
      tpu.enqueue_dma source(%dma_start3A_1542 : memref<8x8x128xf32, #tpu.memory_space<vmem>>) target(%dma_start3A_1538 : memref<8x8x128xf32, #tpu.memory_space<hbm>>) target_semaphore(%arg23 : memref<!tpu.dma_semaphore, #tpu.memory_space<semaphore_mem>>)
    }
    %scan3A_247 = arith.constant 50 : i32
    %add3A_248 = arith.constant 196 : i32
    %add3A_249 = arith.addi %mul3A_2, %add3A_248 : i32
    %jit3A_250 = arith.constant 256 : i32
    %div3A_251 = arith.divsi %add3A_249, %jit3A_250 : i32
    %sign3A_252 = arith.constant 0 : i32
    %sign3A_253 = arith.cmpi sgt, %add3A_249, %sign3A_252 : i32
    %sign3A_254 = arith.extui %sign3A_253 : i1 to i32
    %sign3A_255 = arith.constant 0 : i32
    %sign3A_256 = arith.cmpi slt, %add3A_249, %sign3A_255 : i32
    %sign3A_257 = arith.extui %sign3A_256 : i1 to i32
    %sign3A_258 = arith.subi %sign3A_254, %sign3A_257 : i32
    %sign3A_259 = arith.constant 0 : i32
    %sign3A_260 = arith.cmpi sgt, %jit3A_250, %sign3A_259 : i32
    %sign3A_261 = arith.extui %sign3A_260 : i1 to i32
    %sign3A_262 = arith.constant 0 : i32
    %sign3A_263 = arith.cmpi slt, %jit3A_250, %sign3A_262 : i32
    %sign3A_264 = arith.extui %sign3A_263 : i1 to i32
    %sign3A_265 = arith.subi %sign3A_261, %sign3A_264 : i32
    %ne3A_266 = arith.cmpi ne, %sign3A_258, %sign3A_265 : i32
    %rem3A_267 = arith.remsi %add3A_249, %jit3A_250 : i32
    %ne3A_268 = arith.constant 0 : i32
    %ne3A_269 = arith.cmpi ne, %rem3A_267, %ne3A_268 : i32
    %and3A_270 = arith.andi %ne3A_266, %ne3A_269 : i1
    %sub3A_271 = arith.constant 1 : i32
    %sub3A_272 = arith.subi %div3A_251, %sub3A_271 : i32
    %select_n3A_273 = arith.select %and3A_270, %sub3A_272, %div3A_251 : i32
    %mul3A_274 = arith.constant 8 : i32
    %mul3A_275 = arith.muli %select_n3A_273, %mul3A_274 : i32
    %jit3A_276 = arith.constant 8 : i32
    %eq3A_277 = arith.constant 0 : i32
    %eq3A_278 = arith.cmpi eq, %jit3A_276, %eq3A_277 : i32
    %jit3A_279 = arith.constant 1 : i32
    %select_n3A_280 = arith.select %eq3A_278, %jit3A_279, %jit3A_276 : i32
    %rem3A_281 = arith.remsi %add3A_249, %select_n3A_280 : i32
    %ne3A_282 = arith.constant 0 : i32
    %ne3A_283 = arith.cmpi ne, %rem3A_281, %ne3A_282 : i32
    %lt3A_284 = arith.constant 0 : i32
    %lt3A_285 = arith.cmpi slt, %rem3A_281, %lt3A_284 : i32
    %lt3A_286 = arith.constant 0 : i32
    %lt3A_287 = arith.cmpi slt, %select_n3A_280, %lt3A_286 : i32
    %ne3A_288 = arith.xori %lt3A_285, %lt3A_287 : i1
    %and3A_289 = arith.andi %ne3A_288, %ne3A_283 : i1
    %add3A_290 = arith.addi %rem3A_281, %select_n3A_280 : i32
    %select_n3A_291 = arith.select %and3A_289, %add3A_290, %rem3A_281 : i32
    %add3A_292 = arith.addi %mul3A_275, %select_n3A_291 : i32
    %jit3A_293 = arith.constant 8 : i32
    %div3A_294 = arith.divsi %add3A_249, %jit3A_293 : i32
    %sign3A_295 = arith.constant 0 : i32
    %sign3A_296 = arith.cmpi sgt, %add3A_249, %sign3A_295 : i32
    %sign3A_297 = arith.extui %sign3A_296 : i1 to i32
    %sign3A_298 = arith.constant 0 : i32
    %sign3A_299 = arith.cmpi slt, %add3A_249, %sign3A_298 : i32
    %sign3A_300 = arith.extui %sign3A_299 : i1 to i32
    %sign3A_301 = arith.subi %sign3A_297, %sign3A_300 : i32
    %sign3A_302 = arith.constant 0 : i32
    %sign3A_303 = arith.cmpi sgt, %jit3A_293, %sign3A_302 : i32
    %sign3A_304 = arith.extui %sign3A_303 : i1 to i32
    %sign3A_305 = arith.constant 0 : i32
    %sign3A_306 = arith.cmpi slt, %jit3A_293, %sign3A_305 : i32
    %sign3A_307 = arith.extui %sign3A_306 : i1 to i32
    %sign3A_308 = arith.subi %sign3A_304, %sign3A_307 : i32
    %ne3A_309 = arith.cmpi ne, %sign3A_301, %sign3A_308 : i32
    %rem3A_310 = arith.remsi %add3A_249, %jit3A_293 : i32
    %ne3A_311 = arith.constant 0 : i32
    %ne3A_312 = arith.cmpi ne, %rem3A_310, %ne3A_311 : i32
    %and3A_313 = arith.andi %ne3A_309, %ne3A_312 : i1
    %sub3A_314 = arith.constant 1 : i32
    %sub3A_315 = arith.subi %div3A_294, %sub3A_314 : i32
    %select_n3A_316 = arith.select %and3A_313, %sub3A_315, %div3A_294 : i32
    %jit3A_317 = arith.constant 32 : i32
    %eq3A_318 = arith.constant 0 : i32
    %eq3A_319 = arith.cmpi eq, %jit3A_317, %eq3A_318 : i32
    %jit3A_320 = arith.constant 1 : i32
    %select_n3A_321 = arith.select %eq3A_319, %jit3A_320, %jit3A_317 : i32
    %rem3A_322 = arith.remsi %select_n3A_316, %select_n3A_321 : i32
    %ne3A_323 = arith.constant 0 : i32
    %ne3A_324 = arith.cmpi ne, %rem3A_322, %ne3A_323 : i32
    %lt3A_325 = arith.constant 0 : i32
    %lt3A_326 = arith.cmpi slt, %rem3A_322, %lt3A_325 : i32
    %lt3A_327 = arith.constant 0 : i32
    %lt3A_328 = arith.cmpi slt, %select_n3A_321, %lt3A_327 : i32
    %ne3A_329 = arith.xori %lt3A_326, %lt3A_328 : i1
    %and3A_330 = arith.andi %ne3A_329, %ne3A_324 : i1
    %add3A_331 = arith.addi %rem3A_322, %select_n3A_321 : i32
    %select_n3A_332 = arith.select %and3A_330, %add3A_331, %rem3A_322 : i32
    %dma_wait3A = arith.constant 0 : i32
    %dma_wait3A_333 = arith.constant 0 : i32
    %dma_wait3A_334 = arith.constant 0 : i32
    %dma_wait3A_335 = tpu.memref_slice %arg12[%dma_wait3A, %dma_wait3A_333, %dma_wait3A_334] : memref<8x8x129xf32, #tpu.memory_space<vmem>> -> memref<8x8x128xf32, #tpu.memory_space<vmem>>
    %dma_wait3A_336 = arith.constant 0 : i32
    %dma_wait3A_337 = arith.constant 0 : i32
    %dma_wait3A_338 = arith.constant 0 : i32
    %dma_wait3A_339 = tpu.memref_slice %arg5[%add3A_292, %dma_wait3A_336, %select_n3A_332, %dma_wait3A_337, %dma_wait3A_338] : memref<200x8x32x8x128xf32, #tpu.memory_space<hbm>> -> memref<1x8x1x8x128xf32, #tpu.memory_space<hbm>>
    %dma_wait3A_340 = tpu.memref_squeeze %dma_wait3A_339 : memref<1x8x1x8x128xf32, #tpu.memory_space<hbm>> -> memref<8x8x128xf32, #tpu.memory_space<hbm>>
    %dma_wait3A_341 = arith.constant 0 : i32
    %dma_wait3A_342 = arith.constant 0 : i32
    %dma_wait3A_343 = arith.constant 0 : i32
    %dma_wait3A_344 = tpu.memref_slice %arg5[%add3A_292, %dma_wait3A_341, %select_n3A_332, %dma_wait3A_342, %dma_wait3A_343] : memref<200x8x32x8x128xf32, #tpu.memory_space<hbm>> -> memref<1x8x1x8x128xf32, #tpu.memory_space<hbm>>
    %dma_wait3A_345 = tpu.memref_squeeze %dma_wait3A_344 : memref<1x8x1x8x128xf32, #tpu.memory_space<hbm>> -> memref<8x8x128xf32, #tpu.memory_space<hbm>>
    %dma_wait3A_346 = arith.constant 0 : i32
    %dma_wait3A_347 = arith.constant 0 : i32
    %dma_wait3A_348 = arith.constant 0 : i32
    %dma_wait3A_349 = tpu.memref_slice %arg12[%dma_wait3A_346, %dma_wait3A_347, %dma_wait3A_348] : memref<8x8x129xf32, #tpu.memory_space<vmem>> -> memref<8x8x128xf32, #tpu.memory_space<vmem>>
    tpu.wait_dma2 semaphore(%arg20 : memref<!tpu.dma_semaphore, #tpu.memory_space<semaphore_mem>>) src(%dma_wait3A_349 : memref<8x8x128xf32, #tpu.memory_space<vmem>>) dst(%dma_wait3A_345 : memref<8x8x128xf32, #tpu.memory_space<hbm>>)
    %add3A_350 = arith.constant 197 : i32
    %add3A_351 = arith.addi %mul3A_2, %add3A_350 : i32
    %jit3A_352 = arith.constant 256 : i32
    %div3A_353 = arith.divsi %add3A_351, %jit3A_352 : i32
    %sign3A_354 = arith.constant 0 : i32
    %sign3A_355 = arith.cmpi sgt, %add3A_351, %sign3A_354 : i32
    %sign3A_356 = arith.extui %sign3A_355 : i1 to i32
    %sign3A_357 = arith.constant 0 : i32
    %sign3A_358 = arith.cmpi slt, %add3A_351, %sign3A_357 : i32
    %sign3A_359 = arith.extui %sign3A_358 : i1 to i32
    %sign3A_360 = arith.subi %sign3A_356, %sign3A_359 : i32
    %sign3A_361 = arith.constant 0 : i32
    %sign3A_362 = arith.cmpi sgt, %jit3A_352, %sign3A_361 : i32
    %sign3A_363 = arith.extui %sign3A_362 : i1 to i32
    %sign3A_364 = arith.constant 0 : i32
    %sign3A_365 = arith.cmpi slt, %jit3A_352, %sign3A_364 : i32
    %sign3A_366 = arith.extui %sign3A_365 : i1 to i32
    %sign3A_367 = arith.subi %sign3A_363, %sign3A_366 : i32
    %ne3A_368 = arith.cmpi ne, %sign3A_360, %sign3A_367 : i32
    %rem3A_369 = arith.remsi %add3A_351, %jit3A_352 : i32
    %ne3A_370 = arith.constant 0 : i32
    %ne3A_371 = arith.cmpi ne, %rem3A_369, %ne3A_370 : i32
    %and3A_372 = arith.andi %ne3A_368, %ne3A_371 : i1
    %sub3A_373 = arith.constant 1 : i32
    %sub3A_374 = arith.subi %div3A_353, %sub3A_373 : i32
    %select_n3A_375 = arith.select %and3A_372, %sub3A_374, %div3A_353 : i32
    %mul3A_376 = arith.constant 8 : i32
    %mul3A_377 = arith.muli %select_n3A_375, %mul3A_376 : i32
    %jit3A_378 = arith.constant 8 : i32
    %eq3A_379 = arith.constant 0 : i32
    %eq3A_380 = arith.cmpi eq, %jit3A_378, %eq3A_379 : i32
    %jit3A_381 = arith.constant 1 : i32
    %select_n3A_382 = arith.select %eq3A_380, %jit3A_381, %jit3A_378 : i32
    %rem3A_383 = arith.remsi %add3A_351, %select_n3A_382 : i32
    %ne3A_384 = arith.constant 0 : i32
    %ne3A_385 = arith.cmpi ne, %rem3A_383, %ne3A_384 : i32
    %lt3A_386 = arith.constant 0 : i32
    %lt3A_387 = arith.cmpi slt, %rem3A_383, %lt3A_386 : i32
    %lt3A_388 = arith.constant 0 : i32
    %lt3A_389 = arith.cmpi slt, %select_n3A_382, %lt3A_388 : i32
    %ne3A_390 = arith.xori %lt3A_387, %lt3A_389 : i1
    %and3A_391 = arith.andi %ne3A_390, %ne3A_385 : i1
    %add3A_392 = arith.addi %rem3A_383, %select_n3A_382 : i32
    %select_n3A_393 = arith.select %and3A_391, %add3A_392, %rem3A_383 : i32
    %add3A_394 = arith.addi %mul3A_377, %select_n3A_393 : i32
    %jit3A_395 = arith.constant 8 : i32
    %div3A_396 = arith.divsi %add3A_351, %jit3A_395 : i32
    %sign3A_397 = arith.constant 0 : i32
    %sign3A_398 = arith.cmpi sgt, %add3A_351, %sign3A_397 : i32
    %sign3A_399 = arith.extui %sign3A_398 : i1 to i32
    %sign3A_400 = arith.constant 0 : i32
    %sign3A_401 = arith.cmpi slt, %add3A_351, %sign3A_400 : i32
    %sign3A_402 = arith.extui %sign3A_401 : i1 to i32
    %sign3A_403 = arith.subi %sign3A_399, %sign3A_402 : i32
    %sign3A_404 = arith.constant 0 : i32
    %sign3A_405 = arith.cmpi sgt, %jit3A_395, %sign3A_404 : i32
    %sign3A_406 = arith.extui %sign3A_405 : i1 to i32
    %sign3A_407 = arith.constant 0 : i32
    %sign3A_408 = arith.cmpi slt, %jit3A_395, %sign3A_407 : i32
    %sign3A_409 = arith.extui %sign3A_408 : i1 to i32
    %sign3A_410 = arith.subi %sign3A_406, %sign3A_409 : i32
    %ne3A_411 = arith.cmpi ne, %sign3A_403, %sign3A_410 : i32
    %rem3A_412 = arith.remsi %add3A_351, %jit3A_395 : i32
    %ne3A_413 = arith.constant 0 : i32
    %ne3A_414 = arith.cmpi ne, %rem3A_412, %ne3A_413 : i32
    %and3A_415 = arith.andi %ne3A_411, %ne3A_414 : i1
    %sub3A_416 = arith.constant 1 : i32
    %sub3A_417 = arith.subi %div3A_396, %sub3A_416 : i32
    %select_n3A_418 = arith.select %and3A_415, %sub3A_417, %div3A_396 : i32
    %jit3A_419 = arith.constant 32 : i32
    %eq3A_420 = arith.constant 0 : i32
    %eq3A_421 = arith.cmpi eq, %jit3A_419, %eq3A_420 : i32
    %jit3A_422 = arith.constant 1 : i32
    %select_n3A_423 = arith.select %eq3A_421, %jit3A_422, %jit3A_419 : i32
    %rem3A_424 = arith.remsi %select_n3A_418, %select_n3A_423 : i32
    %ne3A_425 = arith.constant 0 : i32
    %ne3A_426 = arith.cmpi ne, %rem3A_424, %ne3A_425 : i32
    %lt3A_427 = arith.constant 0 : i32
    %lt3A_428 = arith.cmpi slt, %rem3A_424, %lt3A_427 : i32
    %lt3A_429 = arith.constant 0 : i32
    %lt3A_430 = arith.cmpi slt, %select_n3A_423, %lt3A_429 : i32
    %ne3A_431 = arith.xori %lt3A_428, %lt3A_430 : i1
    %and3A_432 = arith.andi %ne3A_431, %ne3A_426 : i1
    %add3A_433 = arith.addi %rem3A_424, %select_n3A_423 : i32
    %select_n3A_434 = arith.select %and3A_432, %add3A_433, %rem3A_424 : i32
    %dma_wait3A_435 = arith.constant 0 : i32
    %dma_wait3A_436 = arith.constant 0 : i32
    %dma_wait3A_437 = arith.constant 0 : i32
    %dma_wait3A_438 = tpu.memref_slice %arg13[%dma_wait3A_435, %dma_wait3A_436, %dma_wait3A_437] : memref<8x8x129xf32, #tpu.memory_space<vmem>> -> memref<8x8x128xf32, #tpu.memory_space<vmem>>
    %dma_wait3A_439 = arith.constant 0 : i32
    %dma_wait3A_440 = arith.constant 0 : i32
    %dma_wait3A_441 = arith.constant 0 : i32
    %dma_wait3A_442 = tpu.memref_slice %arg5[%add3A_394, %dma_wait3A_439, %select_n3A_434, %dma_wait3A_440, %dma_wait3A_441] : memref<200x8x32x8x128xf32, #tpu.memory_space<hbm>> -> memref<1x8x1x8x128xf32, #tpu.memory_space<hbm>>
    %dma_wait3A_443 = tpu.memref_squeeze %dma_wait3A_442 : memref<1x8x1x8x128xf32, #tpu.memory_space<hbm>> -> memref<8x8x128xf32, #tpu.memory_space<hbm>>
    %dma_wait3A_444 = arith.constant 0 : i32
    %dma_wait3A_445 = arith.constant 0 : i32
    %dma_wait3A_446 = arith.constant 0 : i32
    %dma_wait3A_447 = tpu.memref_slice %arg5[%add3A_394, %dma_wait3A_444, %select_n3A_434, %dma_wait3A_445, %dma_wait3A_446] : memref<200x8x32x8x128xf32, #tpu.memory_space<hbm>> -> memref<1x8x1x8x128xf32, #tpu.memory_space<hbm>>
    %dma_wait3A_448 = tpu.memref_squeeze %dma_wait3A_447 : memref<1x8x1x8x128xf32, #tpu.memory_space<hbm>> -> memref<8x8x128xf32, #tpu.memory_space<hbm>>
    %dma_wait3A_449 = arith.constant 0 : i32
    %dma_wait3A_450 = arith.constant 0 : i32
    %dma_wait3A_451 = arith.constant 0 : i32
    %dma_wait3A_452 = tpu.memref_slice %arg13[%dma_wait3A_449, %dma_wait3A_450, %dma_wait3A_451] : memref<8x8x129xf32, #tpu.memory_space<vmem>> -> memref<8x8x128xf32, #tpu.memory_space<vmem>>
    tpu.wait_dma2 semaphore(%arg21 : memref<!tpu.dma_semaphore, #tpu.memory_space<semaphore_mem>>) src(%dma_wait3A_452 : memref<8x8x128xf32, #tpu.memory_space<vmem>>) dst(%dma_wait3A_448 : memref<8x8x128xf32, #tpu.memory_space<hbm>>)
    %add3A_453 = arith.constant 198 : i32
    %add3A_454 = arith.addi %mul3A_2, %add3A_453 : i32
    %jit3A_455 = arith.constant 256 : i32
    %div3A_456 = arith.divsi %add3A_454, %jit3A_455 : i32
    %sign3A_457 = arith.constant 0 : i32
    %sign3A_458 = arith.cmpi sgt, %add3A_454, %sign3A_457 : i32
    %sign3A_459 = arith.extui %sign3A_458 : i1 to i32
    %sign3A_460 = arith.constant 0 : i32
    %sign3A_461 = arith.cmpi slt, %add3A_454, %sign3A_460 : i32
    %sign3A_462 = arith.extui %sign3A_461 : i1 to i32
    %sign3A_463 = arith.subi %sign3A_459, %sign3A_462 : i32
    %sign3A_464 = arith.constant 0 : i32
    %sign3A_465 = arith.cmpi sgt, %jit3A_455, %sign3A_464 : i32
    %sign3A_466 = arith.extui %sign3A_465 : i1 to i32
    %sign3A_467 = arith.constant 0 : i32
    %sign3A_468 = arith.cmpi slt, %jit3A_455, %sign3A_467 : i32
    %sign3A_469 = arith.extui %sign3A_468 : i1 to i32
    %sign3A_470 = arith.subi %sign3A_466, %sign3A_469 : i32
    %ne3A_471 = arith.cmpi ne, %sign3A_463, %sign3A_470 : i32
    %rem3A_472 = arith.remsi %add3A_454, %jit3A_455 : i32
    %ne3A_473 = arith.constant 0 : i32
    %ne3A_474 = arith.cmpi ne, %rem3A_472, %ne3A_473 : i32
    %and3A_475 = arith.andi %ne3A_471, %ne3A_474 : i1
    %sub3A_476 = arith.constant 1 : i32
    %sub3A_477 = arith.subi %div3A_456, %sub3A_476 : i32
    %select_n3A_478 = arith.select %and3A_475, %sub3A_477, %div3A_456 : i32
    %mul3A_479 = arith.constant 8 : i32
    %mul3A_480 = arith.muli %select_n3A_478, %mul3A_479 : i32
    %jit3A_481 = arith.constant 8 : i32
    %eq3A_482 = arith.constant 0 : i32
    %eq3A_483 = arith.cmpi eq, %jit3A_481, %eq3A_482 : i32
    %jit3A_484 = arith.constant 1 : i32
    %select_n3A_485 = arith.select %eq3A_483, %jit3A_484, %jit3A_481 : i32
    %rem3A_486 = arith.remsi %add3A_454, %select_n3A_485 : i32
    %ne3A_487 = arith.constant 0 : i32
    %ne3A_488 = arith.cmpi ne, %rem3A_486, %ne3A_487 : i32
    %lt3A_489 = arith.constant 0 : i32
    %lt3A_490 = arith.cmpi slt, %rem3A_486, %lt3A_489 : i32
    %lt3A_491 = arith.constant 0 : i32
    %lt3A_492 = arith.cmpi slt, %select_n3A_485, %lt3A_491 : i32
    %ne3A_493 = arith.xori %lt3A_490, %lt3A_492 : i1
    %and3A_494 = arith.andi %ne3A_493, %ne3A_488 : i1
    %add3A_495 = arith.addi %rem3A_486, %select_n3A_485 : i32
    %select_n3A_496 = arith.select %and3A_494, %add3A_495, %rem3A_486 : i32
    %add3A_497 = arith.addi %mul3A_480, %select_n3A_496 : i32
    %jit3A_498 = arith.constant 8 : i32
    %div3A_499 = arith.divsi %add3A_454, %jit3A_498 : i32
    %sign3A_500 = arith.constant 0 : i32
    %sign3A_501 = arith.cmpi sgt, %add3A_454, %sign3A_500 : i32
    %sign3A_502 = arith.extui %sign3A_501 : i1 to i32
    %sign3A_503 = arith.constant 0 : i32
    %sign3A_504 = arith.cmpi slt, %add3A_454, %sign3A_503 : i32
    %sign3A_505 = arith.extui %sign3A_504 : i1 to i32
    %sign3A_506 = arith.subi %sign3A_502, %sign3A_505 : i32
    %sign3A_507 = arith.constant 0 : i32
    %sign3A_508 = arith.cmpi sgt, %jit3A_498, %sign3A_507 : i32
    %sign3A_509 = arith.extui %sign3A_508 : i1 to i32
    %sign3A_510 = arith.constant 0 : i32
    %sign3A_511 = arith.cmpi slt, %jit3A_498, %sign3A_510 : i32
    %sign3A_512 = arith.extui %sign3A_511 : i1 to i32
    %sign3A_513 = arith.subi %sign3A_509, %sign3A_512 : i32
    %ne3A_514 = arith.cmpi ne, %sign3A_506, %sign3A_513 : i32
    %rem3A_515 = arith.remsi %add3A_454, %jit3A_498 : i32
    %ne3A_516 = arith.constant 0 : i32
    %ne3A_517 = arith.cmpi ne, %rem3A_515, %ne3A_516 : i32
    %and3A_518 = arith.andi %ne3A_514, %ne3A_517 : i1
    %sub3A_519 = arith.constant 1 : i32
    %sub3A_520 = arith.subi %div3A_499, %sub3A_519 : i32
    %select_n3A_521 = arith.select %and3A_518, %sub3A_520, %div3A_499 : i32
    %jit3A_522 = arith.constant 32 : i32
    %eq3A_523 = arith.constant 0 : i32
    %eq3A_524 = arith.cmpi eq, %jit3A_522, %eq3A_523 : i32
    %jit3A_525 = arith.constant 1 : i32
    %select_n3A_526 = arith.select %eq3A_524, %jit3A_525, %jit3A_522 : i32
    %rem3A_527 = arith.remsi %select_n3A_521, %select_n3A_526 : i32
    %ne3A_528 = arith.constant 0 : i32
    %ne3A_529 = arith.cmpi ne, %rem3A_527, %ne3A_528 : i32
    %lt3A_530 = arith.constant 0 : i32
    %lt3A_531 = arith.cmpi slt, %rem3A_527, %lt3A_530 : i32
    %lt3A_532 = arith.constant 0 : i32
    %lt3A_533 = arith.cmpi slt, %select_n3A_526, %lt3A_532 : i32
    %ne3A_534 = arith.xori %lt3A_531, %lt3A_533 : i1
    %and3A_535 = arith.andi %ne3A_534, %ne3A_529 : i1
    %add3A_536 = arith.addi %rem3A_527, %select_n3A_526 : i32
    %select_n3A_537 = arith.select %and3A_535, %add3A_536, %rem3A_527 : i32
    %dma_wait3A_538 = arith.constant 0 : i32
    %dma_wait3A_539 = arith.constant 0 : i32
    %dma_wait3A_540 = arith.constant 0 : i32
    %dma_wait3A_541 = tpu.memref_slice %arg14[%dma_wait3A_538, %dma_wait3A_539, %dma_wait3A_540] : memref<8x8x129xf32, #tpu.memory_space<vmem>> -> memref<8x8x128xf32, #tpu.memory_space<vmem>>
    %dma_wait3A_542 = arith.constant 0 : i32
    %dma_wait3A_543 = arith.constant 0 : i32
    %dma_wait3A_544 = arith.constant 0 : i32
    %dma_wait3A_545 = tpu.memref_slice %arg5[%add3A_497, %dma_wait3A_542, %select_n3A_537, %dma_wait3A_543, %dma_wait3A_544] : memref<200x8x32x8x128xf32, #tpu.memory_space<hbm>> -> memref<1x8x1x8x128xf32, #tpu.memory_space<hbm>>
    %dma_wait3A_546 = tpu.memref_squeeze %dma_wait3A_545 : memref<1x8x1x8x128xf32, #tpu.memory_space<hbm>> -> memref<8x8x128xf32, #tpu.memory_space<hbm>>
    %dma_wait3A_547 = arith.constant 0 : i32
    %dma_wait3A_548 = arith.constant 0 : i32
    %dma_wait3A_549 = arith.constant 0 : i32
    %dma_wait3A_550 = tpu.memref_slice %arg5[%add3A_497, %dma_wait3A_547, %select_n3A_537, %dma_wait3A_548, %dma_wait3A_549] : memref<200x8x32x8x128xf32, #tpu.memory_space<hbm>> -> memref<1x8x1x8x128xf32, #tpu.memory_space<hbm>>
    %dma_wait3A_551 = tpu.memref_squeeze %dma_wait3A_550 : memref<1x8x1x8x128xf32, #tpu.memory_space<hbm>> -> memref<8x8x128xf32, #tpu.memory_space<hbm>>
    %dma_wait3A_552 = arith.constant 0 : i32
    %dma_wait3A_553 = arith.constant 0 : i32
    %dma_wait3A_554 = arith.constant 0 : i32
    %dma_wait3A_555 = tpu.memref_slice %arg14[%dma_wait3A_552, %dma_wait3A_553, %dma_wait3A_554] : memref<8x8x129xf32, #tpu.memory_space<vmem>> -> memref<8x8x128xf32, #tpu.memory_space<vmem>>
    tpu.wait_dma2 semaphore(%arg22 : memref<!tpu.dma_semaphore, #tpu.memory_space<semaphore_mem>>) src(%dma_wait3A_555 : memref<8x8x128xf32, #tpu.memory_space<vmem>>) dst(%dma_wait3A_551 : memref<8x8x128xf32, #tpu.memory_space<hbm>>)
    %add3A_556 = arith.constant 199 : i32
    %add3A_557 = arith.addi %mul3A_2, %add3A_556 : i32
    %jit3A_558 = arith.constant 256 : i32
    %div3A_559 = arith.divsi %add3A_557, %jit3A_558 : i32
    %sign3A_560 = arith.constant 0 : i32
    %sign3A_561 = arith.cmpi sgt, %add3A_557, %sign3A_560 : i32
    %sign3A_562 = arith.extui %sign3A_561 : i1 to i32
    %sign3A_563 = arith.constant 0 : i32
    %sign3A_564 = arith.cmpi slt, %add3A_557, %sign3A_563 : i32
    %sign3A_565 = arith.extui %sign3A_564 : i1 to i32
    %sign3A_566 = arith.subi %sign3A_562, %sign3A_565 : i32
    %sign3A_567 = arith.constant 0 : i32
    %sign3A_568 = arith.cmpi sgt, %jit3A_558, %sign3A_567 : i32
    %sign3A_569 = arith.extui %sign3A_568 : i1 to i32
    %sign3A_570 = arith.constant 0 : i32
    %sign3A_571 = arith.cmpi slt, %jit3A_558, %sign3A_570 : i32
    %sign3A_572 = arith.extui %sign3A_571 : i1 to i32
    %sign3A_573 = arith.subi %sign3A_569, %sign3A_572 : i32
    %ne3A_574 = arith.cmpi ne, %sign3A_566, %sign3A_573 : i32
    %rem3A_575 = arith.remsi %add3A_557, %jit3A_558 : i32
    %ne3A_576 = arith.constant 0 : i32
    %ne3A_577 = arith.cmpi ne, %rem3A_575, %ne3A_576 : i32
    %and3A_578 = arith.andi %ne3A_574, %ne3A_577 : i1
    %sub3A_579 = arith.constant 1 : i32
    %sub3A_580 = arith.subi %div3A_559, %sub3A_579 : i32
    %select_n3A_581 = arith.select %and3A_578, %sub3A_580, %div3A_559 : i32
    %mul3A_582 = arith.constant 8 : i32
    %mul3A_583 = arith.muli %select_n3A_581, %mul3A_582 : i32
    %jit3A_584 = arith.constant 8 : i32
    %eq3A_585 = arith.constant 0 : i32
    %eq3A_586 = arith.cmpi eq, %jit3A_584, %eq3A_585 : i32
    %jit3A_587 = arith.constant 1 : i32
    %select_n3A_588 = arith.select %eq3A_586, %jit3A_587, %jit3A_584 : i32
    %rem3A_589 = arith.remsi %add3A_557, %select_n3A_588 : i32
    %ne3A_590 = arith.constant 0 : i32
    %ne3A_591 = arith.cmpi ne, %rem3A_589, %ne3A_590 : i32
    %lt3A_592 = arith.constant 0 : i32
    %lt3A_593 = arith.cmpi slt, %rem3A_589, %lt3A_592 : i32
    %lt3A_594 = arith.constant 0 : i32
    %lt3A_595 = arith.cmpi slt, %select_n3A_588, %lt3A_594 : i32
    %ne3A_596 = arith.xori %lt3A_593, %lt3A_595 : i1
    %and3A_597 = arith.andi %ne3A_596, %ne3A_591 : i1
    %add3A_598 = arith.addi %rem3A_589, %select_n3A_588 : i32
    %select_n3A_599 = arith.select %and3A_597, %add3A_598, %rem3A_589 : i32
    %add3A_600 = arith.addi %mul3A_583, %select_n3A_599 : i32
    %jit3A_601 = arith.constant 8 : i32
    %div3A_602 = arith.divsi %add3A_557, %jit3A_601 : i32
    %sign3A_603 = arith.constant 0 : i32
    %sign3A_604 = arith.cmpi sgt, %add3A_557, %sign3A_603 : i32
    %sign3A_605 = arith.extui %sign3A_604 : i1 to i32
    %sign3A_606 = arith.constant 0 : i32
    %sign3A_607 = arith.cmpi slt, %add3A_557, %sign3A_606 : i32
    %sign3A_608 = arith.extui %sign3A_607 : i1 to i32
    %sign3A_609 = arith.subi %sign3A_605, %sign3A_608 : i32
    %sign3A_610 = arith.constant 0 : i32
    %sign3A_611 = arith.cmpi sgt, %jit3A_601, %sign3A_610 : i32
    %sign3A_612 = arith.extui %sign3A_611 : i1 to i32
    %sign3A_613 = arith.constant 0 : i32
    %sign3A_614 = arith.cmpi slt, %jit3A_601, %sign3A_613 : i32
    %sign3A_615 = arith.extui %sign3A_614 : i1 to i32
    %sign3A_616 = arith.subi %sign3A_612, %sign3A_615 : i32
    %ne3A_617 = arith.cmpi ne, %sign3A_609, %sign3A_616 : i32
    %rem3A_618 = arith.remsi %add3A_557, %jit3A_601 : i32
    %ne3A_619 = arith.constant 0 : i32
    %ne3A_620 = arith.cmpi ne, %rem3A_618, %ne3A_619 : i32
    %and3A_621 = arith.andi %ne3A_617, %ne3A_620 : i1
    %sub3A_622 = arith.constant 1 : i32
    %sub3A_623 = arith.subi %div3A_602, %sub3A_622 : i32
    %select_n3A_624 = arith.select %and3A_621, %sub3A_623, %div3A_602 : i32
    %jit3A_625 = arith.constant 32 : i32
    %eq3A_626 = arith.constant 0 : i32
    %eq3A_627 = arith.cmpi eq, %jit3A_625, %eq3A_626 : i32
    %jit3A_628 = arith.constant 1 : i32
    %select_n3A_629 = arith.select %eq3A_627, %jit3A_628, %jit3A_625 : i32
    %rem3A_630 = arith.remsi %select_n3A_624, %select_n3A_629 : i32
    %ne3A_631 = arith.constant 0 : i32
    %ne3A_632 = arith.cmpi ne, %rem3A_630, %ne3A_631 : i32
    %lt3A_633 = arith.constant 0 : i32
    %lt3A_634 = arith.cmpi slt, %rem3A_630, %lt3A_633 : i32
    %lt3A_635 = arith.constant 0 : i32
    %lt3A_636 = arith.cmpi slt, %select_n3A_629, %lt3A_635 : i32
    %ne3A_637 = arith.xori %lt3A_634, %lt3A_636 : i1
    %and3A_638 = arith.andi %ne3A_637, %ne3A_632 : i1
    %add3A_639 = arith.addi %rem3A_630, %select_n3A_629 : i32
    %select_n3A_640 = arith.select %and3A_638, %add3A_639, %rem3A_630 : i32
    %dma_wait3A_641 = arith.constant 0 : i32
    %dma_wait3A_642 = arith.constant 0 : i32
    %dma_wait3A_643 = arith.constant 0 : i32
    %dma_wait3A_644 = tpu.memref_slice %arg15[%dma_wait3A_641, %dma_wait3A_642, %dma_wait3A_643] : memref<8x8x129xf32, #tpu.memory_space<vmem>> -> memref<8x8x128xf32, #tpu.memory_space<vmem>>
    %dma_wait3A_645 = arith.constant 0 : i32
    %dma_wait3A_646 = arith.constant 0 : i32
    %dma_wait3A_647 = arith.constant 0 : i32
    %dma_wait3A_648 = tpu.memref_slice %arg5[%add3A_600, %dma_wait3A_645, %select_n3A_640, %dma_wait3A_646, %dma_wait3A_647] : memref<200x8x32x8x128xf32, #tpu.memory_space<hbm>> -> memref<1x8x1x8x128xf32, #tpu.memory_space<hbm>>
    %dma_wait3A_649 = tpu.memref_squeeze %dma_wait3A_648 : memref<1x8x1x8x128xf32, #tpu.memory_space<hbm>> -> memref<8x8x128xf32, #tpu.memory_space<hbm>>
    %dma_wait3A_650 = arith.constant 0 : i32
    %dma_wait3A_651 = arith.constant 0 : i32
    %dma_wait3A_652 = arith.constant 0 : i32
    %dma_wait3A_653 = tpu.memref_slice %arg5[%add3A_600, %dma_wait3A_650, %select_n3A_640, %dma_wait3A_651, %dma_wait3A_652] : memref<200x8x32x8x128xf32, #tpu.memory_space<hbm>> -> memref<1x8x1x8x128xf32, #tpu.memory_space<hbm>>
    %dma_wait3A_654 = tpu.memref_squeeze %dma_wait3A_653 : memref<1x8x1x8x128xf32, #tpu.memory_space<hbm>> -> memref<8x8x128xf32, #tpu.memory_space<hbm>>
    %dma_wait3A_655 = arith.constant 0 : i32
    %dma_wait3A_656 = arith.constant 0 : i32
    %dma_wait3A_657 = arith.constant 0 : i32
    %dma_wait3A_658 = tpu.memref_slice %arg15[%dma_wait3A_655, %dma_wait3A_656, %dma_wait3A_657] : memref<8x8x129xf32, #tpu.memory_space<vmem>> -> memref<8x8x128xf32, #tpu.memory_space<vmem>>
    tpu.wait_dma2 semaphore(%arg23 : memref<!tpu.dma_semaphore, #tpu.memory_space<semaphore_mem>>) src(%dma_wait3A_658 : memref<8x8x128xf32, #tpu.memory_space<vmem>>) dst(%dma_wait3A_654 : memref<8x8x128xf32, #tpu.memory_space<hbm>>)
    return
  }
}

</mosaic_0001>

<sc_bundles>
// kernel: _run.3.cloned.1.call-start
scs
__scs_entry_jumppad:
0x0: {  	(pc) =	sbr.rel $0x88, $3  }
0x1: {  	(tag) =	ssettag $0x0;
	lr =	simm.s32 $0x1  }
0x2: {  	[smem:$0x3F9E] =	sst lr;
	_ =	strace $0xD0000000  }
0x3: {  	_ = 	snop  }
0x4: {  	_ = 	snop  }
0x5: {  	_ = 	snop  }
0x6: {  	_ = 	snop  }
0x7: {  	_ = 	snop  }
__scs_overlays_trampoline_lowered:
0x8: {  	[smem:$0x3FAD] =	sst s0  }
0x9: {  	[smem:$0x3FAE] =	sst s1  }
0xa: {  	[smem:$0x3FAF] =	sst s2  }
0xb: {  	[smem:$0x3FB0] =	sst s3  }
0xc: {  	[smem:$0x3FB1] =	sst s4  }
0xd: {  	[smem:$0x3FB2] =	sst s5  }
0xe: {  	[smem:$0x3FB3] =	sst s6  }
0xf: {  	[smem:$0x3FB4] =	sst s7  }
0x10: {  	[smem:$0x3FB5] =	sst s8  }
0x11: {  	[smem:$0x3FB6] =	sst s9;
	s0 =	simm.s32 @!p0 $0x0  }
0x12: {  	s1 =	sld [smem:$0x3F9C];
	s0 =	simm.s32 @p0 $0x1  }
0x13: {  	[smem:$0x3FB7] =	sst s0;
	s0 =	simm.s32 @!p1 $0x0  }
0x14: {  	s2 =	sld [smem:$0x3F9B];
	s0 =	simm.s32 @p1 $0x1  }
0x15: {  	[smem:$0x3FB8] =	sst s0;
	s0 =	simm.s32 @!p2 $0x0  }
0x16: {  	s3 =	sld [smem:$0x3FDB];
	s0 =	simm.s32 @p2 $0x1  }
0x17: {  	s4 =	simm.s32 $0x1BF5;
	[smem:$0x3FBA] =	sst s0  }
0x18: {  	s0 =	sld [smem:$0x3F9D];
	_ =	swait.ge [sflag:s4], $0x0  }
0x19: {  	s7 =	sld [smem:$0x3F9E]  }
0x1a: {  	s8 =	sadd.s32 $0xFFFFE003, lr  }
0x1b: {  	s9 =	sadd.s32 $0xFFFFFEF7, lr;
	s5 =	simm.s32 $0xFFFFFFFF;
	p2 =	slt.u32 s8, $0xFFFFF086  }
0x1c: {  	p1 =	slt.u32 s9, $0xF7A;
	s5 =	simm.s32 @!p2 $0x0  }
0x1d: {  	s5 =	simm.s32 @p1 $0x1;
	p0 =	seq.s32 s7, s2  }
0x1e: {  	s7 =	smul.u32 @!p0 $0xF7A, s2;
	p2 =	seq.s32 @!p0 s5, $0x0  }
0x1f: {  	s9 =	smul.u32 $0xF7A, s1;
	s8 =	simm.s32 @!p0 $0x1BF5;
	p2 =	por !p2, p0  }
0x20: {  	[sflag:s8] =	ssyncset.s32 @!p0 $0xFFFFF086;
	s6 =	sadd.s32 @!p0 s3, s7;
	s7 =	simm.s32 @!p0 $0x108  }
0x21: {  	s3 =	sadd.s32 s3, s9;
	s6 =	sadd.s32 @!p0 $0x88, s6;
	s7 =	simm.s32 @p2 $0x1082  }
0x22: {  	[simem:s7], [sflag:s8] =	dma.local @!p0 [hbm:s6], $0xF7A  }
0x23: {  	s9 =	sor.u32 $0xD0000000, s2;
	s6 =	simm.s32 $0x108;
	_ =	swait.ge @!p0 [sflag:s8], $0x0  }
0x24: {  	s3 =	sadd.s32 $0x88, s3;
	s6 =	simm.s32 @!p1 $0x1082;
	[sflag:s4] =	ssyncset.s32 $0xFFFFF086  }
0x25: {  	[simem:s6], [sflag:s4] =	dma.local [hbm:s3], $0xF7A  }
0x26: {  	[smem:$0x3F9E] =	sst s1;
	(tag) =	ssettag s2;
	_ =	strace s9  }
0x27: {  	s1 =	sld [smem:$0x3FAE]  }
0x28: {  	s2 =	sld [smem:$0x3FAF]  }
0x29: {  	s4 =	sld [smem:$0x3FB1]  }
0x2a: {  	p0 =	seq.s32 s5, $0x0;
	s5 =	sld [smem:$0x3FB2]  }
0x2b: {  	s6 =	sld [smem:$0x3FB3]  }
0x2c: {  	s7 =	sld [smem:$0x3FB4]  }
0x2d: {  	s3 =	simm.s32 $0x108;
	s8 =	sld [smem:$0x3FB5]  }
0x2e: {  	s3 =	simm.s32 @!p0 $0x1082;
	s9 =	sld [smem:$0x3FB6]  }
0x2f: {  	lr =	sadd.s32 s0, s3;
	s0 =	sld [smem:$0x3FAD]  }
0x30: {  	s3 =	sld [smem:$0x3FB0]  }
0x31: {  	[smem:$0x3FB9] =	sst s10  }
0x32: {  	s10 =	sld [smem:$0x3FB7];
	_ =	sdelay $0x3  }
0x33: {  	p0 =	seq.s32 s10, $0x1;
	s10 =	sld [smem:$0x3FB9];
	_ =	sdelay $0x3  }
0x34: {  	[smem:$0x3FB9] =	sst s10  }
0x35: {  	s10 =	sld [smem:$0x3FB8];
	_ =	sdelay $0x3  }
0x36: {  	p1 =	seq.s32 s10, $0x1;
	s10 =	sld [smem:$0x3FB9];
	_ =	sdelay $0x3  }
0x37: {  	[smem:$0x3FB9] =	sst s10  }
0x38: {  	s10 =	sld [smem:$0x3FBA]  }
0x39: {  	_ = 	snop;
	(pc) =	sbr.ind lr, $3  }
0x3a: {  	_ = 	snop  }
0x3b: {  	_ = 	snop  }
0x3c: {  	p2 =	seq.s32 s10, $0x1;
	s10 =	sld [smem:$0x3FB9]  }
0x3d: {  	_ =	shalt  }
0x3e: {  	_ =	shalt  }
0x3f: {  	_ =	shalt  }
0x40: {  	_ =	shalt  }
0x41: {  	_ =	shalt  }
0x42: {  	_ =	shalt  }
0x43: {  	_ =	shalt  }
0x44: {  	_ =	shalt  }
0x45: {  	_ =	shalt  }
0x46: {  	_ =	shalt  }
0x47: {  	_ =	shalt  }
0x48: {  	_ =	shalt  }
0x49: {  	_ =	shalt  }
0x4a: {  	_ =	shalt  }
0x4b: {  	_ =	shalt  }
0x4c: {  	_ =	shalt  }
0x4d: {  	_ =	shalt  }
0x4e: {  	_ =	shalt  }
0x4f: {  	_ =	shalt  }
0x50: {  	_ =	shalt  }
0x51: {  	_ =	shalt  }
0x52: {  	_ =	shalt  }
0x53: {  	_ =	shalt  }
0x54: {  	_ =	shalt  }
0x55: {  	_ =	shalt  }
0x56: {  	_ =	shalt  }
0x57: {  	_ =	shalt  }
0x58: {  	_ =	shalt  }
0x59: {  	_ =	shalt  }
0x5a: {  	_ =	shalt  }
0x5b: {  	_ =	shalt  }
0x5c: {  	_ =	shalt  }
0x5d: {  	_ =	shalt  }
0x5e: {  	_ =	shalt  }
0x5f: {  	_ =	shalt  }
0x60: {  	_ =	shalt  }
0x61: {  	_ =	shalt  }
0x62: {  	_ =	shalt  }
0x63: {  	_ =	shalt  }
0x64: {  	_ =	shalt  }
0x65: {  	_ =	shalt  }
0x66: {  	_ =	shalt  }
0x67: {  	_ =	shalt  }
0x68: {  	_ =	shalt  }
0x69: {  	_ =	shalt  }
0x6a: {  	_ =	shalt  }
0x6b: {  	_ =	shalt  }
0x6c: {  	_ =	shalt  }
0x6d: {  	_ =	shalt  }
0x6e: {  	_ =	shalt  }
0x6f: {  	_ =	shalt  }
0x70: {  	_ =	shalt  }
0x71: {  	_ =	shalt  }
0x72: {  	_ =	shalt  }
0x73: {  	_ =	shalt  }
0x74: {  	_ =	shalt  }
0x75: {  	_ =	shalt  }
0x76: {  	_ =	shalt  }
0x77: {  	_ =	shalt  }
0x78: {  	_ =	shalt  }
0x79: {  	_ =	shalt  }
0x7a: {  	_ =	shalt  }
0x7b: {  	_ =	shalt  }
0x7c: {  	_ =	shalt  }
0x7d: {  	_ =	shalt  }
0x7e: {  	_ =	shalt  }
0x7f: {  	_ =	shalt  }
0x80: {  	_ =	shalt  }
0x81: {  	_ =	shalt  }
0x82: {  	_ =	shalt  }
0x83: {  	_ =	shalt  }
0x84: {  	_ =	shalt  }
0x85: {  	_ =	shalt  }
0x86: {  	_ =	shalt  }
0x87: {  	_ =	shalt  }
.Lfunc_end0:
.L_simem_size_0:
called_computation_lowered:
.L_overlay_start_0:
0x88: {  	s2 =	sld [smem:$0x3FD9]  }
0x89: {  	s3 =	sld [smem:$0x3FFE];
	_ =	sdelay $0x1  }
0x8a: {  	s1 =	srdreg.scid  }
0x8b: {  	s0 =	sand.u32 $0x1, s1  }
0x8c: {  	s17 =	sshll.u32 s0, $0xA;
	s2 =	sadd.s32 s3, s2  }
0x8d: {  	s2 =	sadd.s32 s2, s17  }
0x8e: {  	[smem:$0x3FC5] =	sst s2  }
0x8f: {  	_ = 	snop  }
0x90: {  	s2 =	sld [smem:$0x3FC9]  }
0x91: {  	s18 =	sld [smem:$0x3FD0];
	(tm) =	ssettm $0x1  }
0x92: {  	s4 =	sld [smem:$0x3FFB];
	_ =	sdelay $0x3  }
0x93: {  	_ =	strace s4  }
0x94: {  	s4 =	sld [smem:$0x3FFC];
	_ =	sdelay $0x3  }
0x95: {  	_ =	strace s4  }
0x96: {  	s4 =	sld [smem:$0x3FFD];
	_ =	sdelay $0x3  }
0x97: {  	_ =	strace s4  }
0x98: {  	_ =	strace $0x8FFFFFFF  }
0x99: {  	s19 =	sld [smem:$0x3FDB];
	_ =	sdelay $0x1  }
0x9a: {  	s5 =	simm.s32 $_scs_section_size  }
0x9b: {  	s6 =	simm.s32 $_size__tile_overlayer_lowered;
	s7 =	simm.s32 $_tile_overlayer_lowered  }
0x9c: {  	s22 =	simm.s32 $0x1BFF;
	s21 =	sshll.u32 s7, $0x1;
	s4 =	sadd.s32 s5, s19  }
0x9d: {  	s8 =	simm.s32 $0x0;
	s20 =	sshll.u32 s6, $0x1;
	s6 =	sadd.s32 s21, s4  }
0x9e: {  	[timem:s8], [sflag:s22] =	dma.local [hbm:s6], s20  }
0x9f: {  	_ =	swait.ge [sflag:s22], s20  }
0xa0: {  	s5 =	ssub.s32 $0x0, s20;
	[sflag:s22] =	ssyncset.done $0x0  }
0xa1: {  	[sflag:s22] =	ssyncadd.s32 s5;
	_ =	sdelay $0x1  }
0xa2: {  	s23 =	simm.s32 $0x1B8B  }
0xa3: {  	_ =	swait.ge [sflag:s23], $0x1  }
0xa4: {  	[sflag:s23] =	ssyncset.done $0x0  }
0xa5: {  	s25 =	simm.s32 $0x1B8E;
	s24 =	sld [smem:$0x3FFE];
	[sflag:s23] =	ssyncadd.s32 $0xFFFFFFFF  }
0xa6: {  	s26 =	simm.s32 $execute0_lowered;
	[smem:$0x3FD2] =	sst s25  }
0xa7: {  	s6 =	sshll.u32 s26, $0x1;
	_ =	strace $0x80000046;
	[dreg:$0x1] =	wrdreg $0xFFFFFFFF  }
0xa8: {  	s28 =	simm.s32 $_size_execute0_lowered;
	s4 =	sadd.s32 s4, s6;
	[dreg:$0x0] =	wrdreg $0x0  }
0xa9: {  	s6 =	sshll.u32 s28, $0x1;
	[dreg:$0x2] =	wrdreg s4  }
0xaa: {  	[dreg:$0x3] =	wrdreg s6  }
0xab: {  	[dreg:$0x4] =	wrdreg $0xC0  }
0xac: {  	_ =	task [dreg:s8], $0x5FFFF  }
0xad: {  	[dreg:$0x1] =	wrdreg $0xFFFFFFFF  }
0xae: {  	[dreg:$0x0] =	wrdreg $0x60  }
0xaf: {  	[dreg:$0x2] =	wrdreg s2  }
0xb0: {  	[dreg:$0x3] =	wrdreg s24  }
0xb1: {  	[dreg:$0x4] =	wrdreg s18  }
0xb2: {  	[dreg:$0x5] =	wrdreg $0x9  }
0xb3: {  	_ =	task.clear_ibuf [dreg:s8], $0x6FFFF;
	_ =	strace $0x90000046  }
0xb4: {  	s29 =	simm.s32 $0x9;
	_ =	strace $0x80000048  }
0xb5: {  	_ =	swait.ge [sflag:s29], $0x1  }
0xb6: {  	[sflag:s29] =	ssyncadd.s32 $0xFFFFFFFF  }
0xb7: {  	_ =	strace $0x90000048  }
0xb8: {  	_ =	sfence  }
0xb9: {  	s30 =	sld [smem:$0x0];
	_ =	sdelay $0x2  }
0xba: {  	s31 =	sshll.u32 s1, $0xD;
	s1 =	sshrl.u32 s1, $0x2  }
0xbb: {  	s3 =	sand.u32 $0x4000, s31;
	s1 =	sadd.s32 s1, s30  }
0xbc: {  	s0 =	sor.u32 s3, s0;
	s1 =	sshll.u32 s1, $0x11  }
0xbd: {  	s0 =	sor.u32 s1, s0  }
0xbe: {  	s0 =	sadd.s32 $0x8F2B, s0  }
0xbf: {  	[sflag:s0] =	ssyncadd.remote.s32 $0x1  }
0xc0: {  	_ =	sfence.sel $0xFFFF  }
0xc1: {  	[dreg:$0x0] =	wrdreg $0xFFFFFFFF;
	(pc) =	sbr.abs _section_cstart, $3  }
0xc2: {  	[dreg:$0x1] =	wrdreg $0xFFFFFFFF  }
0xc3: {  	_ =	task.clear_ibuf [dreg:s8], $0x2FFFF;
	_ =	strace $0x9FFFFFFF  }
0xc4: {  	(tm) =	ssettm $0x7FFFFFFF  }
0xc5: {  	_ =	shalt  }
tec
execute0_lowered:
.L_overlay_start_1:
0x0: {  	(tag) =	ssettag $0x1  }
0x1: {  	s0 =	rddreg [dreg:$0x0]  }
0x2: {  	s1 =	rddreg [dreg:$0x1]  }
0x3: {  	s2 =	rddreg [dreg:$0x2]  }
0x4: {  	s3 =	simm.s32 $0x0;
	s4 =	srdreg.scid;
	s5 =	stileid.u32  }
0x5: {  	s10 =	simm.s32 $0x9;
	s11 =	simm.s32 $0x80;
	s18 =	simm.s32 $0x1  }
0x6: {  	s19 =	simm.s32 $0x11600;
	s20 =	simm.s32 $0x2;
	s21 =	simm.s32 $0x13800  }
0x7: {  	s22 =	simm.s32 $0x3;
	s23 =	simm.s32 $0x15A00;
	s24 =	simm.s32 $0x4  }
0x8: {  	s25 =	simm.s32 $0x17C00;
	s28 =	simm.s32 $0x6;
	s29 =	simm.s32 $0x7  }
0x9: {  	s30 =	simm.s32 $0x8;
	s31 =	simm.s32 $0x0;
	[smem:$0x7FF] =	sst s3  }
0xa: {  	s4 =	sand.u32 $0x1, s4;
	s5 =	sshll.u32 s5, $0x1;
	_ =	strace $0x80000047  }
0xb: {  	v0 =	vlaneseq.u32;
	s6 =	ssub.s32 $0x2, s4;
	s7 =	sor.u32 s4, s5;
	s4 =	sadd.s32 $0xC00, s1  }
0xc: {  	v0 =	vmul.u32 $0x88, v0;
	s1 =	sadd.s32 $0x400, s1;
	s8 =	sshrl.u32 s6, $0x1;
	s9 =	smul.u32 $0xC80, s7  }
0xd: {  	[dreg:$0x4] =	wrdreg s1;
	s26 =	ssub.s32 s6, s8;
	s6 =	smul.u32 $0xC8, s7  }
0xe: {  	v1 =	vadd.s32 $0x880, v0;
	v2 =	vadd.s32 $0x1100, v0;
	v3 =	vadd.s32 $0x1980, v0;
	s7 =	sadd.s32 s0, s9;
	s8 =	smax.u32 s26, $0x1;
	s26 =	simm.s32 $0x5  }
.LBB2_1:
0xf: {  	s0 =	rddreg [dreg:$0x4];
	s1 =	simm.s32 $0x6400  }
0x10: {  	[tilespmem:s1], [sflag:$0x9] =	stream.linear.gather [hbm4b:s0+s3], $0x3200, $0x38;
	[tilespmem:$0x19E00] =	vst v63  }
0x11: {  	_ =	swait.ge [sflag:s10], $0x3200  }
0x12: {  	[sflag:s10] =	ssyncset.done $0x0  }
0x13: {  	[sflag:s10] =	ssyncadd.s32 $0xFFFFCE00  }
0x14: {  	[tilespmem:s3], [sflag:$0x9] =	stream.linear.gather [hbm4b:s7+s3], $0x6400, $0x38;
	[tilespmem:$0x19E00] =	vst v63  }
0x15: {  	_ =	swait.ge [sflag:s10], $0x6400  }
0x16: {  	[sflag:s10] =	ssyncset.done $0x0  }
0x17: {  	s12 =	simm.s32 $0x9600;
	[sflag:s10] =	ssyncadd.s32 $0xFFFF9C00  }
0x18: {  	[tilespmem:s12], [sflag:$0x1] =	stream.indirect.gather [hbm4b:s4+s11], $0x40, s3, s11, $0xb8;
	[tilespmem:$0x19E00] =	vst v63  }
0x19: {  	s13 =	simm.s32 $0xB600  }
0x1a: {  	[tilespmem:s13], [sflag:$0x2] =	stream.indirect.gather [hbm4b:s4+s11], $0x40, s11, s11, $0xb8;
	[tilespmem:$0x19E00] =	vst v63  }
0x1b: {  	s14 =	simm.s32 $0x100;
	s15 =	simm.s32 $0xD600  }
0x1c: {  	[tilespmem:s15], [sflag:$0x3] =	stream.indirect.gather [hbm4b:s4+s11], $0x40, s14, s11, $0xb8;
	[tilespmem:$0x19E00] =	vst v63  }
0x1d: {  	s16 =	simm.s32 $0x180;
	s17 =	simm.s32 $0xF600;
	s0 =	simm.s32 $0x0  }
0x1e: {  	[tilespmem:s17], [sflag:$0x4] =	stream.indirect.gather [hbm4b:s4+s11], $0x40, s16, s11, $0xb8;
	[tilespmem:$0x19E00] =	vst v63  }
.LBB2_2:
0x1f: {  	s1 =	sshll.u32 s0, $0x2;
	_ =	swait.ge [sflag:s18], $0x2000  }
0x20: {  	p0 =	seq.s32 s0, $0x0;
	s12 =	sadd.s32 s6, s1;
	[sflag:s18] =	ssyncset.done $0x0  }
0x21: {  	s15 =	simm.s32 @!p0 $0x5;
	s9 =	sshrl.u32 s12, $0x5;
	[sflag:s18] =	ssyncadd.s32 $0xFFFFE000  }
0x22: {  	s14 =	sand.u32 $0x4, s1;
	s9 =	sand.u32 $0x3FFFFF8, s9;
	_ =	swait.ge @!p0 [sflag:s15], $0x2000  }
0x23: {  	s13 =	sor.u32 s14, s9;
	[sflag:s15] =	ssyncset.done @!p0 $0x0  }
0x24: {  	s17 =	simm.s32 $0x9680;
	s9 =	sshll.u32 s13, $0x8;
	[sflag:s15] =	ssyncadd.s32 @!p0 $0xFFFFE000  }
0x25: {  	s5 =	simm.s32 $0x3;
	s9 =	sshra.s32 s9, $0x2;
	v7 =	vld [tilespmem:s17+$0x40]  }
0x26: {  	v4 =	vmov s5;
	v9 =	vld [tilespmem:s9+$0x6400]  }
0x27: {  	v13 =	vand.u32 $0x7F, v4  }
0x28: {  	s16 =	simm.s32 $0x0;
	v8 =	vadd.s32 v0, v13;
	v10 =	vld [tilespmem:s17+$0xFFFFFF80]  }
0x29: {  	s5 =	simm.s32 $0x1;
	v4 =	vmov s16;
	s16 =	simm.s32 $0x2;
	v11 =	vld [tilespmem:s17+$0xFFFFFFC0]  }
0x2a: {  	v12 =	vand.u32 $0x7C, v4;
	v4 =	vmov s5;
	v14 =	vmov s16;
	v16 =	vld [tilespmem:s17+$0x0]  }
0x2b: {  	v15 =	vadd.s32 v0, v12;
	v19 =	vand.u32 $0x7D, v4;
	v6 =	vld [tilespmem:s9+$0x6410];
	v7 =	vadd.f32 v7, v9  }
0x2c: {  	v20 =	vand.u32 $0x7E, v14;
	v17 =	vadd.s32 v0, v19;
	v5 =	vld [tilespmem:s9+$0x6420]  }
0x2d: {  	v14 =	vadd.s32 v0, v20;
	v4 =	vld [tilespmem:s9+$0x6430];
	[tilespmem:v8+s19+$0x0] =	vst.idx.msk $0xffff, v7  }
0x2e: {  	v7 =	vadd.f32 v10, v9;
	v8 =	vld [tilespmem:s17+$0x50]  }
0x2f: {  	v10 =	vadd.f32 v11, v9  }
0x30: {  	v11 =	vadd.s32 v1, v13;
	[tilespmem:v15+s19+$0x0] =	vst.idx.msk $0xffff, v7;
	v7 =	vadd.f32 v16, v9  }
0x31: {  	[tilespmem:v17+s19+$0x0] =	vst.idx.msk $0xffff, v10;
	v15 =	vld [tilespmem:s17+$0xFFFFFF90]  }
0x32: {  	v10 =	vld [tilespmem:s17+$0xFFFFFFD0];
	[tilespmem:v14+s19+$0x0] =	vst.idx.msk $0xffff, v7  }
0x33: {  	v14 =	vld [tilespmem:s17+$0x10];
	v7 =	vadd.f32 v8, v6  }
0x34: {  	s5 =	simm.s32 $0x7;
	s9 =	simm.s32 $0x9780;
	v16 =	vadd.s32 v1, v19  }
0x35: {  	s16 =	simm.s32 $0x4;
	v26 =	vadd.s32 v2, v13;
	v18 =	vld [tilespmem:s9+$0x40];
	v17 =	vadd.s32 v1, v20;
	[tilespmem:v11+s19+$0x0] =	vst.idx.msk $0xffff, v7;
	v7 =	vmov s5  }
0x36: {  	v21 =	vadd.s32 v1, v12;
	v8 =	vmov s16;
	v7 =	vand.u32 $0x7F, v7;
	v22 =	vld [tilespmem:s17+$0x60]  }
0x37: {  	v23 =	vld [tilespmem:s9+$0xFFFFFF80];
	v8 =	vand.u32 $0x7C, v8;
	v10 =	vadd.f32 v10, v6;
	s5 =	simm.s32 $0x5;
	v24 =	vadd.s32 v0, v7  }
0x38: {  	v25 =	vld [tilespmem:s9+$0xFFFFFFC0];
	s16 =	simm.s32 $0x6;
	v15 =	vadd.f32 v15, v6;
	v11 =	vadd.f32 v14, v6;
	v14 =	vmov s5  }
0x39: {  	v27 =	vadd.s32 v0, v8;
	[tilespmem:v16+s19+$0x0] =	vst.idx.msk $0xffff, v10;
	v16 =	vmov s16;
	v10 =	vand.u32 $0x7D, v14;
	v14 =	vld [tilespmem:s9+$0x0]  }
0x3a: {  	[tilespmem:v17+s19+$0x0] =	vst.idx.msk $0xffff, v11;
	v17 =	vadd.s32 v0, v10;
	v11 =	vand.u32 $0x7E, v16;
	v16 =	vadd.f32 v18, v9;
	v18 =	vld [tilespmem:s17+$0xFFFFFFE0]  }
0x3b: {  	[tilespmem:v21+s19+$0x0] =	vst.idx.msk $0xffff, v15;
	v15 =	vadd.s32 v0, v11;
	v21 =	vld [tilespmem:s17+$0x20];
	v22 =	vadd.f32 v22, v5  }
0x3c: {  	v23 =	vadd.f32 v23, v9;
	[tilespmem:v24+s19+$0x0] =	vst.idx.msk $0xffff, v16;
	v16 =	vld [tilespmem:s17+$0xFFFFFFA0];
	v24 =	vadd.s32 v2, v19  }
0x3d: {  	v29 =	vadd.s32 v2, v20;
	v25 =	vadd.f32 v25, v9;
	v28 =	vld [tilespmem:s9+$0x50];
	[tilespmem:v26+s19+$0x0] =	vst.idx.msk $0xffff, v22  }
0x3e: {  	[tilespmem:v27+s19+$0x0] =	vst.idx.msk $0xffff, v23;
	v23 =	vadd.s32 v2, v12;
	v14 =	vadd.f32 v14, v9;
	v26 =	vld [tilespmem:s17+$0x70]  }
0x3f: {  	v27 =	vld [tilespmem:s9+$0xFFFFFF90];
	[tilespmem:v17+s19+$0x0] =	vst.idx.msk $0xffff, v25;
	v25 =	vadd.s32 v1, v7;
	v18 =	vadd.f32 v18, v5  }
0x40: {  	v31 =	vadd.s32 v3, v13;
	v30 =	vld [tilespmem:s9+$0xFFFFFFD0];
	[tilespmem:v15+s19+$0x0] =	vst.idx.msk $0xffff, v14;
	v14 =	vadd.f32 v21, v5  }
0x41: {  	v22 =	vadd.s32 v1, v8;
	v17 =	vld [tilespmem:s9+$0x10];
	v13 =	vadd.f32 v16, v5;
	[tilespmem:v24+s19+$0x0] =	vst.idx.msk $0xffff, v18  }
0x42: {  	s16 =	simm.s32 $0x8;
	v21 =	vadd.s32 v1, v10;
	[tilespmem:v29+s19+$0x0] =	vst.idx.msk $0xffff, v14;
	v18 =	vadd.f32 v28, v6;
	v16 =	vld [tilespmem:s17+$0xFFFFFFF0]  }
0x43: {  	v24 =	vmov s16;
	v14 =	vadd.s32 v1, v11;
	v15 =	vld [tilespmem:s17+$0x30];
	[tilespmem:v23+s19+$0x0] =	vst.idx.msk $0xffff, v13;
	v63 =	vadd.f32 v26, v4  }
0x44: {  	s15 =	simm.s32 $0x9880;
	s5 =	simm.s32 $0xB;
	v19 =	vadd.s32 v3, v19;
	v13 =	vand.u32 $0x7C, v24;
	v24 =	vadd.f32 v27, v6;
	[tilespmem:v25+s19+$0x0] =	vst.idx.msk $0xffff, v18;
	v18 =	vld [tilespmem:s17+$0xFFFFFFB0]  }
0x45: {  	v20 =	vadd.s32 v3, v20;
	v26 =	vmov s5;
	v23 =	vld [tilespmem:s15+$0x40];
	s17 =	simm.s32 $0xC;
	v25 =	vadd.f32 v30, v6;
	[tilespmem:v31+s19+$0x0] =	vst.idx.msk $0xffff, v63  }
.LBB2_3:
0x46: {  	p1 =	slt.u32 s17, $0x7C;
	s5 =	sadd.s32 $0x1, s16;
	v26 =	vand.u32 $0x7F, v26;
	[tilespmem:v22+s19+$0x0] =	vst.idx.msk $0xffff, v24;
	v17 =	vadd.f32 v17, v6;
	v22 =	vld [tilespmem:s9+$0x60];
	v24 =	vadd.s32 v3, v12  }
0x47: {  	v30 =	vmovc v11;
	v27 =	vld [tilespmem:s15+$0xFFFFFF80];
	v28 =	vmov s5;
	s5 =	sadd.s32 $0x2, s16;
	v29 =	vadd.s32 v0, v26;
	[tilespmem:v21+s19+$0x0] =	vst.idx.msk $0xffff, v25;
	v16 =	vadd.f32 v16, v4;
	s16 =	smov.u32 s17  }
0x48: {  	v12 =	vmovc v8;
	v21 =	vld [tilespmem:s15+$0xFFFFFFC0];
	v11 =	vmov s5;
	[tilespmem:v14+s19+$0x0] =	vst.idx.msk $0xffff, v17;
	v14 =	vadd.s32 v2, v7;
	v15 =	vadd.f32 v15, v4  }
0x49: {  	v17 =	vadd.s32 v0, v13;
	v28 =	vand.u32 $0x7D, v28;
	v25 =	vld [tilespmem:s15+$0x0];
	v31 =	vadd.f32 v18, v4;
	[tilespmem:v19+s19+$0x0] =	vst.idx.msk $0xffff, v16  }
0x4a: {  	v16 =	vadd.s32 v0, v28;
	v11 =	vand.u32 $0x7E, v11;
	v18 =	vadd.f32 v23, v9;
	v19 =	vld [tilespmem:s9+$0xFFFFFFE0];
	[tilespmem:v20+s19+$0x0] =	vst.idx.msk $0xffff, v15  }
0x4b: {  	v8 =	vmov v13;
	v15 =	vadd.s32 v0, v11;
	v20 =	vld [tilespmem:s9+$0x20];
	v22 =	vadd.f32 v22, v5;
	[tilespmem:v24+s19+$0x0] =	vst.idx.msk $0xffff, v31  }
0x4c: {  	v23 =	vadd.s32 v2, v10;
	v13 =	vadd.f32 v27, v9;
	[tilespmem:v29+s19+$0x0] =	vst.idx.msk $0xffff, v18;
	v18 =	vld [tilespmem:s9+$0xFFFFFFA0]  }
0x4d: {  	v27 =	vadd.s32 v2, v30;
	v21 =	vadd.f32 v21, v9;
	v24 =	vld [tilespmem:s15+$0x50];
	[tilespmem:v14+s19+$0x0] =	vst.idx.msk $0xffff, v22  }
0x4e: {  	[tilespmem:v17+s19+$0x0] =	vst.idx.msk $0xffff, v13;
	v13 =	vadd.f32 v25, v9;
	v25 =	vadd.s32 v2, v12;
	v29 =	vld [tilespmem:s9+$0x70]  }
0x4f: {  	v32 =	vadd.s32 v1, v26;
	v31 =	vld [tilespmem:s15+$0xFFFFFF90];
	[tilespmem:v16+s19+$0x0] =	vst.idx.msk $0xffff, v21;
	v14 =	vadd.f32 v19, v5  }
0x50: {  	v34 =	vadd.s32 v3, v7;
	v7 =	vmov v26;
	v33 =	vld [tilespmem:s15+$0xFFFFFFD0];
	[tilespmem:v15+s19+$0x0] =	vst.idx.msk $0xffff, v13;
	v13 =	vadd.f32 v20, v5  }
.Ltmp0:
0x51: {  	v22 =	vadd.s32 v1, v8;
	v17 =	vld [tilespmem:s15+$0x10];
	v15 =	vadd.f32 v18, v5;
	[tilespmem:v23+s19+$0x0] =	vst.idx.msk $0xffff, v14;
	(pc) =	sbr.rel @p1 .LBB2_3-.Ltmp0, $4  }
0x52: {  	v21 =	vadd.s32 v1, v28;
	v18 =	vadd.f32 v24, v6;
	v16 =	vld [tilespmem:s9+$0xFFFFFFF0];
	[tilespmem:v27+s19+$0x0] =	vst.idx.msk $0xffff, v13  }
0x53: {  	v14 =	vadd.s32 v1, v11;
	v13 =	vmov s17;
	[tilespmem:v25+s19+$0x0] =	vst.idx.msk $0xffff, v15;
	v15 =	vld [tilespmem:s9+$0x30];
	v27 =	vadd.f32 v29, v4  }
0x54: {  	s5 =	sadd.s32 $0x3, s17;
	v19 =	vadd.s32 v3, v10;
	v13 =	vand.u32 $0x7C, v13;
	v24 =	vadd.f32 v31, v6;
	[tilespmem:v32+s19+$0x0] =	vst.idx.msk $0xffff, v18;
	v18 =	vld [tilespmem:s9+$0xFFFFFFB0];
	s9 =	smov.u32 s15;
	s15 =	sadd.s32 $0x100, s15  }
0x55: {  	v26 =	vmov s5;
	v10 =	vmovc v28;
	v20 =	vadd.s32 v3, v30;
	s17 =	sadd.s32 $0x4, s17;
	v23 =	vld [tilespmem:s15+$0x40];
	v25 =	vadd.f32 v33, v6;
	[tilespmem:v34+s19+$0x0] =	vst.idx.msk $0xffff, v27  }
0x56: {  	s5 =	sadd.s32 $0x1, s16  }
0x57: {  	v26 =	vand.u32 $0x7F, v26;
	s17 =	sadd.s32 $0x2, s16;
	v28 =	vld [tilespmem:s15+$0xFFFFFFC0];
	v27 =	vmov s5  }
0x58: {  	v31 =	vld [tilespmem:s15+$0x0];
	v29 =	vadd.s32 v0, v26;
	v30 =	vmov s17;
	v27 =	vand.u32 $0x7D, v27  }
0x59: {  	v32 =	vld [tilespmem:s15+$0xFFFFFF80];
	v30 =	vand.u32 $0x7E, v30;
	v33 =	vadd.s32 v0, v27  }
0x5a: {  	v34 =	vadd.s32 v0, v30  }
0x5b: {  	[tilespmem:v22+s19+$0x0] =	vst.idx.msk $0xffff, v24;
	v44 =	vadd.s32 v0, v13;
	v23 =	vadd.f32 v23, v9  }
0x5c: {  	[tilespmem:v21+s19+$0x0] =	vst.idx.msk $0xffff, v25;
	v45 =	vadd.f32 v28, v9  }
0x5d: {  	v46 =	vadd.f32 v31, v9;
	[tilespmem:v29+s19+$0x0] =	vst.idx.msk $0xffff, v23  }
0x5e: {  	v47 =	vadd.f32 v32, v9;
	v48 =	vld [tilespmem:s15+$0x50];
	[tilespmem:v33+s19+$0x0] =	vst.idx.msk $0xffff, v45  }
0x5f: {  	v17 =	vadd.f32 v17, v6;
	v12 =	vadd.s32 v3, v12;
	[tilespmem:v34+s19+$0x0] =	vst.idx.msk $0xffff, v46;
	v21 =	vld [tilespmem:s15+$0xFFFFFFD0]  }
0x60: {  	v16 =	vadd.f32 v16, v4;
	v49 =	vadd.s32 v1, v26;
	[tilespmem:v44+s19+$0x0] =	vst.idx.msk $0xffff, v47;
	v50 =	vld [tilespmem:s15+$0x10]  }
0x61: {  	[tilespmem:v14+s19+$0x0] =	vst.idx.msk $0xffff, v17;
	v51 =	vadd.f32 v15, v4;
	v53 =	vadd.s32 v1, v27;
	v52 =	vld [tilespmem:s15+$0xFFFFFF90]  }
0x62: {  	v54 =	vld [tilespmem:s9+$0x60];
	v18 =	vadd.f32 v18, v4;
	[tilespmem:v19+s19+$0x0] =	vst.idx.msk $0xffff, v16;
	v55 =	vadd.s32 v1, v30  }
0x63: {  	v57 =	vadd.s32 v1, v13;
	v60 =	vld [tilespmem:s9+$0x20];
	[tilespmem:v20+s19+$0x0] =	vst.idx.msk $0xffff, v51;
	v58 =	vadd.f32 v48, v6  }
0x64: {  	v59 =	vadd.s32 v2, v7;
	v56 =	vld [tilespmem:s9+$0xFFFFFFE0];
	[tilespmem:v12+s19+$0x0] =	vst.idx.msk $0xffff, v18;
	v61 =	vadd.f32 v21, v6  }
0x65: {  	v62 =	vld [tilespmem:s9+$0xFFFFFFA0];
	v29 =	vadd.s32 v2, v11;
	[tilespmem:v49+s19+$0x0] =	vst.idx.msk $0xffff, v58;
	v28 =	vadd.f32 v50, v6  }
0x66: {  	v63 =	vadd.s32 v2, v10;
	v31 =	vadd.f32 v52, v6;
	v32 =	vld [tilespmem:s15+$0x60];
	[tilespmem:v53+s19+$0x0] =	vst.idx.msk $0xffff, v61  }
0x67: {  	v33 =	vadd.f32 v54, v5;
	v34 =	vadd.s32 v2, v8;
	[tilespmem:v55+s19+$0x0] =	vst.idx.msk $0xffff, v28;
	v35 =	vld [tilespmem:s15+$0xFFFFFFE0]  }
0x68: {  	v37 =	vadd.s32 v2, v26;
	v39 =	vadd.f32 v60, v5;
	[tilespmem:v57+s19+$0x0] =	vst.idx.msk $0xffff, v31;
	v38 =	vld [tilespmem:s15+$0x20]  }
0x69: {  	v41 =	vadd.s32 v2, v27;
	v36 =	vadd.f32 v56, v5;
	[tilespmem:v59+s19+$0x0] =	vst.idx.msk $0xffff, v33;
	v40 =	vld [tilespmem:s15+$0xFFFFFFA0]  }
0x6a: {  	v43 =	vadd.s32 v2, v30;
	v18 =	vadd.f32 v62, v5;
	v42 =	vld [tilespmem:s9+$0x70];
	[tilespmem:v29+s19+$0x0] =	vst.idx.msk $0xffff, v39  }
0x6b: {  	v45 =	vadd.s32 v2, v13;
	[tilespmem:v63+s19+$0x0] =	vst.idx.msk $0xffff, v36;
	v47 =	vld [tilespmem:s9+$0x30];
	v44 =	vadd.f32 v32, v5  }
0x6c: {  	v46 =	vadd.s32 v3, v7;
	[tilespmem:v34+s19+$0x0] =	vst.idx.msk $0xffff, v18;
	v21 =	vld [tilespmem:s9+$0xFFFFFFF0];
	v9 =	vadd.f32 v35, v5  }
0x6d: {  	v18 =	vld [tilespmem:s9+$0xFFFFFFB0];
	v50 =	vadd.s32 v3, v11;
	[tilespmem:v37+s19+$0x0] =	vst.idx.msk $0xffff, v44;
	v49 =	vadd.f32 v38, v5  }
0x6e: {  	v48 =	vadd.s32 v3, v10;
	v5 =	vadd.f32 v40, v5;
	v12 =	vld [tilespmem:s15+$0x70];
	[tilespmem:v41+s19+$0x0] =	vst.idx.msk $0xffff, v9  }
0x6f: {  	v52 =	vadd.s32 v3, v8;
	v51 =	vadd.f32 v42, v4;
	[tilespmem:v43+s19+$0x0] =	vst.idx.msk $0xffff, v49;
	v53 =	vld [tilespmem:s15+$0xFFFFFFF0]  }
0x70: {  	v55 =	vadd.s32 v3, v26;
	v56 =	vadd.f32 v47, v4;
	[tilespmem:v45+s19+$0x0] =	vst.idx.msk $0xffff, v5;
	v5 =	vld [tilespmem:s15+$0x30]  }
0x71: {  	v58 =	vadd.s32 v3, v27;
	[tilespmem:v46+s19+$0x0] =	vst.idx.msk $0xffff, v51;
	v54 =	vadd.f32 v21, v4;
	v57 =	vld [tilespmem:s15+$0xFFFFFFB0]  }
0x72: {  	v60 =	vadd.s32 v3, v30;
	v59 =	vadd.f32 v18, v4;
	[tilespmem:v50+s19+$0x0] =	vst.idx.msk $0xffff, v56  }
0x73: {  	v62 =	vadd.s32 v3, v13;
	[tilespmem:v48+s19+$0x0] =	vst.idx.msk $0xffff, v54;
	v61 =	vadd.f32 v12, v4  }
0x74: {  	[tilespmem:v52+s19+$0x0] =	vst.idx.msk $0xffff, v59;
	v63 =	vadd.f32 v53, v4  }
0x75: {  	p1 =	seq.s32 s0, $0x31;
	[tilespmem:v55+s19+$0x0] =	vst.idx.msk $0xffff, v61;
	v5 =	vadd.f32 v5, v4  }
0x76: {  	p2 =	sne.s32 s14, $0x0;
	s5 =	sshll.u32 @!p1 s0, $0x9;
	v4 =	vadd.f32 v57, v4;
	[tilespmem:v58+s19+$0x0] =	vst.idx.msk $0xffff, v63  }
0x77: {  	p3 =	seq.s32 s12, $0x0;
	s16 =	simm.s32 @!p1 $0x9600;
	s9 =	sand.u32 @!p1 $0x3FFFFE00, s5;
	[tilespmem:v60+s19+$0x0] =	vst.idx.msk $0xffff, v5  }
0x78: {  	p2 =	por !p3, !p2;
	s5 =	sadd.s32 @!p1 $0x200, s9;
	s15 =	simm.s32 @!p1 $0x80;
	[tilespmem:v62+s19+$0x0] =	vst.idx.msk $0xffff, v4  }
0x79: {  	[tilespmem:s16], [sflag:$0x1] =	stream.indirect.gather @!p1 [hbm4b:s4+s15], $0x40, s5, s15, $0xb8;
	[tilespmem:$0x19E00] =	vst v63  }
0x7a: {  	p2 =	por !p2, !p2;
	s5 =	simm.s32 $0x1  }
0x7b: {  	s16 =	sshrl.u32 s12, $0x3;
	s5 =	simm.s32 @!p2 $0x0  }
0x7c: {  	s5 =	ssub.s32 s16, s5  }
0x7d: {  	s5 =	sshll.u32 s5, $0xA  }
0x7e: {  	s17 =	sshll.u32 s13, $0x12;
	s5 =	sand.u32 $0x7C00, s5  }
0x7f: {  	s5 =	sor.u32 s17, s5  }
0x80: {  	s5 =	sshrl.u32 s5, $0x3  }
0x81: {  	s13 =	simm.s32 $0x11600;
	s5 =	sadd.s32 s2, s5  }
0x82: {  	[hbm4b:s5+s3] =	stream.linear.scatter [tilespmem:s13], [sflag:$0x5], $0x80, $0x38;
	[tilespmem:$0x19E00] =	vst v63  }
0x83: {  	s14 =	simm.s32 $0x11688;
	s15 =	sadd.s32 $0x10, s5  }
0x84: {  	[hbm4b:s15+s3] =	stream.linear.scatter [tilespmem:s14], [sflag:$0x5], $0x80, $0x38;
	[tilespmem:$0x19E00] =	vst v63  }
0x85: {  	s16 =	simm.s32 $0x11710;
	s17 =	sadd.s32 $0x20, s5  }
0x86: {  	[hbm4b:s17+s3] =	stream.linear.scatter [tilespmem:s16], [sflag:$0x5], $0x80, $0x38;
	[tilespmem:$0x19E00] =	vst v63  }
0x87: {  	s14 =	simm.s32 $0x11798;
	s15 =	sadd.s32 $0x30, s5  }
0x88: {  	[hbm4b:s15+s3] =	stream.linear.scatter [tilespmem:s14], [sflag:$0x5], $0x80, $0x38;
	[tilespmem:$0x19E00] =	vst v63  }
0x89: {  	s16 =	simm.s32 $0x11820;
	s17 =	sadd.s32 $0x40, s5  }
0x8a: {  	[hbm4b:s17+s3] =	stream.linear.scatter [tilespmem:s16], [sflag:$0x5], $0x80, $0x38;
	[tilespmem:$0x19E00] =	vst v63  }
0x8b: {  	s12 =	simm.s32 $0x440;
	s14 =	simm.s32 $0x118A8;
	s15 =	sadd.s32 $0x50, s5  }
0x8c: {  	[hbm4b:s15+s3] =	stream.linear.scatter [tilespmem:s14], [sflag:$0x5], $0x80, $0x38;
	[tilespmem:$0x19E00] =	vst v63  }
0x8d: {  	s13 =	sadd.s32 $0x1000, s5;
	s16 =	simm.s32 $0x11930;
	s17 =	sadd.s32 $0x60, s5  }
0x8e: {  	[hbm4b:s17+s3] =	stream.linear.scatter [tilespmem:s16], [sflag:$0x5], $0x80, $0x38;
	[tilespmem:$0x19E00] =	vst v63  }
0x8f: {  	s14 =	simm.s32 $0x2200;
	s15 =	simm.s32 $0x119B8;
	s16 =	sadd.s32 $0x70, s5  }
.LBB2_5:
0x90: {  	[hbm4b:s16+s3] =	stream.linear.scatter [tilespmem:s15], [sflag:$0x5], $0x80, $0x38;
	[tilespmem:$0x19E00] =	vst v63  }
0x91: {  	s5 =	smov.u32 s12;
	s12 =	smov.u32 s14  }
0x92: {  	s17 =	sadd.s32 $0x1100, s14;
	s12 =	sshra.s32 s12, $0x2;
	s15 =	sadd.s32 $0x11600, s5  }
0x93: {  	[hbm4b:s13+s3] =	stream.linear.scatter [tilespmem:s15], [sflag:$0x5], $0x80, $0x38;
	[tilespmem:$0x19E00] =	vst v63  }
0x94: {  	p2 =	sne.s32 s14, $0x7700;
	s14 =	sadd.s32 $0x11688, s5;
	s15 =	sadd.s32 $0x10, s13  }
0x95: {  	[hbm4b:s15+s3] =	stream.linear.scatter [tilespmem:s14], [sflag:$0x5], $0x80, $0x38;
	[tilespmem:$0x19E00] =	vst v63  }
0x96: {  	s14 =	sadd.s32 $0x11710, s5;
	s15 =	sadd.s32 $0x20, s13  }
0x97: {  	[hbm4b:s15+s3] =	stream.linear.scatter [tilespmem:s14], [sflag:$0x5], $0x80, $0x38;
	[tilespmem:$0x19E00] =	vst v63  }
0x98: {  	s14 =	sadd.s32 $0x11798, s5;
	s15 =	sadd.s32 $0x30, s13  }
0x99: {  	[hbm4b:s15+s3] =	stream.linear.scatter [tilespmem:s14], [sflag:$0x5], $0x80, $0x38;
	[tilespmem:$0x19E00] =	vst v63  }
0x9a: {  	s14 =	sadd.s32 $0x11820, s5;
	s15 =	sadd.s32 $0x40, s13  }
0x9b: {  	[hbm4b:s15+s3] =	stream.linear.scatter [tilespmem:s14], [sflag:$0x5], $0x80, $0x38;
	[tilespmem:$0x19E00] =	vst v63  }
.Ltmp1:
0x9c: {  	s14 =	sadd.s32 $0x118A8, s5;
	s15 =	sadd.s32 $0x50, s13;
	(pc) =	sbr.rel @p2 .LBB2_5-.Ltmp1, $4  }
0x9d: {  	[hbm4b:s15+s3] =	stream.linear.scatter [tilespmem:s14], [sflag:$0x5], $0x80, $0x38;
	[tilespmem:$0x19E00] =	vst v63  }
0x9e: {  	s16 =	sadd.s32 $0x70, s13;
	s14 =	sadd.s32 $0x11930, s5;
	s15 =	sadd.s32 $0x60, s13  }
0x9f: {  	[hbm4b:s15+s3] =	stream.linear.scatter [tilespmem:s14], [sflag:$0x5], $0x80, $0x38;
	[tilespmem:$0x19E00] =	vst v63  }
0xa0: {  	s13 =	sadd.s32 $0x1000, s13;
	s15 =	sadd.s32 $0x119B8, s5;
	s14 =	smov.u32 s17  }
0xa1: {  	[hbm4b:s16+s3] =	stream.linear.scatter [tilespmem:s15], [sflag:$0x5], $0x80, $0x38;
	[tilespmem:$0x19E00] =	vst v63  }
0xa2: {  	s5 =	sadd.s32 $0x11600, s12  }
0xa3: {  	[hbm4b:s13+s3] =	stream.linear.scatter [tilespmem:s5], [sflag:$0x5], $0x80, $0x38;
	[tilespmem:$0x19E00] =	vst v63  }
0xa4: {  	s15 =	sadd.s32 $0x11688, s12;
	s14 =	sadd.s32 $0x10, s13  }
0xa5: {  	[hbm4b:s14+s3] =	stream.linear.scatter [tilespmem:s15], [sflag:$0x5], $0x80, $0x38;
	[tilespmem:$0x19E00] =	vst v63  }
0xa6: {  	s16 =	sadd.s32 $0x11710, s12;
	s17 =	sadd.s32 $0x20, s13  }
0xa7: {  	[hbm4b:s17+s3] =	stream.linear.scatter [tilespmem:s16], [sflag:$0x5], $0x80, $0x38;
	[tilespmem:$0x19E00] =	vst v63  }
0xa8: {  	s14 =	sadd.s32 $0x11798, s12;
	s15 =	sadd.s32 $0x30, s13  }
0xa9: {  	[hbm4b:s15+s3] =	stream.linear.scatter [tilespmem:s14], [sflag:$0x5], $0x80, $0x38;
	[tilespmem:$0x19E00] =	vst v63  }
0xaa: {  	s16 =	sadd.s32 $0x11820, s12;
	s17 =	sadd.s32 $0x40, s13  }
0xab: {  	[hbm4b:s17+s3] =	stream.linear.scatter [tilespmem:s16], [sflag:$0x5], $0x80, $0x38;
	[tilespmem:$0x19E00] =	vst v63  }
0xac: {  	s14 =	sadd.s32 $0x118A8, s12;
	s15 =	sadd.s32 $0x50, s13  }
0xad: {  	[hbm4b:s15+s3] =	stream.linear.scatter [tilespmem:s14], [sflag:$0x5], $0x80, $0x38;
	[tilespmem:$0x19E00] =	vst v63  }
0xae: {  	s16 =	sadd.s32 $0x11930, s12;
	s17 =	sadd.s32 $0x60, s13  }
0xaf: {  	[hbm4b:s17+s3] =	stream.linear.scatter [tilespmem:s16], [sflag:$0x5], $0x80, $0x38;
	[tilespmem:$0x19E00] =	vst v63  }
0xb0: {  	s15 =	sadd.s32 $0x119B8, s12;
	s16 =	sadd.s32 $0x70, s13;
	s17 =	sor.u32 $0x1, s1  }
0xb1: {  	[hbm4b:s16+s3] =	stream.linear.scatter [tilespmem:s15], [sflag:$0x5], $0x80, $0x38;
	[tilespmem:$0x19E00] =	vst v63  }
0xb2: {  	s12 =	sadd.s32 s6, s17;
	_ =	swait.ge [sflag:s20], $0x2000  }
0xb3: {  	s5 =	sand.u32 $0x5, s17;
	s14 =	sshrl.u32 s12, $0x5;
	[sflag:s20] =	ssyncset.done $0x0  }
0xb4: {  	s13 =	sand.u32 $0x3FFFFF8, s14;
	s14 =	simm.s32 @!p0 $0x6;
	[sflag:s20] =	ssyncadd.s32 $0xFFFFE000  }
0xb5: {  	s13 =	sor.u32 s5, s13;
	_ =	swait.ge @!p0 [sflag:s14], $0x2000  }
0xb6: {  	s5 =	sshll.u32 s13, $0x8;
	[sflag:s14] =	ssyncset.done @!p0 $0x0  }
0xb7: {  	s5 =	sshra.s32 s5, $0x2;
	[sflag:s14] =	ssyncadd.s32 @!p0 $0xFFFFE000  }
0xb8: {  	s17 =	simm.s32 $0xB680;
	s15 =	simm.s32 $0x3;
	v9 =	vld [tilespmem:s5+$0x6400]  }
0xb9: {  	v4 =	vmov s15;
	v7 =	vld [tilespmem:s17+$0x40]  }
0xba: {  	v13 =	vand.u32 $0x7F, v4  }
0xbb: {  	s16 =	simm.s32 $0x0;
	v8 =	vadd.s32 v0, v13;
	v6 =	vld [tilespmem:s5+$0x6410]  }
0xbc: {  	s15 =	simm.s32 $0x1;
	v4 =	vmov s16;
	s16 =	simm.s32 $0x2;
	v10 =	vld [tilespmem:s17+$0xFFFFFF80]  }
0xbd: {  	v12 =	vand.u32 $0x7C, v4;
	v4 =	vmov s15;
	v14 =	vmov s16;
	v11 =	vld [tilespmem:s17+$0xFFFFFFC0]  }
0xbe: {  	v15 =	vadd.s32 v0, v12;
	v19 =	vand.u32 $0x7D, v4;
	v16 =	vld [tilespmem:s17+$0x0];
	v7 =	vadd.f32 v7, v9  }
0xbf: {  	v20 =	vand.u32 $0x7E, v14;
	v17 =	vadd.s32 v0, v19;
	v5 =	vld [tilespmem:s5+$0x6420]  }
0xc0: {  	v14 =	vadd.s32 v0, v20;
	v4 =	vld [tilespmem:s5+$0x6430];
	[tilespmem:v8+s21+$0x0] =	vst.idx.msk $0xffff, v7  }
0xc1: {  	v7 =	vadd.f32 v10, v9;
	v8 =	vld [tilespmem:s17+$0x50]  }
0xc2: {  	v10 =	vadd.f32 v11, v9  }
0xc3: {  	v11 =	vadd.s32 v1, v13;
	[tilespmem:v15+s21+$0x0] =	vst.idx.msk $0xffff, v7;
	v7 =	vadd.f32 v16, v9  }
0xc4: {  	[tilespmem:v17+s21+$0x0] =	vst.idx.msk $0xffff, v10;
	v15 =	vld [tilespmem:s17+$0xFFFFFF90]  }
0xc5: {  	v10 =	vld [tilespmem:s17+$0xFFFFFFD0];
	[tilespmem:v14+s21+$0x0] =	vst.idx.msk $0xffff, v7  }
0xc6: {  	v14 =	vld [tilespmem:s17+$0x10];
	v7 =	vadd.f32 v8, v6  }
0xc7: {  	s16 =	simm.s32 $0x7;
	s14 =	simm.s32 $0xB780;
	v16 =	vadd.s32 v1, v19  }
0xc8: {  	s15 =	simm.s32 $0x4;
	v26 =	vadd.s32 v2, v13;
	v18 =	vld [tilespmem:s14+$0x40];
	v17 =	vadd.s32 v1, v20;
	[tilespmem:v11+s21+$0x0] =	vst.idx.msk $0xffff, v7;
	v7 =	vmov s16  }
0xc9: {  	v21 =	vadd.s32 v1, v12;
	v8 =	vmov s15;
	v7 =	vand.u32 $0x7F, v7;
	v22 =	vld [tilespmem:s17+$0x60]  }
0xca: {  	v23 =	vld [tilespmem:s14+$0xFFFFFF80];
	s15 =	simm.s32 $0x5;
	v8 =	vand.u32 $0x7C, v8;
	v10 =	vadd.f32 v10, v6;
	v24 =	vadd.s32 v0, v7  }
0xcb: {  	v25 =	vld [tilespmem:s14+$0xFFFFFFC0];
	v15 =	vadd.f32 v15, v6;
	s16 =	simm.s32 $0x6;
	v11 =	vadd.f32 v14, v6;
	v14 =	vmov s15  }
0xcc: {  	v27 =	vadd.s32 v0, v8;
	[tilespmem:v16+s21+$0x0] =	vst.idx.msk $0xffff, v10;
	v16 =	vmov s16;
	v10 =	vand.u32 $0x7D, v14;
	v14 =	vld [tilespmem:s14+$0x0]  }
0xcd: {  	[tilespmem:v17+s21+$0x0] =	vst.idx.msk $0xffff, v11;
	v17 =	vadd.s32 v0, v10;
	v11 =	vand.u32 $0x7E, v16;
	v16 =	vadd.f32 v18, v9;
	v18 =	vld [tilespmem:s17+$0xFFFFFFE0]  }
0xce: {  	[tilespmem:v21+s21+$0x0] =	vst.idx.msk $0xffff, v15;
	v15 =	vadd.s32 v0, v11;
	v21 =	vld [tilespmem:s17+$0x20];
	v22 =	vadd.f32 v22, v5  }
0xcf: {  	v23 =	vadd.f32 v23, v9;
	[tilespmem:v24+s21+$0x0] =	vst.idx.msk $0xffff, v16;
	v16 =	vld [tilespmem:s17+$0xFFFFFFA0];
	v24 =	vadd.s32 v2, v19  }
0xd0: {  	v29 =	vadd.s32 v2, v20;
	v25 =	vadd.f32 v25, v9;
	v28 =	vld [tilespmem:s14+$0x50];
	[tilespmem:v26+s21+$0x0] =	vst.idx.msk $0xffff, v22  }
0xd1: {  	[tilespmem:v27+s21+$0x0] =	vst.idx.msk $0xffff, v23;
	v23 =	vadd.s32 v2, v12;
	v14 =	vadd.f32 v14, v9;
	v26 =	vld [tilespmem:s17+$0x70]  }
0xd2: {  	v27 =	vld [tilespmem:s14+$0xFFFFFF90];
	[tilespmem:v17+s21+$0x0] =	vst.idx.msk $0xffff, v25;
	v25 =	vadd.s32 v1, v7;
	v18 =	vadd.f32 v18, v5  }
0xd3: {  	v31 =	vadd.s32 v3, v13;
	v30 =	vld [tilespmem:s14+$0xFFFFFFD0];
	[tilespmem:v15+s21+$0x0] =	vst.idx.msk $0xffff, v14;
	v14 =	vadd.f32 v21, v5  }
0xd4: {  	v22 =	vadd.s32 v1, v8;
	v17 =	vld [tilespmem:s14+$0x10];
	v13 =	vadd.f32 v16, v5;
	[tilespmem:v24+s21+$0x0] =	vst.idx.msk $0xffff, v18  }
0xd5: {  	s16 =	simm.s32 $0x8;
	v21 =	vadd.s32 v1, v10;
	[tilespmem:v29+s21+$0x0] =	vst.idx.msk $0xffff, v14;
	v18 =	vadd.f32 v28, v6;
	v16 =	vld [tilespmem:s17+$0xFFFFFFF0]  }
0xd6: {  	v24 =	vmov s16;
	v14 =	vadd.s32 v1, v11;
	v15 =	vld [tilespmem:s17+$0x30];
	[tilespmem:v23+s21+$0x0] =	vst.idx.msk $0xffff, v13;
	v63 =	vadd.f32 v26, v4  }
0xd7: {  	s5 =	simm.s32 $0xB;
	s15 =	simm.s32 $0xB880;
	v19 =	vadd.s32 v3, v19;
	v13 =	vand.u32 $0x7C, v24;
	v24 =	vadd.f32 v27, v6;
	[tilespmem:v25+s21+$0x0] =	vst.idx.msk $0xffff, v18;
	v18 =	vld [tilespmem:s17+$0xFFFFFFB0]  }
0xd8: {  	v20 =	vadd.s32 v3, v20;
	v26 =	vmov s5;
	v23 =	vld [tilespmem:s15+$0x40];
	s17 =	simm.s32 $0xC;
	v25 =	vadd.f32 v30, v6;
	[tilespmem:v31+s21+$0x0] =	vst.idx.msk $0xffff, v63  }
.LBB2_7:
0xd9: {  	p2 =	slt.u32 s17, $0x7C;
	s5 =	sadd.s32 $0x1, s16;
	v26 =	vand.u32 $0x7F, v26;
	[tilespmem:v22+s21+$0x0] =	vst.idx.msk $0xffff, v24;
	v17 =	vadd.f32 v17, v6;
	v22 =	vld [tilespmem:s14+$0x60];
	v24 =	vadd.s32 v3, v12  }
0xda: {  	v30 =	vmovc v11;
	v27 =	vld [tilespmem:s15+$0xFFFFFF80];
	v28 =	vmov s5;
	s5 =	sadd.s32 $0x2, s16;
	v29 =	vadd.s32 v0, v26;
	[tilespmem:v21+s21+$0x0] =	vst.idx.msk $0xffff, v25;
	v16 =	vadd.f32 v16, v4;
	s16 =	smov.u32 s17  }
0xdb: {  	v12 =	vmovc v8;
	v21 =	vld [tilespmem:s15+$0xFFFFFFC0];
	v11 =	vmov s5;
	[tilespmem:v14+s21+$0x0] =	vst.idx.msk $0xffff, v17;
	v14 =	vadd.s32 v2, v7;
	v15 =	vadd.f32 v15, v4  }
0xdc: {  	v17 =	vadd.s32 v0, v13;
	v28 =	vand.u32 $0x7D, v28;
	v25 =	vld [tilespmem:s15+$0x0];
	v31 =	vadd.f32 v18, v4;
	[tilespmem:v19+s21+$0x0] =	vst.idx.msk $0xffff, v16  }
0xdd: {  	v16 =	vadd.s32 v0, v28;
	v11 =	vand.u32 $0x7E, v11;
	v18 =	vadd.f32 v23, v9;
	v19 =	vld [tilespmem:s14+$0xFFFFFFE0];
	[tilespmem:v20+s21+$0x0] =	vst.idx.msk $0xffff, v15  }
0xde: {  	v8 =	vmov v13;
	v15 =	vadd.s32 v0, v11;
	v20 =	vld [tilespmem:s14+$0x20];
	v22 =	vadd.f32 v22, v5;
	[tilespmem:v24+s21+$0x0] =	vst.idx.msk $0xffff, v31  }
0xdf: {  	v23 =	vadd.s32 v2, v10;
	v13 =	vadd.f32 v27, v9;
	[tilespmem:v29+s21+$0x0] =	vst.idx.msk $0xffff, v18;
	v18 =	vld [tilespmem:s14+$0xFFFFFFA0]  }
0xe0: {  	v27 =	vadd.s32 v2, v30;
	v21 =	vadd.f32 v21, v9;
	v24 =	vld [tilespmem:s15+$0x50];
	[tilespmem:v14+s21+$0x0] =	vst.idx.msk $0xffff, v22  }
0xe1: {  	[tilespmem:v17+s21+$0x0] =	vst.idx.msk $0xffff, v13;
	v13 =	vadd.f32 v25, v9;
	v25 =	vadd.s32 v2, v12;
	v29 =	vld [tilespmem:s14+$0x70]  }
0xe2: {  	v32 =	vadd.s32 v1, v26;
	v31 =	vld [tilespmem:s15+$0xFFFFFF90];
	[tilespmem:v16+s21+$0x0] =	vst.idx.msk $0xffff, v21;
	v14 =	vadd.f32 v19, v5  }
0xe3: {  	v34 =	vadd.s32 v3, v7;
	v7 =	vmov v26;
	v33 =	vld [tilespmem:s15+$0xFFFFFFD0];
	[tilespmem:v15+s21+$0x0] =	vst.idx.msk $0xffff, v13;
	v13 =	vadd.f32 v20, v5  }
.Ltmp2:
0xe4: {  	v22 =	vadd.s32 v1, v8;
	v17 =	vld [tilespmem:s15+$0x10];
	v15 =	vadd.f32 v18, v5;
	[tilespmem:v23+s21+$0x0] =	vst.idx.msk $0xffff, v14;
	(pc) =	sbr.rel @p2 .LBB2_7-.Ltmp2, $4  }
0xe5: {  	v21 =	vadd.s32 v1, v28;
	v18 =	vadd.f32 v24, v6;
	v16 =	vld [tilespmem:s14+$0xFFFFFFF0];
	[tilespmem:v27+s21+$0x0] =	vst.idx.msk $0xffff, v13  }
0xe6: {  	v14 =	vadd.s32 v1, v11;
	v13 =	vmov s17;
	[tilespmem:v25+s21+$0x0] =	vst.idx.msk $0xffff, v15;
	v15 =	vld [tilespmem:s14+$0x30];
	v27 =	vadd.f32 v29, v4  }
0xe7: {  	s5 =	sadd.s32 $0x3, s17;
	v19 =	vadd.s32 v3, v10;
	v13 =	vand.u32 $0x7C, v13;
	v24 =	vadd.f32 v31, v6;
	[tilespmem:v32+s21+$0x0] =	vst.idx.msk $0xffff, v18;
	v18 =	vld [tilespmem:s14+$0xFFFFFFB0];
	s14 =	smov.u32 s15;
	s15 =	sadd.s32 $0x100, s15  }
0xe8: {  	v26 =	vmov s5;
	v10 =	vmovc v28;
	v20 =	vadd.s32 v3, v30;
	s17 =	sadd.s32 $0x4, s17;
	v23 =	vld [tilespmem:s15+$0x40];
	v25 =	vadd.f32 v33, v6;
	[tilespmem:v34+s21+$0x0] =	vst.idx.msk $0xffff, v27  }
0xe9: {  	s5 =	sadd.s32 $0x1, s16  }
0xea: {  	v26 =	vand.u32 $0x7F, v26;
	s17 =	sadd.s32 $0x2, s16;
	v28 =	vld [tilespmem:s15+$0xFFFFFFC0];
	v27 =	vmov s5  }
0xeb: {  	v31 =	vld [tilespmem:s15+$0x0];
	v29 =	vadd.s32 v0, v26;
	v30 =	vmov s17;
	v27 =	vand.u32 $0x7D, v27  }
0xec: {  	v32 =	vld [tilespmem:s15+$0xFFFFFF80];
	v30 =	vand.u32 $0x7E, v30;
	v33 =	vadd.s32 v0, v27  }
0xed: {  	v34 =	vadd.s32 v0, v30  }
0xee: {  	[tilespmem:v22+s21+$0x0] =	vst.idx.msk $0xffff, v24;
	v44 =	vadd.s32 v0, v13;
	v23 =	vadd.f32 v23, v9  }
0xef: {  	[tilespmem:v21+s21+$0x0] =	vst.idx.msk $0xffff, v25;
	v45 =	vadd.f32 v28, v9  }
0xf0: {  	v46 =	vadd.f32 v31, v9;
	[tilespmem:v29+s21+$0x0] =	vst.idx.msk $0xffff, v23  }
0xf1: {  	v47 =	vadd.f32 v32, v9;
	v48 =	vld [tilespmem:s15+$0x50];
	[tilespmem:v33+s21+$0x0] =	vst.idx.msk $0xffff, v45  }
0xf2: {  	v17 =	vadd.f32 v17, v6;
	v12 =	vadd.s32 v3, v12;
	[tilespmem:v34+s21+$0x0] =	vst.idx.msk $0xffff, v46;
	v21 =	vld [tilespmem:s15+$0xFFFFFFD0]  }
0xf3: {  	v16 =	vadd.f32 v16, v4;
	v49 =	vadd.s32 v1, v26;
	[tilespmem:v44+s21+$0x0] =	vst.idx.msk $0xffff, v47;
	v50 =	vld [tilespmem:s15+$0x10]  }
0xf4: {  	[tilespmem:v14+s21+$0x0] =	vst.idx.msk $0xffff, v17;
	v51 =	vadd.f32 v15, v4;
	v53 =	vadd.s32 v1, v27;
	v52 =	vld [tilespmem:s15+$0xFFFFFF90]  }
0xf5: {  	v54 =	vld [tilespmem:s14+$0x60];
	v18 =	vadd.f32 v18, v4;
	[tilespmem:v19+s21+$0x0] =	vst.idx.msk $0xffff, v16;
	v55 =	vadd.s32 v1, v30  }
0xf6: {  	v57 =	vadd.s32 v1, v13;
	v60 =	vld [tilespmem:s14+$0x20];
	[tilespmem:v20+s21+$0x0] =	vst.idx.msk $0xffff, v51;
	v58 =	vadd.f32 v48, v6  }
0xf7: {  	v59 =	vadd.s32 v2, v7;
	v56 =	vld [tilespmem:s14+$0xFFFFFFE0];
	[tilespmem:v12+s21+$0x0] =	vst.idx.msk $0xffff, v18;
	v61 =	vadd.f32 v21, v6  }
0xf8: {  	v62 =	vld [tilespmem:s14+$0xFFFFFFA0];
	v29 =	vadd.s32 v2, v11;
	[tilespmem:v49+s21+$0x0] =	vst.idx.msk $0xffff, v58;
	v28 =	vadd.f32 v50, v6  }
0xf9: {  	v63 =	vadd.s32 v2, v10;
	v31 =	vadd.f32 v52, v6;
	v32 =	vld [tilespmem:s15+$0x60];
	[tilespmem:v53+s21+$0x0] =	vst.idx.msk $0xffff, v61  }
0xfa: {  	v33 =	vadd.f32 v54, v5;
	v34 =	vadd.s32 v2, v8;
	[tilespmem:v55+s21+$0x0] =	vst.idx.msk $0xffff, v28;
	v35 =	vld [tilespmem:s15+$0xFFFFFFE0]  }
0xfb: {  	v37 =	vadd.s32 v2, v26;
	v39 =	vadd.f32 v60, v5;
	[tilespmem:v57+s21+$0x0] =	vst.idx.msk $0xffff, v31;
	v38 =	vld [tilespmem:s15+$0x20]  }
0xfc: {  	v41 =	vadd.s32 v2, v27;
	v36 =	vadd.f32 v56, v5;
	[tilespmem:v59+s21+$0x0] =	vst.idx.msk $0xffff, v33;
	v40 =	vld [tilespmem:s15+$0xFFFFFFA0]  }
0xfd: {  	v43 =	vadd.s32 v2, v30;
	v18 =	vadd.f32 v62, v5;
	v42 =	vld [tilespmem:s14+$0x70];
	[tilespmem:v29+s21+$0x0] =	vst.idx.msk $0xffff, v39  }
0xfe: {  	v45 =	vadd.s32 v2, v13;
	[tilespmem:v63+s21+$0x0] =	vst.idx.msk $0xffff, v36;
	v47 =	vld [tilespmem:s14+$0x30];
	v44 =	vadd.f32 v32, v5  }
0xff: {  	v46 =	vadd.s32 v3, v7;
	[tilespmem:v34+s21+$0x0] =	vst.idx.msk $0xffff, v18;
	v21 =	vld [tilespmem:s14+$0xFFFFFFF0];
	v9 =	vadd.f32 v35, v5  }
0x100: {  	v18 =	vld [tilespmem:s14+$0xFFFFFFB0];
	v50 =	vadd.s32 v3, v11;
	[tilespmem:v37+s21+$0x0] =	vst.idx.msk $0xffff, v44;
	v49 =	vadd.f32 v38, v5  }
0x101: {  	v48 =	vadd.s32 v3, v10;
	v5 =	vadd.f32 v40, v5;
	v12 =	vld [tilespmem:s15+$0x70];
	[tilespmem:v41+s21+$0x0] =	vst.idx.msk $0xffff, v9  }
0x102: {  	v52 =	vadd.s32 v3, v8;
	v51 =	vadd.f32 v42, v4;
	[tilespmem:v43+s21+$0x0] =	vst.idx.msk $0xffff, v49;
	v53 =	vld [tilespmem:s15+$0xFFFFFFF0]  }
0x103: {  	v55 =	vadd.s32 v3, v26;
	v56 =	vadd.f32 v47, v4;
	[tilespmem:v45+s21+$0x0] =	vst.idx.msk $0xffff, v5;
	v5 =	vld [tilespmem:s15+$0x30]  }
0x104: {  	v58 =	vadd.s32 v3, v27;
	[tilespmem:v46+s21+$0x0] =	vst.idx.msk $0xffff, v51;
	v54 =	vadd.f32 v21, v4;
	v57 =	vld [tilespmem:s15+$0xFFFFFFB0]  }
0x105: {  	v60 =	vadd.s32 v3, v30;
	v59 =	vadd.f32 v18, v4;
	[tilespmem:v50+s21+$0x0] =	vst.idx.msk $0xffff, v56  }
0x106: {  	v62 =	vadd.s32 v3, v13;
	[tilespmem:v48+s21+$0x0] =	vst.idx.msk $0xffff, v54;
	v61 =	vadd.f32 v12, v4  }
0x107: {  	[tilespmem:v52+s21+$0x0] =	vst.idx.msk $0xffff, v59;
	v63 =	vadd.f32 v53, v4  }
0x108: {  	[tilespmem:v55+s21+$0x0] =	vst.idx.msk $0xffff, v61;
	v5 =	vadd.f32 v5, v4  }
0x109: {  	v4 =	vadd.f32 v57, v4;
	[tilespmem:v58+s21+$0x0] =	vst.idx.msk $0xffff, v63  }
0x10a: {  	s16 =	sshll.u32 s12, $0x7;
	[tilespmem:v60+s21+$0x0] =	vst.idx.msk $0xffff, v5  }
0x10b: {  	s5 =	sadd.s32 @!p1 $0x280, s9;
	s14 =	simm.s32 @!p1 $0x80;
	s15 =	simm.s32 @!p1 $0xB600;
	[tilespmem:v62+s21+$0x0] =	vst.idx.msk $0xffff, v4  }
0x10c: {  	[tilespmem:s15], [sflag:$0x2] =	stream.indirect.gather @!p1 [hbm4b:s4+s14], $0x40, s5, s14, $0xb8;
	[tilespmem:$0x19E00] =	vst v63  }
0x10d: {  	s17 =	sshll.u32 s13, $0x12;
	s5 =	sand.u32 $0x7C00, s16  }
0x10e: {  	s5 =	sor.u32 s5, s17  }
0x10f: {  	s5 =	sshrl.u32 s5, $0x3  }
0x110: {  	s13 =	simm.s32 $0x13800;
	s5 =	sadd.s32 s2, s5  }
0x111: {  	[hbm4b:s5+s3] =	stream.linear.scatter [tilespmem:s13], [sflag:$0x6], $0x80, $0x38;
	[tilespmem:$0x19E00] =	vst v63  }
0x112: {  	s14 =	simm.s32 $0x13888;
	s15 =	sadd.s32 $0x10, s5  }
0x113: {  	[hbm4b:s15+s3] =	stream.linear.scatter [tilespmem:s14], [sflag:$0x6], $0x80, $0x38;
	[tilespmem:$0x19E00] =	vst v63  }
0x114: {  	s16 =	simm.s32 $0x13910;
	s17 =	sadd.s32 $0x20, s5  }
0x115: {  	[hbm4b:s17+s3] =	stream.linear.scatter [tilespmem:s16], [sflag:$0x6], $0x80, $0x38;
	[tilespmem:$0x19E00] =	vst v63  }
0x116: {  	s14 =	simm.s32 $0x13998;
	s15 =	sadd.s32 $0x30, s5  }
0x117: {  	[hbm4b:s15+s3] =	stream.linear.scatter [tilespmem:s14], [sflag:$0x6], $0x80, $0x38;
	[tilespmem:$0x19E00] =	vst v63  }
0x118: {  	s16 =	simm.s32 $0x13A20;
	s17 =	sadd.s32 $0x40, s5  }
0x119: {  	[hbm4b:s17+s3] =	stream.linear.scatter [tilespmem:s16], [sflag:$0x6], $0x80, $0x38;
	[tilespmem:$0x19E00] =	vst v63  }
0x11a: {  	s12 =	simm.s32 $0x440;
	s14 =	simm.s32 $0x13AA8;
	s15 =	sadd.s32 $0x50, s5  }
0x11b: {  	[hbm4b:s15+s3] =	stream.linear.scatter [tilespmem:s14], [sflag:$0x6], $0x80, $0x38;
	[tilespmem:$0x19E00] =	vst v63  }
0x11c: {  	s13 =	sadd.s32 $0x1000, s5;
	s16 =	simm.s32 $0x13B30;
	s17 =	sadd.s32 $0x60, s5  }
0x11d: {  	[hbm4b:s17+s3] =	stream.linear.scatter [tilespmem:s16], [sflag:$0x6], $0x80, $0x38;
	[tilespmem:$0x19E00] =	vst v63  }
0x11e: {  	s14 =	simm.s32 $0x2200;
	s15 =	simm.s32 $0x13BB8;
	s16 =	sadd.s32 $0x70, s5  }
.LBB2_9:
0x11f: {  	[hbm4b:s16+s3] =	stream.linear.scatter [tilespmem:s15], [sflag:$0x6], $0x80, $0x38;
	[tilespmem:$0x19E00] =	vst v63  }
0x120: {  	s5 =	smov.u32 s12;
	s12 =	smov.u32 s14  }
0x121: {  	s17 =	sadd.s32 $0x1100, s14;
	s12 =	sshra.s32 s12, $0x2;
	s15 =	sadd.s32 $0x13800, s5  }
0x122: {  	[hbm4b:s13+s3] =	stream.linear.scatter [tilespmem:s15], [sflag:$0x6], $0x80, $0x38;
	[tilespmem:$0x19E00] =	vst v63  }
0x123: {  	p2 =	sne.s32 s14, $0x7700;
	s14 =	sadd.s32 $0x13888, s5;
	s15 =	sadd.s32 $0x10, s13  }
0x124: {  	[hbm4b:s15+s3] =	stream.linear.scatter [tilespmem:s14], [sflag:$0x6], $0x80, $0x38;
	[tilespmem:$0x19E00] =	vst v63  }
0x125: {  	s14 =	sadd.s32 $0x13910, s5;
	s15 =	sadd.s32 $0x20, s13  }
0x126: {  	[hbm4b:s15+s3] =	stream.linear.scatter [tilespmem:s14], [sflag:$0x6], $0x80, $0x38;
	[tilespmem:$0x19E00] =	vst v63  }
0x127: {  	s14 =	sadd.s32 $0x13998, s5;
	s15 =	sadd.s32 $0x30, s13  }
0x128: {  	[hbm4b:s15+s3] =	stream.linear.scatter [tilespmem:s14], [sflag:$0x6], $0x80, $0x38;
	[tilespmem:$0x19E00] =	vst v63  }
0x129: {  	s14 =	sadd.s32 $0x13A20, s5;
	s15 =	sadd.s32 $0x40, s13  }
0x12a: {  	[hbm4b:s15+s3] =	stream.linear.scatter [tilespmem:s14], [sflag:$0x6], $0x80, $0x38;
	[tilespmem:$0x19E00] =	vst v63  }
.Ltmp3:
0x12b: {  	s14 =	sadd.s32 $0x13AA8, s5;
	s15 =	sadd.s32 $0x50, s13;
	(pc) =	sbr.rel @p2 .LBB2_9-.Ltmp3, $4  }
0x12c: {  	[hbm4b:s15+s3] =	stream.linear.scatter [tilespmem:s14], [sflag:$0x6], $0x80, $0x38;
	[tilespmem:$0x19E00] =	vst v63  }
0x12d: {  	s16 =	sadd.s32 $0x70, s13;
	s14 =	sadd.s32 $0x13B30, s5;
	s15 =	sadd.s32 $0x60, s13  }
0x12e: {  	[hbm4b:s15+s3] =	stream.linear.scatter [tilespmem:s14], [sflag:$0x6], $0x80, $0x38;
	[tilespmem:$0x19E00] =	vst v63  }
0x12f: {  	s13 =	sadd.s32 $0x1000, s13;
	s15 =	sadd.s32 $0x13BB8, s5;
	s14 =	smov.u32 s17  }
0x130: {  	[hbm4b:s16+s3] =	stream.linear.scatter [tilespmem:s15], [sflag:$0x6], $0x80, $0x38;
	[tilespmem:$0x19E00] =	vst v63  }
0x131: {  	s5 =	sadd.s32 $0x13800, s12  }
0x132: {  	[hbm4b:s13+s3] =	stream.linear.scatter [tilespmem:s5], [sflag:$0x6], $0x80, $0x38;
	[tilespmem:$0x19E00] =	vst v63  }
0x133: {  	s15 =	sadd.s32 $0x13888, s12;
	s14 =	sadd.s32 $0x10, s13  }
0x134: {  	[hbm4b:s14+s3] =	stream.linear.scatter [tilespmem:s15], [sflag:$0x6], $0x80, $0x38;
	[tilespmem:$0x19E00] =	vst v63  }
0x135: {  	s16 =	sadd.s32 $0x13910, s12;
	s17 =	sadd.s32 $0x20, s13  }
0x136: {  	[hbm4b:s17+s3] =	stream.linear.scatter [tilespmem:s16], [sflag:$0x6], $0x80, $0x38;
	[tilespmem:$0x19E00] =	vst v63  }
0x137: {  	s14 =	sadd.s32 $0x13998, s12;
	s15 =	sadd.s32 $0x30, s13  }
0x138: {  	[hbm4b:s15+s3] =	stream.linear.scatter [tilespmem:s14], [sflag:$0x6], $0x80, $0x38;
	[tilespmem:$0x19E00] =	vst v63  }
0x139: {  	s16 =	sadd.s32 $0x13A20, s12;
	s17 =	sadd.s32 $0x40, s13  }
0x13a: {  	[hbm4b:s17+s3] =	stream.linear.scatter [tilespmem:s16], [sflag:$0x6], $0x80, $0x38;
	[tilespmem:$0x19E00] =	vst v63  }
0x13b: {  	s14 =	sadd.s32 $0x13AA8, s12;
	s15 =	sadd.s32 $0x50, s13  }
0x13c: {  	[hbm4b:s15+s3] =	stream.linear.scatter [tilespmem:s14], [sflag:$0x6], $0x80, $0x38;
	[tilespmem:$0x19E00] =	vst v63  }
0x13d: {  	s16 =	sadd.s32 $0x13B30, s12;
	s17 =	sadd.s32 $0x60, s13  }
0x13e: {  	[hbm4b:s17+s3] =	stream.linear.scatter [tilespmem:s16], [sflag:$0x6], $0x80, $0x38;
	[tilespmem:$0x19E00] =	vst v63  }
0x13f: {  	s15 =	sadd.s32 $0x13BB8, s12;
	s16 =	sadd.s32 $0x70, s13;
	s17 =	sor.u32 $0x2, s1  }
0x140: {  	[hbm4b:s16+s3] =	stream.linear.scatter [tilespmem:s15], [sflag:$0x6], $0x80, $0x38;
	[tilespmem:$0x19E00] =	vst v63  }
0x141: {  	s12 =	sadd.s32 s6, s17;
	_ =	swait.ge [sflag:s22], $0x2000  }
0x142: {  	s5 =	sand.u32 $0x6, s17;
	s14 =	sshrl.u32 s12, $0x5;
	[sflag:s22] =	ssyncset.done $0x0  }
0x143: {  	s13 =	sand.u32 $0x3FFFFF8, s14;
	s14 =	simm.s32 @!p0 $0x7;
	[sflag:s22] =	ssyncadd.s32 $0xFFFFE000  }
0x144: {  	s13 =	sor.u32 s5, s13;
	_ =	swait.ge @!p0 [sflag:s14], $0x2000  }
0x145: {  	s5 =	sshll.u32 s13, $0x8;
	[sflag:s14] =	ssyncset.done @!p0 $0x0  }
0x146: {  	s5 =	sshra.s32 s5, $0x2;
	[sflag:s14] =	ssyncadd.s32 @!p0 $0xFFFFE000  }
0x147: {  	s17 =	simm.s32 $0xD680;
	s15 =	simm.s32 $0x3;
	v9 =	vld [tilespmem:s5+$0x6400]  }
0x148: {  	v4 =	vmov s15;
	v7 =	vld [tilespmem:s17+$0x40]  }
0x149: {  	v13 =	vand.u32 $0x7F, v4  }
0x14a: {  	s16 =	simm.s32 $0x0;
	v8 =	vadd.s32 v0, v13;
	v6 =	vld [tilespmem:s5+$0x6410]  }
0x14b: {  	s15 =	simm.s32 $0x1;
	v4 =	vmov s16;
	s16 =	simm.s32 $0x2;
	v10 =	vld [tilespmem:s17+$0xFFFFFF80]  }
0x14c: {  	v12 =	vand.u32 $0x7C, v4;
	v4 =	vmov s15;
	v14 =	vmov s16;
	v11 =	vld [tilespmem:s17+$0xFFFFFFC0]  }
0x14d: {  	v15 =	vadd.s32 v0, v12;
	v19 =	vand.u32 $0x7D, v4;
	v16 =	vld [tilespmem:s17+$0x0];
	v7 =	vadd.f32 v7, v9  }
0x14e: {  	v20 =	vand.u32 $0x7E, v14;
	v17 =	vadd.s32 v0, v19;
	v5 =	vld [tilespmem:s5+$0x6420]  }
0x14f: {  	v14 =	vadd.s32 v0, v20;
	v4 =	vld [tilespmem:s5+$0x6430];
	[tilespmem:v8+s23+$0x0] =	vst.idx.msk $0xffff, v7  }
0x150: {  	v7 =	vadd.f32 v10, v9;
	v8 =	vld [tilespmem:s17+$0x50]  }
0x151: {  	v10 =	vadd.f32 v11, v9  }
0x152: {  	v11 =	vadd.s32 v1, v13;
	[tilespmem:v15+s23+$0x0] =	vst.idx.msk $0xffff, v7;
	v7 =	vadd.f32 v16, v9  }
0x153: {  	[tilespmem:v17+s23+$0x0] =	vst.idx.msk $0xffff, v10;
	v15 =	vld [tilespmem:s17+$0xFFFFFF90]  }
0x154: {  	v10 =	vld [tilespmem:s17+$0xFFFFFFD0];
	[tilespmem:v14+s23+$0x0] =	vst.idx.msk $0xffff, v7  }
0x155: {  	v14 =	vld [tilespmem:s17+$0x10];
	v7 =	vadd.f32 v8, v6  }
0x156: {  	s16 =	simm.s32 $0x7;
	s14 =	simm.s32 $0xD780;
	v16 =	vadd.s32 v1, v19  }
0x157: {  	s15 =	simm.s32 $0x4;
	v26 =	vadd.s32 v2, v13;
	v18 =	vld [tilespmem:s14+$0x40];
	v17 =	vadd.s32 v1, v20;
	[tilespmem:v11+s23+$0x0] =	vst.idx.msk $0xffff, v7;
	v7 =	vmov s16  }
0x158: {  	v21 =	vadd.s32 v1, v12;
	v8 =	vmov s15;
	v7 =	vand.u32 $0x7F, v7;
	v22 =	vld [tilespmem:s17+$0x60]  }
0x159: {  	v23 =	vld [tilespmem:s14+$0xFFFFFF80];
	s15 =	simm.s32 $0x5;
	v8 =	vand.u32 $0x7C, v8;
	v10 =	vadd.f32 v10, v6;
	v24 =	vadd.s32 v0, v7  }
0x15a: {  	v25 =	vld [tilespmem:s14+$0xFFFFFFC0];
	v15 =	vadd.f32 v15, v6;
	s16 =	simm.s32 $0x6;
	v11 =	vadd.f32 v14, v6;
	v14 =	vmov s15  }
0x15b: {  	v27 =	vadd.s32 v0, v8;
	[tilespmem:v16+s23+$0x0] =	vst.idx.msk $0xffff, v10;
	v16 =	vmov s16;
	v10 =	vand.u32 $0x7D, v14;
	v14 =	vld [tilespmem:s14+$0x0]  }
0x15c: {  	[tilespmem:v17+s23+$0x0] =	vst.idx.msk $0xffff, v11;
	v17 =	vadd.s32 v0, v10;
	v11 =	vand.u32 $0x7E, v16;
	v16 =	vadd.f32 v18, v9;
	v18 =	vld [tilespmem:s17+$0xFFFFFFE0]  }
0x15d: {  	[tilespmem:v21+s23+$0x0] =	vst.idx.msk $0xffff, v15;
	v15 =	vadd.s32 v0, v11;
	v21 =	vld [tilespmem:s17+$0x20];
	v22 =	vadd.f32 v22, v5  }
0x15e: {  	v23 =	vadd.f32 v23, v9;
	[tilespmem:v24+s23+$0x0] =	vst.idx.msk $0xffff, v16;
	v16 =	vld [tilespmem:s17+$0xFFFFFFA0];
	v24 =	vadd.s32 v2, v19  }
0x15f: {  	v29 =	vadd.s32 v2, v20;
	v25 =	vadd.f32 v25, v9;
	v28 =	vld [tilespmem:s14+$0x50];
	[tilespmem:v26+s23+$0x0] =	vst.idx.msk $0xffff, v22  }
0x160: {  	[tilespmem:v27+s23+$0x0] =	vst.idx.msk $0xffff, v23;
	v23 =	vadd.s32 v2, v12;
	v14 =	vadd.f32 v14, v9;
	v26 =	vld [tilespmem:s17+$0x70]  }
0x161: {  	v27 =	vld [tilespmem:s14+$0xFFFFFF90];
	[tilespmem:v17+s23+$0x0] =	vst.idx.msk $0xffff, v25;
	v25 =	vadd.s32 v1, v7;
	v18 =	vadd.f32 v18, v5  }
0x162: {  	v31 =	vadd.s32 v3, v13;
	v30 =	vld [tilespmem:s14+$0xFFFFFFD0];
	[tilespmem:v15+s23+$0x0] =	vst.idx.msk $0xffff, v14;
	v14 =	vadd.f32 v21, v5  }
0x163: {  	v22 =	vadd.s32 v1, v8;
	v17 =	vld [tilespmem:s14+$0x10];
	v13 =	vadd.f32 v16, v5;
	[tilespmem:v24+s23+$0x0] =	vst.idx.msk $0xffff, v18  }
0x164: {  	s16 =	simm.s32 $0x8;
	v21 =	vadd.s32 v1, v10;
	[tilespmem:v29+s23+$0x0] =	vst.idx.msk $0xffff, v14;
	v18 =	vadd.f32 v28, v6;
	v16 =	vld [tilespmem:s17+$0xFFFFFFF0]  }
0x165: {  	v24 =	vmov s16;
	v14 =	vadd.s32 v1, v11;
	v15 =	vld [tilespmem:s17+$0x30];
	[tilespmem:v23+s23+$0x0] =	vst.idx.msk $0xffff, v13;
	v63 =	vadd.f32 v26, v4  }
0x166: {  	s5 =	simm.s32 $0xB;
	s15 =	simm.s32 $0xD880;
	v19 =	vadd.s32 v3, v19;
	v13 =	vand.u32 $0x7C, v24;
	v24 =	vadd.f32 v27, v6;
	[tilespmem:v25+s23+$0x0] =	vst.idx.msk $0xffff, v18;
	v18 =	vld [tilespmem:s17+$0xFFFFFFB0]  }
0x167: {  	v20 =	vadd.s32 v3, v20;
	v26 =	vmov s5;
	v23 =	vld [tilespmem:s15+$0x40];
	s17 =	simm.s32 $0xC;
	v25 =	vadd.f32 v30, v6;
	[tilespmem:v31+s23+$0x0] =	vst.idx.msk $0xffff, v63  }
.LBB2_11:
0x168: {  	p2 =	slt.u32 s17, $0x7C;
	s5 =	sadd.s32 $0x1, s16;
	v26 =	vand.u32 $0x7F, v26;
	[tilespmem:v22+s23+$0x0] =	vst.idx.msk $0xffff, v24;
	v17 =	vadd.f32 v17, v6;
	v22 =	vld [tilespmem:s14+$0x60];
	v24 =	vadd.s32 v3, v12  }
0x169: {  	v30 =	vmovc v11;
	v27 =	vld [tilespmem:s15+$0xFFFFFF80];
	v28 =	vmov s5;
	s5 =	sadd.s32 $0x2, s16;
	v29 =	vadd.s32 v0, v26;
	[tilespmem:v21+s23+$0x0] =	vst.idx.msk $0xffff, v25;
	v16 =	vadd.f32 v16, v4;
	s16 =	smov.u32 s17  }
0x16a: {  	v12 =	vmovc v8;
	v21 =	vld [tilespmem:s15+$0xFFFFFFC0];
	v11 =	vmov s5;
	[tilespmem:v14+s23+$0x0] =	vst.idx.msk $0xffff, v17;
	v14 =	vadd.s32 v2, v7;
	v15 =	vadd.f32 v15, v4  }
0x16b: {  	v17 =	vadd.s32 v0, v13;
	v28 =	vand.u32 $0x7D, v28;
	v25 =	vld [tilespmem:s15+$0x0];
	v31 =	vadd.f32 v18, v4;
	[tilespmem:v19+s23+$0x0] =	vst.idx.msk $0xffff, v16  }
0x16c: {  	v16 =	vadd.s32 v0, v28;
	v11 =	vand.u32 $0x7E, v11;
	v18 =	vadd.f32 v23, v9;
	v19 =	vld [tilespmem:s14+$0xFFFFFFE0];
	[tilespmem:v20+s23+$0x0] =	vst.idx.msk $0xffff, v15  }
0x16d: {  	v8 =	vmov v13;
	v15 =	vadd.s32 v0, v11;
	v20 =	vld [tilespmem:s14+$0x20];
	v22 =	vadd.f32 v22, v5;
	[tilespmem:v24+s23+$0x0] =	vst.idx.msk $0xffff, v31  }
0x16e: {  	v23 =	vadd.s32 v2, v10;
	v13 =	vadd.f32 v27, v9;
	[tilespmem:v29+s23+$0x0] =	vst.idx.msk $0xffff, v18;
	v18 =	vld [tilespmem:s14+$0xFFFFFFA0]  }
0x16f: {  	v27 =	vadd.s32 v2, v30;
	v21 =	vadd.f32 v21, v9;
	v24 =	vld [tilespmem:s15+$0x50];
	[tilespmem:v14+s23+$0x0] =	vst.idx.msk $0xffff, v22  }
0x170: {  	[tilespmem:v17+s23+$0x0] =	vst.idx.msk $0xffff, v13;
	v13 =	vadd.f32 v25, v9;
	v25 =	vadd.s32 v2, v12;
	v29 =	vld [tilespmem:s14+$0x70]  }
0x171: {  	v32 =	vadd.s32 v1, v26;
	v31 =	vld [tilespmem:s15+$0xFFFFFF90];
	[tilespmem:v16+s23+$0x0] =	vst.idx.msk $0xffff, v21;
	v14 =	vadd.f32 v19, v5  }
0x172: {  	v34 =	vadd.s32 v3, v7;
	v7 =	vmov v26;
	v33 =	vld [tilespmem:s15+$0xFFFFFFD0];
	[tilespmem:v15+s23+$0x0] =	vst.idx.msk $0xffff, v13;
	v13 =	vadd.f32 v20, v5  }
.Ltmp4:
0x173: {  	v22 =	vadd.s32 v1, v8;
	v17 =	vld [tilespmem:s15+$0x10];
	v15 =	vadd.f32 v18, v5;
	[tilespmem:v23+s23+$0x0] =	vst.idx.msk $0xffff, v14;
	(pc) =	sbr.rel @p2 .LBB2_11-.Ltmp4, $4  }
0x174: {  	v21 =	vadd.s32 v1, v28;
	v18 =	vadd.f32 v24, v6;
	v16 =	vld [tilespmem:s14+$0xFFFFFFF0];
	[tilespmem:v27+s23+$0x0] =	vst.idx.msk $0xffff, v13  }
0x175: {  	v14 =	vadd.s32 v1, v11;
	v13 =	vmov s17;
	[tilespmem:v25+s23+$0x0] =	vst.idx.msk $0xffff, v15;
	v15 =	vld [tilespmem:s14+$0x30];
	v27 =	vadd.f32 v29, v4  }
0x176: {  	s5 =	sadd.s32 $0x3, s17;
	v19 =	vadd.s32 v3, v10;
	v13 =	vand.u32 $0x7C, v13;
	v24 =	vadd.f32 v31, v6;
	[tilespmem:v32+s23+$0x0] =	vst.idx.msk $0xffff, v18;
	v18 =	vld [tilespmem:s14+$0xFFFFFFB0];
	s14 =	smov.u32 s15;
	s15 =	sadd.s32 $0x100, s15  }
0x177: {  	v26 =	vmov s5;
	v10 =	vmovc v28;
	v20 =	vadd.s32 v3, v30;
	s17 =	sadd.s32 $0x4, s17;
	v23 =	vld [tilespmem:s15+$0x40];
	v25 =	vadd.f32 v33, v6;
	[tilespmem:v34+s23+$0x0] =	vst.idx.msk $0xffff, v27  }
0x178: {  	s5 =	sadd.s32 $0x1, s16  }
0x179: {  	v26 =	vand.u32 $0x7F, v26;
	s17 =	sadd.s32 $0x2, s16;
	v28 =	vld [tilespmem:s15+$0xFFFFFFC0];
	v27 =	vmov s5  }
0x17a: {  	v31 =	vld [tilespmem:s15+$0x0];
	v29 =	vadd.s32 v0, v26;
	v30 =	vmov s17;
	v27 =	vand.u32 $0x7D, v27  }
0x17b: {  	v32 =	vld [tilespmem:s15+$0xFFFFFF80];
	v30 =	vand.u32 $0x7E, v30;
	v33 =	vadd.s32 v0, v27  }
0x17c: {  	v34 =	vadd.s32 v0, v30  }
0x17d: {  	[tilespmem:v22+s23+$0x0] =	vst.idx.msk $0xffff, v24;
	v44 =	vadd.s32 v0, v13;
	v23 =	vadd.f32 v23, v9  }
0x17e: {  	[tilespmem:v21+s23+$0x0] =	vst.idx.msk $0xffff, v25;
	v45 =	vadd.f32 v28, v9  }
0x17f: {  	v46 =	vadd.f32 v31, v9;
	[tilespmem:v29+s23+$0x0] =	vst.idx.msk $0xffff, v23  }
0x180: {  	v47 =	vadd.f32 v32, v9;
	v48 =	vld [tilespmem:s15+$0x50];
	[tilespmem:v33+s23+$0x0] =	vst.idx.msk $0xffff, v45  }
0x181: {  	v17 =	vadd.f32 v17, v6;
	v12 =	vadd.s32 v3, v12;
	[tilespmem:v34+s23+$0x0] =	vst.idx.msk $0xffff, v46;
	v21 =	vld [tilespmem:s15+$0xFFFFFFD0]  }
0x182: {  	v16 =	vadd.f32 v16, v4;
	v49 =	vadd.s32 v1, v26;
	[tilespmem:v44+s23+$0x0] =	vst.idx.msk $0xffff, v47;
	v50 =	vld [tilespmem:s15+$0x10]  }
0x183: {  	[tilespmem:v14+s23+$0x0] =	vst.idx.msk $0xffff, v17;
	v51 =	vadd.f32 v15, v4;
	v53 =	vadd.s32 v1, v27;
	v52 =	vld [tilespmem:s15+$0xFFFFFF90]  }
0x184: {  	v54 =	vld [tilespmem:s14+$0x60];
	v18 =	vadd.f32 v18, v4;
	[tilespmem:v19+s23+$0x0] =	vst.idx.msk $0xffff, v16;
	v55 =	vadd.s32 v1, v30  }
0x185: {  	v57 =	vadd.s32 v1, v13;
	v60 =	vld [tilespmem:s14+$0x20];
	[tilespmem:v20+s23+$0x0] =	vst.idx.msk $0xffff, v51;
	v58 =	vadd.f32 v48, v6  }
0x186: {  	v59 =	vadd.s32 v2, v7;
	v56 =	vld [tilespmem:s14+$0xFFFFFFE0];
	[tilespmem:v12+s23+$0x0] =	vst.idx.msk $0xffff, v18;
	v61 =	vadd.f32 v21, v6  }
0x187: {  	v62 =	vld [tilespmem:s14+$0xFFFFFFA0];
	v29 =	vadd.s32 v2, v11;
	[tilespmem:v49+s23+$0x0] =	vst.idx.msk $0xffff, v58;
	v28 =	vadd.f32 v50, v6  }
0x188: {  	v63 =	vadd.s32 v2, v10;
	v31 =	vadd.f32 v52, v6;
	v32 =	vld [tilespmem:s15+$0x60];
	[tilespmem:v53+s23+$0x0] =	vst.idx.msk $0xffff, v61  }
0x189: {  	v33 =	vadd.f32 v54, v5;
	v34 =	vadd.s32 v2, v8;
	[tilespmem:v55+s23+$0x0] =	vst.idx.msk $0xffff, v28;
	v35 =	vld [tilespmem:s15+$0xFFFFFFE0]  }
0x18a: {  	v37 =	vadd.s32 v2, v26;
	v39 =	vadd.f32 v60, v5;
	[tilespmem:v57+s23+$0x0] =	vst.idx.msk $0xffff, v31;
	v38 =	vld [tilespmem:s15+$0x20]  }
0x18b: {  	v41 =	vadd.s32 v2, v27;
	v36 =	vadd.f32 v56, v5;
	[tilespmem:v59+s23+$0x0] =	vst.idx.msk $0xffff, v33;
	v40 =	vld [tilespmem:s15+$0xFFFFFFA0]  }
0x18c: {  	v43 =	vadd.s32 v2, v30;
	v18 =	vadd.f32 v62, v5;
	v42 =	vld [tilespmem:s14+$0x70];
	[tilespmem:v29+s23+$0x0] =	vst.idx.msk $0xffff, v39  }
0x18d: {  	v45 =	vadd.s32 v2, v13;
	[tilespmem:v63+s23+$0x0] =	vst.idx.msk $0xffff, v36;
	v47 =	vld [tilespmem:s14+$0x30];
	v44 =	vadd.f32 v32, v5  }
0x18e: {  	v46 =	vadd.s32 v3, v7;
	[tilespmem:v34+s23+$0x0] =	vst.idx.msk $0xffff, v18;
	v21 =	vld [tilespmem:s14+$0xFFFFFFF0];
	v9 =	vadd.f32 v35, v5  }
0x18f: {  	v18 =	vld [tilespmem:s14+$0xFFFFFFB0];
	v50 =	vadd.s32 v3, v11;
	[tilespmem:v37+s23+$0x0] =	vst.idx.msk $0xffff, v44;
	v49 =	vadd.f32 v38, v5  }
0x190: {  	v48 =	vadd.s32 v3, v10;
	v5 =	vadd.f32 v40, v5;
	v12 =	vld [tilespmem:s15+$0x70];
	[tilespmem:v41+s23+$0x0] =	vst.idx.msk $0xffff, v9  }
0x191: {  	v52 =	vadd.s32 v3, v8;
	v51 =	vadd.f32 v42, v4;
	[tilespmem:v43+s23+$0x0] =	vst.idx.msk $0xffff, v49;
	v53 =	vld [tilespmem:s15+$0xFFFFFFF0]  }
0x192: {  	v55 =	vadd.s32 v3, v26;
	v56 =	vadd.f32 v47, v4;
	[tilespmem:v45+s23+$0x0] =	vst.idx.msk $0xffff, v5;
	v5 =	vld [tilespmem:s15+$0x30]  }
0x193: {  	v58 =	vadd.s32 v3, v27;
	[tilespmem:v46+s23+$0x0] =	vst.idx.msk $0xffff, v51;
	v54 =	vadd.f32 v21, v4;
	v57 =	vld [tilespmem:s15+$0xFFFFFFB0]  }
0x194: {  	v60 =	vadd.s32 v3, v30;
	v59 =	vadd.f32 v18, v4;
	[tilespmem:v50+s23+$0x0] =	vst.idx.msk $0xffff, v56  }
0x195: {  	v62 =	vadd.s32 v3, v13;
	[tilespmem:v48+s23+$0x0] =	vst.idx.msk $0xffff, v54;
	v61 =	vadd.f32 v12, v4  }
0x196: {  	[tilespmem:v52+s23+$0x0] =	vst.idx.msk $0xffff, v59;
	v63 =	vadd.f32 v53, v4  }
0x197: {  	[tilespmem:v55+s23+$0x0] =	vst.idx.msk $0xffff, v61;
	v5 =	vadd.f32 v5, v4  }
0x198: {  	v4 =	vadd.f32 v57, v4;
	[tilespmem:v58+s23+$0x0] =	vst.idx.msk $0xffff, v63  }
0x199: {  	s16 =	sshll.u32 s12, $0x7;
	[tilespmem:v60+s23+$0x0] =	vst.idx.msk $0xffff, v5  }
0x19a: {  	s5 =	sadd.s32 @!p1 $0x300, s9;
	s14 =	simm.s32 @!p1 $0x80;
	s15 =	simm.s32 @!p1 $0xD600;
	[tilespmem:v62+s23+$0x0] =	vst.idx.msk $0xffff, v4  }
0x19b: {  	[tilespmem:s15], [sflag:$0x3] =	stream.indirect.gather @!p1 [hbm4b:s4+s14], $0x40, s5, s14, $0xb8;
	[tilespmem:$0x19E00] =	vst v63  }
0x19c: {  	s17 =	sshll.u32 s13, $0x12;
	s5 =	sand.u32 $0x7C00, s16  }
0x19d: {  	s5 =	sor.u32 s5, s17  }
0x19e: {  	s5 =	sshrl.u32 s5, $0x3  }
0x19f: {  	s13 =	simm.s32 $0x15A00;
	s5 =	sadd.s32 s2, s5  }
0x1a0: {  	[hbm4b:s5+s3] =	stream.linear.scatter [tilespmem:s13], [sflag:$0x7], $0x80, $0x38;
	[tilespmem:$0x19E00] =	vst v63  }
0x1a1: {  	s14 =	simm.s32 $0x15A88;
	s15 =	sadd.s32 $0x10, s5  }
0x1a2: {  	[hbm4b:s15+s3] =	stream.linear.scatter [tilespmem:s14], [sflag:$0x7], $0x80, $0x38;
	[tilespmem:$0x19E00] =	vst v63  }
0x1a3: {  	s16 =	simm.s32 $0x15B10;
	s17 =	sadd.s32 $0x20, s5  }
0x1a4: {  	[hbm4b:s17+s3] =	stream.linear.scatter [tilespmem:s16], [sflag:$0x7], $0x80, $0x38;
	[tilespmem:$0x19E00] =	vst v63  }
0x1a5: {  	s14 =	simm.s32 $0x15B98;
	s15 =	sadd.s32 $0x30, s5  }
0x1a6: {  	[hbm4b:s15+s3] =	stream.linear.scatter [tilespmem:s14], [sflag:$0x7], $0x80, $0x38;
	[tilespmem:$0x19E00] =	vst v63  }
0x1a7: {  	s16 =	simm.s32 $0x15C20;
	s17 =	sadd.s32 $0x40, s5  }
0x1a8: {  	[hbm4b:s17+s3] =	stream.linear.scatter [tilespmem:s16], [sflag:$0x7], $0x80, $0x38;
	[tilespmem:$0x19E00] =	vst v63  }
0x1a9: {  	s12 =	simm.s32 $0x440;
	s14 =	simm.s32 $0x15CA8;
	s15 =	sadd.s32 $0x50, s5  }
0x1aa: {  	[hbm4b:s15+s3] =	stream.linear.scatter [tilespmem:s14], [sflag:$0x7], $0x80, $0x38;
	[tilespmem:$0x19E00] =	vst v63  }
0x1ab: {  	s13 =	sadd.s32 $0x1000, s5;
	s16 =	simm.s32 $0x15D30;
	s17 =	sadd.s32 $0x60, s5  }
0x1ac: {  	[hbm4b:s17+s3] =	stream.linear.scatter [tilespmem:s16], [sflag:$0x7], $0x80, $0x38;
	[tilespmem:$0x19E00] =	vst v63  }
0x1ad: {  	s14 =	simm.s32 $0x2200;
	s15 =	simm.s32 $0x15DB8;
	s16 =	sadd.s32 $0x70, s5  }
.LBB2_13:
0x1ae: {  	[hbm4b:s16+s3] =	stream.linear.scatter [tilespmem:s15], [sflag:$0x7], $0x80, $0x38;
	[tilespmem:$0x19E00] =	vst v63  }
0x1af: {  	s5 =	smov.u32 s12;
	s12 =	smov.u32 s14  }
0x1b0: {  	s17 =	sadd.s32 $0x1100, s14;
	s12 =	sshra.s32 s12, $0x2;
	s15 =	sadd.s32 $0x15A00, s5  }
0x1b1: {  	[hbm4b:s13+s3] =	stream.linear.scatter [tilespmem:s15], [sflag:$0x7], $0x80, $0x38;
	[tilespmem:$0x19E00] =	vst v63  }
0x1b2: {  	p2 =	sne.s32 s14, $0x7700;
	s14 =	sadd.s32 $0x15A88, s5;
	s15 =	sadd.s32 $0x10, s13  }
0x1b3: {  	[hbm4b:s15+s3] =	stream.linear.scatter [tilespmem:s14], [sflag:$0x7], $0x80, $0x38;
	[tilespmem:$0x19E00] =	vst v63  }
0x1b4: {  	s14 =	sadd.s32 $0x15B10, s5;
	s15 =	sadd.s32 $0x20, s13  }
0x1b5: {  	[hbm4b:s15+s3] =	stream.linear.scatter [tilespmem:s14], [sflag:$0x7], $0x80, $0x38;
	[tilespmem:$0x19E00] =	vst v63  }
0x1b6: {  	s14 =	sadd.s32 $0x15B98, s5;
	s15 =	sadd.s32 $0x30, s13  }
0x1b7: {  	[hbm4b:s15+s3] =	stream.linear.scatter [tilespmem:s14], [sflag:$0x7], $0x80, $0x38;
	[tilespmem:$0x19E00] =	vst v63  }
0x1b8: {  	s14 =	sadd.s32 $0x15C20, s5;
	s15 =	sadd.s32 $0x40, s13  }
0x1b9: {  	[hbm4b:s15+s3] =	stream.linear.scatter [tilespmem:s14], [sflag:$0x7], $0x80, $0x38;
	[tilespmem:$0x19E00] =	vst v63  }
.Ltmp5:
0x1ba: {  	s14 =	sadd.s32 $0x15CA8, s5;
	s15 =	sadd.s32 $0x50, s13;
	(pc) =	sbr.rel @p2 .LBB2_13-.Ltmp5, $4  }
0x1bb: {  	[hbm4b:s15+s3] =	stream.linear.scatter [tilespmem:s14], [sflag:$0x7], $0x80, $0x38;
	[tilespmem:$0x19E00] =	vst v63  }
0x1bc: {  	s16 =	sadd.s32 $0x70, s13;
	s14 =	sadd.s32 $0x15D30, s5;
	s15 =	sadd.s32 $0x60, s13  }
0x1bd: {  	[hbm4b:s15+s3] =	stream.linear.scatter [tilespmem:s14], [sflag:$0x7], $0x80, $0x38;
	[tilespmem:$0x19E00] =	vst v63  }
0x1be: {  	s13 =	sadd.s32 $0x1000, s13;
	s15 =	sadd.s32 $0x15DB8, s5;
	s14 =	smov.u32 s17  }
0x1bf: {  	[hbm4b:s16+s3] =	stream.linear.scatter [tilespmem:s15], [sflag:$0x7], $0x80, $0x38;
	[tilespmem:$0x19E00] =	vst v63  }
0x1c0: {  	s5 =	sadd.s32 $0x15A00, s12  }
0x1c1: {  	[hbm4b:s13+s3] =	stream.linear.scatter [tilespmem:s5], [sflag:$0x7], $0x80, $0x38;
	[tilespmem:$0x19E00] =	vst v63  }
0x1c2: {  	s15 =	sadd.s32 $0x15A88, s12;
	s14 =	sadd.s32 $0x10, s13  }
0x1c3: {  	[hbm4b:s14+s3] =	stream.linear.scatter [tilespmem:s15], [sflag:$0x7], $0x80, $0x38;
	[tilespmem:$0x19E00] =	vst v63  }
0x1c4: {  	s16 =	sadd.s32 $0x15B10, s12;
	s17 =	sadd.s32 $0x20, s13  }
0x1c5: {  	[hbm4b:s17+s3] =	stream.linear.scatter [tilespmem:s16], [sflag:$0x7], $0x80, $0x38;
	[tilespmem:$0x19E00] =	vst v63  }
0x1c6: {  	s14 =	sadd.s32 $0x15B98, s12;
	s15 =	sadd.s32 $0x30, s13  }
0x1c7: {  	[hbm4b:s15+s3] =	stream.linear.scatter [tilespmem:s14], [sflag:$0x7], $0x80, $0x38;
	[tilespmem:$0x19E00] =	vst v63  }
0x1c8: {  	s16 =	sadd.s32 $0x15C20, s12;
	s17 =	sadd.s32 $0x40, s13  }
0x1c9: {  	[hbm4b:s17+s3] =	stream.linear.scatter [tilespmem:s16], [sflag:$0x7], $0x80, $0x38;
	[tilespmem:$0x19E00] =	vst v63  }
0x1ca: {  	s14 =	sadd.s32 $0x15CA8, s12;
	s15 =	sadd.s32 $0x50, s13  }
0x1cb: {  	[hbm4b:s15+s3] =	stream.linear.scatter [tilespmem:s14], [sflag:$0x7], $0x80, $0x38;
	[tilespmem:$0x19E00] =	vst v63  }
0x1cc: {  	s16 =	sadd.s32 $0x15D30, s12;
	s17 =	sadd.s32 $0x60, s13  }
0x1cd: {  	[hbm4b:s17+s3] =	stream.linear.scatter [tilespmem:s16], [sflag:$0x7], $0x80, $0x38;
	[tilespmem:$0x19E00] =	vst v63  }
0x1ce: {  	s12 =	sadd.s32 $0x15DB8, s12;
	s14 =	sadd.s32 $0x70, s13;
	s15 =	sor.u32 $0x3, s1  }
0x1cf: {  	[hbm4b:s14+s3] =	stream.linear.scatter [tilespmem:s12], [sflag:$0x7], $0x80, $0x38;
	[tilespmem:$0x19E00] =	vst v63  }
0x1d0: {  	s1 =	sadd.s32 s6, s15;
	_ =	swait.ge [sflag:s24], $0x2000  }
0x1d1: {  	s13 =	simm.s32 @!p0 $0x8;
	s16 =	sshrl.u32 s1, $0x5;
	[sflag:s24] =	ssyncset.done $0x0  }
0x1d2: {  	s5 =	sand.u32 $0x7, s15;
	s12 =	sand.u32 $0x3FFFFF8, s16;
	[sflag:s24] =	ssyncadd.s32 $0xFFFFE000  }
0x1d3: {  	s12 =	sor.u32 s5, s12;
	_ =	swait.ge @!p0 [sflag:s13], $0x2000  }
0x1d4: {  	s5 =	sshll.u32 s12, $0x8;
	[sflag:s13] =	ssyncset.done @!p0 $0x0  }
0x1d5: {  	s5 =	sshra.s32 s5, $0x2;
	[sflag:s13] =	ssyncadd.s32 @!p0 $0xFFFFE000  }
0x1d6: {  	s17 =	simm.s32 $0x3;
	s16 =	simm.s32 $0xF680;
	v9 =	vld [tilespmem:s5+$0x6400]  }
0x1d7: {  	v4 =	vmov s17;
	v7 =	vld [tilespmem:s16+$0x40]  }
0x1d8: {  	v13 =	vand.u32 $0x7F, v4  }
0x1d9: {  	s14 =	simm.s32 $0x0;
	v8 =	vadd.s32 v0, v13;
	v6 =	vld [tilespmem:s5+$0x6410]  }
0x1da: {  	s15 =	simm.s32 $0x1;
	s17 =	simm.s32 $0x2;
	v4 =	vmov s14;
	v10 =	vld [tilespmem:s16+$0xFFFFFF80]  }
0x1db: {  	v14 =	vmov s17;
	v12 =	vand.u32 $0x7C, v4;
	v4 =	vmov s15;
	v11 =	vld [tilespmem:s16+$0xFFFFFFC0]  }
0x1dc: {  	v15 =	vadd.s32 v0, v12;
	v19 =	vand.u32 $0x7D, v4;
	v16 =	vld [tilespmem:s16+$0x0];
	v7 =	vadd.f32 v7, v9  }
0x1dd: {  	v20 =	vand.u32 $0x7E, v14;
	v17 =	vadd.s32 v0, v19;
	v5 =	vld [tilespmem:s5+$0x6420]  }
0x1de: {  	v14 =	vadd.s32 v0, v20;
	v4 =	vld [tilespmem:s5+$0x6430];
	[tilespmem:v8+s25+$0x0] =	vst.idx.msk $0xffff, v7  }
0x1df: {  	v7 =	vadd.f32 v10, v9;
	v8 =	vld [tilespmem:s16+$0x50]  }
0x1e0: {  	v10 =	vadd.f32 v11, v9  }
0x1e1: {  	v11 =	vadd.s32 v1, v13;
	[tilespmem:v15+s25+$0x0] =	vst.idx.msk $0xffff, v7;
	v7 =	vadd.f32 v16, v9  }
0x1e2: {  	[tilespmem:v17+s25+$0x0] =	vst.idx.msk $0xffff, v10;
	v15 =	vld [tilespmem:s16+$0xFFFFFF90]  }
0x1e3: {  	v10 =	vld [tilespmem:s16+$0xFFFFFFD0];
	[tilespmem:v14+s25+$0x0] =	vst.idx.msk $0xffff, v7  }
0x1e4: {  	v14 =	vld [tilespmem:s16+$0x10];
	v7 =	vadd.f32 v8, v6  }
0x1e5: {  	s17 =	simm.s32 $0x7;
	s13 =	simm.s32 $0xF780;
	v16 =	vadd.s32 v1, v19  }
0x1e6: {  	v26 =	vadd.s32 v2, v13;
	s15 =	simm.s32 $0x4;
	v18 =	vld [tilespmem:s13+$0x40];
	v17 =	vadd.s32 v1, v20;
	[tilespmem:v11+s25+$0x0] =	vst.idx.msk $0xffff, v7;
	v7 =	vmov s17  }
0x1e7: {  	v21 =	vadd.s32 v1, v12;
	v8 =	vmov s15;
	v7 =	vand.u32 $0x7F, v7;
	v22 =	vld [tilespmem:s16+$0x60]  }
0x1e8: {  	s14 =	simm.s32 $0x5;
	v23 =	vld [tilespmem:s13+$0xFFFFFF80];
	v8 =	vand.u32 $0x7C, v8;
	v10 =	vadd.f32 v10, v6;
	v24 =	vadd.s32 v0, v7  }
0x1e9: {  	v25 =	vld [tilespmem:s13+$0xFFFFFFC0];
	s15 =	simm.s32 $0x6;
	v15 =	vadd.f32 v15, v6;
	v11 =	vadd.f32 v14, v6;
	v14 =	vmov s14  }
0x1ea: {  	v27 =	vadd.s32 v0, v8;
	[tilespmem:v16+s25+$0x0] =	vst.idx.msk $0xffff, v10;
	v16 =	vmov s15;
	v10 =	vand.u32 $0x7D, v14;
	v14 =	vld [tilespmem:s13+$0x0]  }
0x1eb: {  	[tilespmem:v17+s25+$0x0] =	vst.idx.msk $0xffff, v11;
	v17 =	vadd.s32 v0, v10;
	v11 =	vand.u32 $0x7E, v16;
	v16 =	vadd.f32 v18, v9;
	v18 =	vld [tilespmem:s16+$0xFFFFFFE0]  }
0x1ec: {  	[tilespmem:v21+s25+$0x0] =	vst.idx.msk $0xffff, v15;
	v15 =	vadd.s32 v0, v11;
	v21 =	vld [tilespmem:s16+$0x20];
	v22 =	vadd.f32 v22, v5  }
0x1ed: {  	v23 =	vadd.f32 v23, v9;
	[tilespmem:v24+s25+$0x0] =	vst.idx.msk $0xffff, v16;
	v16 =	vld [tilespmem:s16+$0xFFFFFFA0];
	v24 =	vadd.s32 v2, v19  }
0x1ee: {  	v29 =	vadd.s32 v2, v20;
	v25 =	vadd.f32 v25, v9;
	v28 =	vld [tilespmem:s13+$0x50];
	[tilespmem:v26+s25+$0x0] =	vst.idx.msk $0xffff, v22  }
0x1ef: {  	[tilespmem:v27+s25+$0x0] =	vst.idx.msk $0xffff, v23;
	v23 =	vadd.s32 v2, v12;
	v14 =	vadd.f32 v14, v9;
	v26 =	vld [tilespmem:s16+$0x70]  }
0x1f0: {  	v27 =	vld [tilespmem:s13+$0xFFFFFF90];
	[tilespmem:v17+s25+$0x0] =	vst.idx.msk $0xffff, v25;
	v25 =	vadd.s32 v1, v7;
	v18 =	vadd.f32 v18, v5  }
0x1f1: {  	v31 =	vadd.s32 v3, v13;
	v30 =	vld [tilespmem:s13+$0xFFFFFFD0];
	[tilespmem:v15+s25+$0x0] =	vst.idx.msk $0xffff, v14;
	v14 =	vadd.f32 v21, v5  }
0x1f2: {  	v22 =	vadd.s32 v1, v8;
	v17 =	vld [tilespmem:s13+$0x10];
	v13 =	vadd.f32 v16, v5;
	[tilespmem:v24+s25+$0x0] =	vst.idx.msk $0xffff, v18  }
0x1f3: {  	s15 =	simm.s32 $0x8;
	v21 =	vadd.s32 v1, v10;
	[tilespmem:v29+s25+$0x0] =	vst.idx.msk $0xffff, v14;
	v18 =	vadd.f32 v28, v6;
	v16 =	vld [tilespmem:s16+$0xFFFFFFF0]  }
0x1f4: {  	v24 =	vmov s15;
	v14 =	vadd.s32 v1, v11;
	v15 =	vld [tilespmem:s16+$0x30];
	[tilespmem:v23+s25+$0x0] =	vst.idx.msk $0xffff, v13;
	v63 =	vadd.f32 v26, v4  }
0x1f5: {  	s17 =	simm.s32 $0xB;
	s14 =	simm.s32 $0xF880;
	v19 =	vadd.s32 v3, v19;
	v13 =	vand.u32 $0x7C, v24;
	v24 =	vadd.f32 v27, v6;
	[tilespmem:v25+s25+$0x0] =	vst.idx.msk $0xffff, v18;
	v18 =	vld [tilespmem:s16+$0xFFFFFFB0]  }
0x1f6: {  	v20 =	vadd.s32 v3, v20;
	v26 =	vmov s17;
	v23 =	vld [tilespmem:s14+$0x40];
	s16 =	simm.s32 $0xC;
	v25 =	vadd.f32 v30, v6;
	[tilespmem:v31+s25+$0x0] =	vst.idx.msk $0xffff, v63  }
.LBB2_15:
0x1f7: {  	p0 =	slt.u32 s16, $0x7C;
	s5 =	sadd.s32 $0x1, s15;
	v26 =	vand.u32 $0x7F, v26;
	[tilespmem:v22+s25+$0x0] =	vst.idx.msk $0xffff, v24;
	v17 =	vadd.f32 v17, v6;
	v22 =	vld [tilespmem:s13+$0x60];
	v24 =	vadd.s32 v3, v12  }
0x1f8: {  	v30 =	vmovc v11;
	v27 =	vld [tilespmem:s14+$0xFFFFFF80];
	v28 =	vmov s5;
	s5 =	sadd.s32 $0x2, s15;
	v29 =	vadd.s32 v0, v26;
	[tilespmem:v21+s25+$0x0] =	vst.idx.msk $0xffff, v25;
	v16 =	vadd.f32 v16, v4;
	s15 =	smov.u32 s16  }
0x1f9: {  	v12 =	vmovc v8;
	v21 =	vld [tilespmem:s14+$0xFFFFFFC0];
	v11 =	vmov s5;
	[tilespmem:v14+s25+$0x0] =	vst.idx.msk $0xffff, v17;
	v14 =	vadd.s32 v2, v7;
	v15 =	vadd.f32 v15, v4  }
0x1fa: {  	v17 =	vadd.s32 v0, v13;
	v28 =	vand.u32 $0x7D, v28;
	v25 =	vld [tilespmem:s14+$0x0];
	v31 =	vadd.f32 v18, v4;
	[tilespmem:v19+s25+$0x0] =	vst.idx.msk $0xffff, v16  }
0x1fb: {  	v16 =	vadd.s32 v0, v28;
	v11 =	vand.u32 $0x7E, v11;
	v18 =	vadd.f32 v23, v9;
	v19 =	vld [tilespmem:s13+$0xFFFFFFE0];
	[tilespmem:v20+s25+$0x0] =	vst.idx.msk $0xffff, v15  }
0x1fc: {  	v8 =	vmov v13;
	v15 =	vadd.s32 v0, v11;
	v20 =	vld [tilespmem:s13+$0x20];
	v22 =	vadd.f32 v22, v5;
	[tilespmem:v24+s25+$0x0] =	vst.idx.msk $0xffff, v31  }
0x1fd: {  	v23 =	vadd.s32 v2, v10;
	v13 =	vadd.f32 v27, v9;
	[tilespmem:v29+s25+$0x0] =	vst.idx.msk $0xffff, v18;
	v18 =	vld [tilespmem:s13+$0xFFFFFFA0]  }
0x1fe: {  	v27 =	vadd.s32 v2, v30;
	v21 =	vadd.f32 v21, v9;
	v24 =	vld [tilespmem:s14+$0x50];
	[tilespmem:v14+s25+$0x0] =	vst.idx.msk $0xffff, v22  }
0x1ff: {  	[tilespmem:v17+s25+$0x0] =	vst.idx.msk $0xffff, v13;
	v13 =	vadd.f32 v25, v9;
	v25 =	vadd.s32 v2, v12;
	v29 =	vld [tilespmem:s13+$0x70]  }
0x200: {  	v32 =	vadd.s32 v1, v26;
	v31 =	vld [tilespmem:s14+$0xFFFFFF90];
	[tilespmem:v16+s25+$0x0] =	vst.idx.msk $0xffff, v21;
	v14 =	vadd.f32 v19, v5  }
0x201: {  	v34 =	vadd.s32 v3, v7;
	v7 =	vmov v26;
	v33 =	vld [tilespmem:s14+$0xFFFFFFD0];
	[tilespmem:v15+s25+$0x0] =	vst.idx.msk $0xffff, v13;
	v13 =	vadd.f32 v20, v5  }
.Ltmp6:
0x202: {  	v22 =	vadd.s32 v1, v8;
	v17 =	vld [tilespmem:s14+$0x10];
	v15 =	vadd.f32 v18, v5;
	[tilespmem:v23+s25+$0x0] =	vst.idx.msk $0xffff, v14;
	(pc) =	sbr.rel @p0 .LBB2_15-.Ltmp6, $4  }
0x203: {  	v21 =	vadd.s32 v1, v28;
	v18 =	vadd.f32 v24, v6;
	v16 =	vld [tilespmem:s13+$0xFFFFFFF0];
	[tilespmem:v27+s25+$0x0] =	vst.idx.msk $0xffff, v13  }
0x204: {  	v14 =	vadd.s32 v1, v11;
	v13 =	vmov s16;
	[tilespmem:v25+s25+$0x0] =	vst.idx.msk $0xffff, v15;
	v15 =	vld [tilespmem:s13+$0x30];
	v27 =	vadd.f32 v29, v4  }
0x205: {  	s5 =	sadd.s32 $0x3, s16;
	v19 =	vadd.s32 v3, v10;
	v13 =	vand.u32 $0x7C, v13;
	v24 =	vadd.f32 v31, v6;
	[tilespmem:v32+s25+$0x0] =	vst.idx.msk $0xffff, v18;
	v18 =	vld [tilespmem:s13+$0xFFFFFFB0];
	s13 =	smov.u32 s14;
	s14 =	sadd.s32 $0x100, s14  }
0x206: {  	v26 =	vmov s5;
	v10 =	vmovc v28;
	v20 =	vadd.s32 v3, v30;
	s16 =	sadd.s32 $0x4, s16;
	v23 =	vld [tilespmem:s14+$0x40];
	v25 =	vadd.f32 v33, v6;
	[tilespmem:v34+s25+$0x0] =	vst.idx.msk $0xffff, v27  }
0x207: {  	s5 =	sadd.s32 $0x1, s15  }
0x208: {  	v26 =	vand.u32 $0x7F, v26;
	s16 =	sadd.s32 $0x2, s15;
	v28 =	vld [tilespmem:s14+$0xFFFFFFC0];
	v27 =	vmov s5  }
0x209: {  	v31 =	vld [tilespmem:s14+$0x0];
	v29 =	vadd.s32 v0, v26;
	v30 =	vmov s16;
	v27 =	vand.u32 $0x7D, v27  }
0x20a: {  	v32 =	vld [tilespmem:s14+$0xFFFFFF80];
	v30 =	vand.u32 $0x7E, v30;
	v33 =	vadd.s32 v0, v27  }
0x20b: {  	v34 =	vadd.s32 v0, v30  }
0x20c: {  	[tilespmem:v22+s25+$0x0] =	vst.idx.msk $0xffff, v24;
	v44 =	vadd.s32 v0, v13;
	v23 =	vadd.f32 v23, v9  }
0x20d: {  	[tilespmem:v21+s25+$0x0] =	vst.idx.msk $0xffff, v25;
	v45 =	vadd.f32 v28, v9  }
0x20e: {  	v46 =	vadd.f32 v31, v9;
	[tilespmem:v29+s25+$0x0] =	vst.idx.msk $0xffff, v23  }
0x20f: {  	v47 =	vadd.f32 v32, v9;
	v48 =	vld [tilespmem:s14+$0x50];
	[tilespmem:v33+s25+$0x0] =	vst.idx.msk $0xffff, v45  }
0x210: {  	v17 =	vadd.f32 v17, v6;
	v12 =	vadd.s32 v3, v12;
	[tilespmem:v34+s25+$0x0] =	vst.idx.msk $0xffff, v46;
	v21 =	vld [tilespmem:s14+$0xFFFFFFD0]  }
0x211: {  	v16 =	vadd.f32 v16, v4;
	v49 =	vadd.s32 v1, v26;
	[tilespmem:v44+s25+$0x0] =	vst.idx.msk $0xffff, v47;
	v50 =	vld [tilespmem:s14+$0x10]  }
0x212: {  	[tilespmem:v14+s25+$0x0] =	vst.idx.msk $0xffff, v17;
	v51 =	vadd.f32 v15, v4;
	v53 =	vadd.s32 v1, v27;
	v52 =	vld [tilespmem:s14+$0xFFFFFF90]  }
0x213: {  	v54 =	vld [tilespmem:s13+$0x60];
	v18 =	vadd.f32 v18, v4;
	[tilespmem:v19+s25+$0x0] =	vst.idx.msk $0xffff, v16;
	v55 =	vadd.s32 v1, v30  }
0x214: {  	v57 =	vadd.s32 v1, v13;
	v60 =	vld [tilespmem:s13+$0x20];
	[tilespmem:v20+s25+$0x0] =	vst.idx.msk $0xffff, v51;
	v58 =	vadd.f32 v48, v6  }
0x215: {  	v59 =	vadd.s32 v2, v7;
	v56 =	vld [tilespmem:s13+$0xFFFFFFE0];
	[tilespmem:v12+s25+$0x0] =	vst.idx.msk $0xffff, v18;
	v61 =	vadd.f32 v21, v6  }
0x216: {  	v62 =	vld [tilespmem:s13+$0xFFFFFFA0];
	v29 =	vadd.s32 v2, v11;
	[tilespmem:v49+s25+$0x0] =	vst.idx.msk $0xffff, v58;
	v28 =	vadd.f32 v50, v6  }
0x217: {  	v63 =	vadd.s32 v2, v10;
	v31 =	vadd.f32 v52, v6;
	v32 =	vld [tilespmem:s14+$0x60];
	[tilespmem:v53+s25+$0x0] =	vst.idx.msk $0xffff, v61  }
0x218: {  	v33 =	vadd.f32 v54, v5;
	v34 =	vadd.s32 v2, v8;
	[tilespmem:v55+s25+$0x0] =	vst.idx.msk $0xffff, v28;
	v35 =	vld [tilespmem:s14+$0xFFFFFFE0]  }
0x219: {  	v37 =	vadd.s32 v2, v26;
	v39 =	vadd.f32 v60, v5;
	[tilespmem:v57+s25+$0x0] =	vst.idx.msk $0xffff, v31;
	v38 =	vld [tilespmem:s14+$0x20]  }
0x21a: {  	v41 =	vadd.s32 v2, v27;
	v36 =	vadd.f32 v56, v5;
	[tilespmem:v59+s25+$0x0] =	vst.idx.msk $0xffff, v33;
	v40 =	vld [tilespmem:s14+$0xFFFFFFA0]  }
0x21b: {  	v43 =	vadd.s32 v2, v30;
	v18 =	vadd.f32 v62, v5;
	v42 =	vld [tilespmem:s13+$0x70];
	[tilespmem:v29+s25+$0x0] =	vst.idx.msk $0xffff, v39  }
0x21c: {  	v45 =	vadd.s32 v2, v13;
	[tilespmem:v63+s25+$0x0] =	vst.idx.msk $0xffff, v36;
	v47 =	vld [tilespmem:s13+$0x30];
	v44 =	vadd.f32 v32, v5  }
0x21d: {  	v46 =	vadd.s32 v3, v7;
	[tilespmem:v34+s25+$0x0] =	vst.idx.msk $0xffff, v18;
	v21 =	vld [tilespmem:s13+$0xFFFFFFF0];
	v9 =	vadd.f32 v35, v5  }
0x21e: {  	v18 =	vld [tilespmem:s13+$0xFFFFFFB0];
	v50 =	vadd.s32 v3, v11;
	[tilespmem:v37+s25+$0x0] =	vst.idx.msk $0xffff, v44;
	v49 =	vadd.f32 v38, v5  }
0x21f: {  	v48 =	vadd.s32 v3, v10;
	v5 =	vadd.f32 v40, v5;
	v12 =	vld [tilespmem:s14+$0x70];
	[tilespmem:v41+s25+$0x0] =	vst.idx.msk $0xffff, v9  }
0x220: {  	v52 =	vadd.s32 v3, v8;
	v51 =	vadd.f32 v42, v4;
	[tilespmem:v43+s25+$0x0] =	vst.idx.msk $0xffff, v49;
	v53 =	vld [tilespmem:s14+$0xFFFFFFF0]  }
0x221: {  	v55 =	vadd.s32 v3, v26;
	v56 =	vadd.f32 v47, v4;
	[tilespmem:v45+s25+$0x0] =	vst.idx.msk $0xffff, v5;
	v5 =	vld [tilespmem:s14+$0x30]  }
0x222: {  	v58 =	vadd.s32 v3, v27;
	[tilespmem:v46+s25+$0x0] =	vst.idx.msk $0xffff, v51;
	v54 =	vadd.f32 v21, v4;
	v57 =	vld [tilespmem:s14+$0xFFFFFFB0]  }
0x223: {  	v60 =	vadd.s32 v3, v30;
	v59 =	vadd.f32 v18, v4;
	[tilespmem:v50+s25+$0x0] =	vst.idx.msk $0xffff, v56  }
0x224: {  	v62 =	vadd.s32 v3, v13;
	[tilespmem:v48+s25+$0x0] =	vst.idx.msk $0xffff, v54;
	v61 =	vadd.f32 v12, v4  }
0x225: {  	[tilespmem:v52+s25+$0x0] =	vst.idx.msk $0xffff, v59;
	v63 =	vadd.f32 v53, v4  }
0x226: {  	s1 =	sshll.u32 s1, $0x7;
	[tilespmem:v55+s25+$0x0] =	vst.idx.msk $0xffff, v61;
	v5 =	vadd.f32 v5, v4  }
0x227: {  	s17 =	sshll.u32 s12, $0x12;
	s1 =	sand.u32 $0x7C00, s1;
	v4 =	vadd.f32 v57, v4;
	[tilespmem:v58+s25+$0x0] =	vst.idx.msk $0xffff, v63  }
0x228: {  	s5 =	sadd.s32 @!p1 $0x380, s9;
	s1 =	sor.u32 s1, s17;
	[tilespmem:v60+s25+$0x0] =	vst.idx.msk $0xffff, v5  }
0x229: {  	s9 =	simm.s32 @!p1 $0x80;
	s1 =	sshrl.u32 s1, $0x3;
	s13 =	simm.s32 @!p1 $0xF600;
	[tilespmem:v62+s25+$0x0] =	vst.idx.msk $0xffff, v4  }
0x22a: {  	[tilespmem:s13], [sflag:$0x4] =	stream.indirect.gather @!p1 [hbm4b:s4+s9], $0x40, s5, s9, $0xb8;
	[tilespmem:$0x19E00] =	vst v63  }
0x22b: {  	s5 =	sadd.s32 s2, s1;
	s9 =	simm.s32 $0x17C00  }
0x22c: {  	[hbm4b:s5+s3] =	stream.linear.scatter [tilespmem:s9], [sflag:$0x8], $0x80, $0x38;
	[tilespmem:$0x19E00] =	vst v63  }
0x22d: {  	s12 =	simm.s32 $0x17C88;
	s13 =	sadd.s32 $0x10, s5  }
0x22e: {  	[hbm4b:s13+s3] =	stream.linear.scatter [tilespmem:s12], [sflag:$0x8], $0x80, $0x38;
	[tilespmem:$0x19E00] =	vst v63  }
0x22f: {  	s16 =	simm.s32 $0x17D98;
	s14 =	simm.s32 $0x17D10;
	s15 =	sadd.s32 $0x20, s5  }
0x230: {  	[hbm4b:s15+s3] =	stream.linear.scatter [tilespmem:s14], [sflag:$0x8], $0x80, $0x38;
	[tilespmem:$0x19E00] =	vst v63  }
0x231: {  	s1 =	simm.s32 $0x440;
	s17 =	sadd.s32 $0x30, s5;
	s9 =	sadd.s32 $0x1000, s5  }
0x232: {  	[hbm4b:s17+s3] =	stream.linear.scatter [tilespmem:s16], [sflag:$0x8], $0x80, $0x38;
	[tilespmem:$0x19E00] =	vst v63  }
0x233: {  	s12 =	simm.s32 $0x17E20;
	s13 =	sadd.s32 $0x40, s5;
	s14 =	simm.s32 $0x17EA8  }
0x234: {  	[hbm4b:s13+s3] =	stream.linear.scatter [tilespmem:s12], [sflag:$0x8], $0x80, $0x38;
	[tilespmem:$0x19E00] =	vst v63  }
0x235: {  	s15 =	sadd.s32 $0x50, s5;
	s16 =	simm.s32 $0x17F30;
	s17 =	sadd.s32 $0x60, s5  }
0x236: {  	[hbm4b:s15+s3] =	stream.linear.scatter [tilespmem:s14], [sflag:$0x8], $0x80, $0x38;
	[tilespmem:$0x19E00] =	vst v63  }
0x237: {  	s12 =	simm.s32 $0x2200;
	s13 =	simm.s32 $0x17FB8;
	s14 =	sadd.s32 $0x70, s5  }
0x238: {  	[hbm4b:s17+s3] =	stream.linear.scatter [tilespmem:s16], [sflag:$0x8], $0x80, $0x38;
	[tilespmem:$0x19E00] =	vst v63  }
.LBB2_17:
0x239: {  	[hbm4b:s14+s3] =	stream.linear.scatter [tilespmem:s13], [sflag:$0x8], $0x80, $0x38;
	[tilespmem:$0x19E00] =	vst v63  }
0x23a: {  	s5 =	smov.u32 s1;
	s1 =	smov.u32 s12  }
0x23b: {  	s15 =	sadd.s32 $0x1100, s12;
	s1 =	sshra.s32 s1, $0x2;
	s13 =	sadd.s32 $0x17C00, s5  }
0x23c: {  	[hbm4b:s9+s3] =	stream.linear.scatter [tilespmem:s13], [sflag:$0x8], $0x80, $0x38;
	[tilespmem:$0x19E00] =	vst v63  }
0x23d: {  	p0 =	sne.s32 s12, $0x7700;
	s12 =	sadd.s32 $0x17C88, s5;
	s13 =	sadd.s32 $0x10, s9  }
0x23e: {  	[hbm4b:s13+s3] =	stream.linear.scatter [tilespmem:s12], [sflag:$0x8], $0x80, $0x38;
	[tilespmem:$0x19E00] =	vst v63  }
0x23f: {  	s12 =	sadd.s32 $0x17D10, s5;
	s13 =	sadd.s32 $0x20, s9  }
0x240: {  	[hbm4b:s13+s3] =	stream.linear.scatter [tilespmem:s12], [sflag:$0x8], $0x80, $0x38;
	[tilespmem:$0x19E00] =	vst v63  }
0x241: {  	s12 =	sadd.s32 $0x17D98, s5;
	s13 =	sadd.s32 $0x30, s9  }
0x242: {  	[hbm4b:s13+s3] =	stream.linear.scatter [tilespmem:s12], [sflag:$0x8], $0x80, $0x38;
	[tilespmem:$0x19E00] =	vst v63  }
0x243: {  	s12 =	sadd.s32 $0x17E20, s5;
	s13 =	sadd.s32 $0x40, s9  }
0x244: {  	[hbm4b:s13+s3] =	stream.linear.scatter [tilespmem:s12], [sflag:$0x8], $0x80, $0x38;
	[tilespmem:$0x19E00] =	vst v63  }
.Ltmp7:
0x245: {  	s12 =	sadd.s32 $0x17EA8, s5;
	s13 =	sadd.s32 $0x50, s9;
	(pc) =	sbr.rel @p0 .LBB2_17-.Ltmp7, $4  }
0x246: {  	[hbm4b:s13+s3] =	stream.linear.scatter [tilespmem:s12], [sflag:$0x8], $0x80, $0x38;
	[tilespmem:$0x19E00] =	vst v63  }
0x247: {  	s14 =	sadd.s32 $0x70, s9;
	s12 =	sadd.s32 $0x17F30, s5;
	s13 =	sadd.s32 $0x60, s9  }
0x248: {  	[hbm4b:s13+s3] =	stream.linear.scatter [tilespmem:s12], [sflag:$0x8], $0x80, $0x38;
	[tilespmem:$0x19E00] =	vst v63  }
0x249: {  	s9 =	sadd.s32 $0x1000, s9;
	s13 =	sadd.s32 $0x17FB8, s5;
	s12 =	smov.u32 s15  }
0x24a: {  	[hbm4b:s14+s3] =	stream.linear.scatter [tilespmem:s13], [sflag:$0x8], $0x80, $0x38;
	[tilespmem:$0x19E00] =	vst v63  }
0x24b: {  	s5 =	sadd.s32 $0x17C00, s1  }
0x24c: {  	[hbm4b:s9+s3] =	stream.linear.scatter [tilespmem:s5], [sflag:$0x8], $0x80, $0x38;
	[tilespmem:$0x19E00] =	vst v63  }
0x24d: {  	s17 =	sadd.s32 $0x17C88, s1;
	s12 =	sadd.s32 $0x10, s9  }
0x24e: {  	[hbm4b:s12+s3] =	stream.linear.scatter [tilespmem:s17], [sflag:$0x8], $0x80, $0x38;
	[tilespmem:$0x19E00] =	vst v63  }
0x24f: {  	s13 =	sadd.s32 $0x20, s9;
	s12 =	sadd.s32 $0x17D10, s1  }
0x250: {  	[hbm4b:s13+s3] =	stream.linear.scatter [tilespmem:s12], [sflag:$0x8], $0x80, $0x38;
	[tilespmem:$0x19E00] =	vst v63  }
0x251: {  	s14 =	sadd.s32 $0x17D98, s1;
	s15 =	sadd.s32 $0x30, s9  }
0x252: {  	[hbm4b:s15+s3] =	stream.linear.scatter [tilespmem:s14], [sflag:$0x8], $0x80, $0x38;
	[tilespmem:$0x19E00] =	vst v63  }
0x253: {  	s16 =	sadd.s32 $0x17E20, s1;
	s0 =	sadd.s32 $0x1, s0;
	s17 =	sadd.s32 $0x40, s9  }
0x254: {  	[hbm4b:s17+s3] =	stream.linear.scatter [tilespmem:s16], [sflag:$0x8], $0x80, $0x38;
	[tilespmem:$0x19E00] =	vst v63  }
0x255: {  	p0 =	sne.s32 s0, $0x32;
	s12 =	sadd.s32 $0x17EA8, s1;
	s13 =	sadd.s32 $0x50, s9  }
0x256: {  	[hbm4b:s13+s3] =	stream.linear.scatter [tilespmem:s12], [sflag:$0x8], $0x80, $0x38;
	[tilespmem:$0x19E00] =	vst v63  }
.Ltmp8:
0x257: {  	_ = 	snop;
	(pc) =	sbr.rel @p0 .LBB2_2-.Ltmp8, $4  }
0x258: {  	s14 =	sadd.s32 $0x17F30, s1;
	s15 =	sadd.s32 $0x60, s9  }
0x259: {  	[hbm4b:s15+s3] =	stream.linear.scatter [tilespmem:s14], [sflag:$0x8], $0x80, $0x38;
	[tilespmem:$0x19E00] =	vst v63  }
0x25a: {  	s16 =	sadd.s32 $0x17FB8, s1;
	s17 =	sadd.s32 $0x70, s9  }
0x25b: {  	[hbm4b:s17+s3] =	stream.linear.scatter [tilespmem:s16], [sflag:$0x8], $0x80, $0x38;
	[tilespmem:$0x19E00] =	vst v63  }
0x25c: {  	_ =	swait.ge [sflag:s26], $0x2000  }
0x25d: {  	[sflag:s26] =	ssyncset.done $0x0  }
0x25e: {  	[sflag:s26] =	ssyncadd.s32 $0xFFFFE000  }
0x25f: {  	_ =	swait.ge [sflag:s28], $0x2000  }
0x260: {  	[sflag:s28] =	ssyncset.done $0x0  }
0x261: {  	s31 =	sadd.s32 $0x1, s31;
	[sflag:s28] =	ssyncadd.s32 $0xFFFFE000  }
0x262: {  	p0 =	sne.s32 s31, s8;
	_ =	swait.ge [sflag:s29], $0x2000  }
.Ltmp9:
0x263: {  	[sflag:s29] =	ssyncset.done $0x0;
	(pc) =	sbr.rel @p0 .LBB2_1-.Ltmp9, $4  }
0x264: {  	[sflag:s29] =	ssyncadd.s32 $0xFFFFE000  }
0x265: {  	_ =	swait.ge [sflag:s30], $0x2000  }
0x266: {  	[sflag:s30] =	ssyncset.done $0x0  }
0x267: {  	[sflag:s30] =	ssyncadd.s32 $0xFFFFE000  }
0x268: {  	_ =	sfence.sel $0x180000  }
0x269: {  	[bflag:$0x0] =	sbarrier.arrive $0xFFFF  }
0x26a: {  	_ =	strace $0x90000047  }
0x26b: {  	s0 =	stileid.u32;
	[bflag:$0x2] =	sbarrier.arrive $0xFFFF  }
0x26c: {  	p0 =	sne.s32 s0, $0x0;
	s0 =	rddreg [dreg:$0x3]  }
0x26d: {  	s0 =	sadd.s32 @!p0 $0x100000, s0  }
0x26e: {  	[sflag:s0] =	ssyncadd.tile.s32 @!p0 $0x1;
	_ =	shalt  }
.Lfunc_end2:
_tile_overlayer_lowered:
.L_overlay_start_2:
0x26f: {  	(tag) =	ssettag $0x2  }
0x270: {  	s0 =	rddreg [dreg:$0x0];
	s2 =	stileid.u32  }
0x271: {  	s1 =	rddreg [dreg:$0x1];
	p0 =	sne.s32 s2, $0x0  }
0x272: {  	s3 =	rddreg [dreg:$0x2];
	[bflag:$0x3] =	sbarrier.arrive $0xFFFF;
	s2 =	simm.s32 @!p0 $0x1C09  }
0x273: {  	[timem:s3], [sflag:s2] =	dma.local @!p0 [hbm:s0], s1  }
0x274: {  	s0 =	simm.s32 @!p0 $0x9  }
0x275: {  	_ =	swait.ge @!p0 [sflag:s0], s1  }
0x276: {  	s1 =	ssub.s32 @!p0 $0x0, s1;
	[sflag:s0] =	ssyncset.done @!p0 $0x0  }
0x277: {  	[sflag:s0] =	ssyncadd.s32 @!p0 s1  }
0x278: {  	[bflag:$0x3] =	sbarrier.arrive $0xFFFF  }
0x279: {  	_ =	shalt  }

</sc_bundles>
